<compile_context>
chip_gen: v7x
topology: tpu7x:2x2x1
jax: 0.10.2.dev20260603
libtpu: 0.0.44.dev20260713+nightly
codegen_flags: <defaults>
</compile_context>

<pallas_src>
import functools

import jax
import jax.numpy as jnp
from jax import lax
from jax.experimental import pallas as pl
from jax.experimental.pallas import tpu as pltpu
from jax.experimental.pallas import tpu_sc as plsc

NUM_CORES = 2
NUM_SUBCORES = 16
NUM_WORKERS = NUM_CORES * NUM_SUBCORES

LANES = 16
TILE_W = 128
JR = 2


def _make_gather(batch: int, dim: int, vocab: int):
    b_per_w = batch // NUM_WORKERS
    n_groups = b_per_w // LANES
    mesh = plsc.VectorSubcoreMesh(core_axis_name="c", subcore_axis_name="s")

    @functools.partial(
        pl.kernel,
        mesh=mesh,
        out_type=jax.ShapeDtypeStruct((dim, batch), jnp.float32),
        scratch_types=[
            pltpu.VMEM((b_per_w,), jnp.int32),
            pltpu.VMEM((2, LANES, JR, 8, TILE_W), jnp.float32),
            pltpu.VMEM((dim, b_per_w), jnp.float32),
            pltpu.SemaphoreType.DMA,
            pltpu.SemaphoreType.DMA,
        ],
        compiler_params=pltpu.CompilerParams(
            needs_layout_passes=False,
            disable_bounds_checks=True,
            disable_semaphore_checks=True,
        ),
    )
    def gather_kernel(idx_hbm, table_hbm, out_hbm,
                      idx_v, buf_v, out_v, sem0, sem1):
        wid = lax.axis_index("s") * NUM_CORES + lax.axis_index("c")
        base = wid * b_per_w
        sems = (sem0, sem1)
        pltpu.sync_copy(idx_hbm.at[pl.ds(base, b_per_w)], idx_v)
        my_idx = idx_v

        def fire(g, slot):
            idxv = my_idx[pl.ds(g * LANES, LANES)]
            for kk in range(LANES):
                col = (idxv[kk] >> 7) * TILE_W
                pltpu.async_copy(
                    table_hbm.at[:, :, pl.ds(col, TILE_W)],
                    buf_v.at[slot, kk],
                    sems[slot],
                )

        def drain(slot):
            for kk in range(LANES):
                pltpu.make_async_copy(
                    table_hbm.at[:, :, pl.ds(0, TILE_W)],
                    buf_v.at[slot, kk],
                    sems[slot],
                ).wait()

        def extract(g, slot):
            idxv = my_idx[pl.ds(g * LANES, LANES)]
            o = idxv & (TILE_W - 1)
            lanes = lax.iota(jnp.int32, LANES)
            for j in range(dim):
                vals = plsc.load_gather(
                    buf_v.at[slot],
                    [
                        lanes,
                        jnp.full((LANES,), j // 8, jnp.int32),
                        jnp.full((LANES,), j % 8, jnp.int32),
                        o,
                    ],
                )
                out_v[j, pl.ds(g * LANES, LANES)] = vals

        fire(0, 0)

        def body(h, carry):
            g0 = 2 * h
            fire(g0 + 1, 1)
            drain(0)
            extract(g0, 0)

            @pl.when(g0 + 2 < n_groups)
            def _():
                fire(g0 + 2, 0)

            drain(1)
            extract(g0 + 1, 1)
            return carry

        lax.fori_loop(0, n_groups // 2, body, 0)
        pltpu.sync_copy(out_v, out_hbm.at[:, pl.ds(base, b_per_w)])

    return gather_kernel


def kernel(objective_idx, table):
    batch = objective_idx.shape[0]
    vocab, dim = table.shape
    t3 = table.T.reshape(JR, dim // JR, vocab)
    out_t = _make_gather(batch, dim, vocab)(
        objective_idx.astype(jnp.int32), t3
    )
    return out_t.T

# --- scband reference (transcript-rebuilt; emitter-appended) ---
"""Pipeline reference for scband-sub-objective-embedding-7129645711443 (READ-ONLY COPY).

The authoritative reference and input builder live on the scoring server;
editing this copy changes nothing except your own understanding.
"""

import jax, jax.numpy as jnp
import numpy as np

NUM_OBJECTIVES = 1000000
EMBED_DIM = 16
BATCH = 16384


def setup_inputs(seed: int = 0) -> dict:
    key = jax.random.key(seed)
    k_idx, k_tab = jax.random.split(key)
    objective_idx = jax.random.randint(k_idx, (BATCH,), 0, NUM_OBJECTIVES, dtype=jnp.int64 if jax.config.jax_enable_x64 else jnp.int32)
    # Embedding table initialized like nn.Embedding (standard normal)
    table = jax.random.normal(k_tab, (NUM_OBJECTIVES, EMBED_DIM), dtype=jnp.float32)
    return {"objective_idx": objective_idx, "table": table}


def reference(objective_idx, table):
    # nn.Embedding forward: row gather from the embedding table
    return jnp.take(table, objective_idx, axis=0)

if __name__ == "__main__":
    import jax
    _d = setup_inputs()
    print(jax.jit(kernel)(*tuple(_d.values())))

</pallas_src>

<mosaic_0001>
#map = affine_map<(d0, d1) -> (0)>
#map1 = affine_map<(d0, d1) -> (0, 0, 0)>
#map2 = affine_map<(d0, d1) -> (0, 0)>
module attributes {stable_mosaic.version = 14 : i64} {
  func.func @gather_kernel(%arg0: i32, %arg1: i32, %arg2: memref<16384xi32, #tpu.memory_space<hbm>>, %arg3: memref<2x8x1000000xf32, #tpu.memory_space<hbm>>, %arg4: memref<16x16384xf32, #tpu.memory_space<hbm>>, %arg5: memref<512xi32, #tpu.memory_space<vmem>>, %arg6: memref<2x16x2x8x128xf32, #tpu.memory_space<vmem>>, %arg7: memref<16x512xf32, #tpu.memory_space<vmem>>, %arg8: memref<!tpu.dma_semaphore, #tpu.memory_space<semaphore_mem>>, %arg9: memref<!tpu.dma_semaphore, #tpu.memory_space<semaphore_mem>>) attributes {dimension_semantics = [#tpu.dimension_semantics<core_parallel>, #tpu.dimension_semantics<subcore_parallel>], iteration_bounds = array<i64: 2, 16>, scalar_prefetch = 0 : i64, scratch_operands = 5 : i64, tpu.core_type = #tpu.core_type<sc_vector_subcore>, window_params = [{transform_indices = #map}, {transform_indices = #map1}, {transform_indices = #map2}]} {
    %mul3A = arith.constant 2 : i32
    %mul3A_0 = arith.muli %arg1, %mul3A : i32
    %add3A = arith.addi %mul3A_0, %arg0 : i32
    %mul3A_1 = arith.constant 512 : i32
    %mul3A_2 = arith.muli %add3A, %mul3A_1 : i32
    "tpu.region"() ({
      %run_scoped3A = tpu.sem_alloc : memref<!tpu.dma_semaphore, #tpu.memory_space<semaphore_mem>>
      %dma_start3A_389 = tpu.memref_slice %arg2[%mul3A_2] : memref<16384xi32, #tpu.memory_space<hbm>> -> memref<512xi32, #tpu.memory_space<hbm>>
      %dma_start3A_390 = tpu.memref_slice %arg2[%mul3A_2] : memref<16384xi32, #tpu.memory_space<hbm>> -> memref<512xi32, #tpu.memory_space<hbm>>
      tpu.enqueue_dma source(%dma_start3A_390 : memref<512xi32, #tpu.memory_space<hbm>>) target(%arg5 : memref<512xi32, #tpu.memory_space<vmem>>) target_semaphore(%run_scoped3A : memref<!tpu.dma_semaphore, #tpu.memory_space<semaphore_mem>>)
      %dma_wait3A = tpu.memref_slice %arg2[%mul3A_2] : memref<16384xi32, #tpu.memory_space<hbm>> -> memref<512xi32, #tpu.memory_space<hbm>>
      %dma_wait3A_391 = tpu.memref_slice %arg2[%mul3A_2] : memref<16384xi32, #tpu.memory_space<hbm>> -> memref<512xi32, #tpu.memory_space<hbm>>
      tpu.wait_dma2 semaphore(%run_scoped3A : memref<!tpu.dma_semaphore, #tpu.memory_space<semaphore_mem>>) src(%dma_wait3A_391 : memref<512xi32, #tpu.memory_space<hbm>>) dst(%arg5 : memref<512xi32, #tpu.memory_space<vmem>>)
      tpu.yield
    }) : () -> ()
    %get3A = arith.constant 0 : index
    %get3A_3 = tpu.vector_load %arg5[%get3A] {strides = array<i32>} : memref<512xi32, #tpu.memory_space<vmem>>, vector<16xi32>,
    %slice3A = vector.extract_strided_slice %get3A_3 {offsets = [0], sizes = [1], strides = [1]} : vector<16xi32> to vector<1xi32>
    %squeeze3A = vector.extract %slice3A[0] : i32 from vector<1xi32>
    %shift_right_arithmetic3A = arith.constant 7 : i32
    %shift_right_arithmetic3A_4 = arith.shrsi %squeeze3A, %shift_right_arithmetic3A : i32
    %mul3A_5 = arith.constant 128 : i32
    %mul3A_6 = arith.muli %shift_right_arithmetic3A_4, %mul3A_5 : i32
    %dma_start3A = arith.constant 0 : i32
    %dma_start3A_7 = arith.constant 0 : i32
    %dma_start3A_8 = arith.constant 0 : i32
    %dma_start3A_9 = arith.constant 0 : i32
    %dma_start3A_10 = arith.constant 0 : i32
    %dma_start3A_11 = tpu.memref_slice %arg6[%dma_start3A, %dma_start3A_7, %dma_start3A_8, %dma_start3A_9, %dma_start3A_10] : memref<2x16x2x8x128xf32, #tpu.memory_space<vmem>> -> memref<1x1x2x8x128xf32, #tpu.memory_space<vmem>>
    %dma_start3A_12 = tpu.memref_squeeze %dma_start3A_11 : memref<1x1x2x8x128xf32, #tpu.memory_space<vmem>> -> memref<2x8x128xf32, #tpu.memory_space<vmem>>
    %dma_start3A_13 = arith.constant 0 : i32
    %dma_start3A_14 = arith.constant 0 : i32
    %dma_start3A_15 = tpu.memref_slice %arg3[%dma_start3A_13, %dma_start3A_14, %mul3A_6] : memref<2x8x1000000xf32, #tpu.memory_space<hbm>> -> memref<2x8x128xf32, #tpu.memory_space<hbm>>
    %dma_start3A_16 = arith.constant 0 : i32
    %dma_start3A_17 = arith.constant 0 : i32
    %dma_start3A_18 = arith.constant 0 : i32
    %dma_start3A_19 = tpu.memref_slice %arg6[%dma_start3A, %dma_start3A_7, %dma_start3A_16, %dma_start3A_17, %dma_start3A_18] : memref<2x16x2x8x128xf32, #tpu.memory_space<vmem>> -> memref<1x1x2x8x128xf32, #tpu.memory_space<vmem>>
    %dma_start3A_20 = tpu.memref_squeeze %dma_start3A_19 : memref<1x1x2x8x128xf32, #tpu.memory_space<vmem>> -> memref<2x8x128xf32, #tpu.memory_space<vmem>>
    %dma_start3A_21 = arith.constant 0 : i32
    %dma_start3A_22 = arith.constant 0 : i32
    %dma_start3A_23 = tpu.memref_slice %arg3[%dma_start3A_21, %dma_start3A_22, %mul3A_6] : memref<2x8x1000000xf32, #tpu.memory_space<hbm>> -> memref<2x8x128xf32, #tpu.memory_space<hbm>>
    tpu.enqueue_dma source(%dma_start3A_23 : memref<2x8x128xf32, #tpu.memory_space<hbm>>) target(%dma_start3A_20 : memref<2x8x128xf32, #tpu.memory_space<vmem>>) target_semaphore(%arg8 : memref<!tpu.dma_semaphore, #tpu.memory_space<semaphore_mem>>)
    %slice3A_24 = vector.extract_strided_slice %get3A_3 {offsets = [1], sizes = [1], strides = [1]} : vector<16xi32> to vector<1xi32>
    %squeeze3A_25 = vector.extract %slice3A_24[0] : i32 from vector<1xi32>
    %shift_right_arithmetic3A_26 = arith.constant 7 : i32
    %shift_right_arithmetic3A_27 = arith.shrsi %squeeze3A_25, %shift_right_arithmetic3A_26 : i32
    %mul3A_28 = arith.constant 128 : i32
    %mul3A_29 = arith.muli %shift_right_arithmetic3A_27, %mul3A_28 : i32
    %dma_start3A_30 = arith.constant 0 : i32
    %dma_start3A_31 = arith.constant 1 : i32
    %dma_start3A_32 = arith.constant 0 : i32
    %dma_start3A_33 = arith.constant 0 : i32
    %dma_start3A_34 = arith.constant 0 : i32
    %dma_start3A_35 = tpu.memref_slice %arg6[%dma_start3A_30, %dma_start3A_31, %dma_start3A_32, %dma_start3A_33, %dma_start3A_34] : memref<2x16x2x8x128xf32, #tpu.memory_space<vmem>> -> memref<1x1x2x8x128xf32, #tpu.memory_space<vmem>>
    %dma_start3A_36 = tpu.memref_squeeze %dma_start3A_35 : memref<1x1x2x8x128xf32, #tpu.memory_space<vmem>> -> memref<2x8x128xf32, #tpu.memory_space<vmem>>
    %dma_start3A_37 = arith.constant 0 : i32
    %dma_start3A_38 = arith.constant 0 : i32
    %dma_start3A_39 = tpu.memref_slice %arg3[%dma_start3A_37, %dma_start3A_38, %mul3A_29] : memref<2x8x1000000xf32, #tpu.memory_space<hbm>> -> memref<2x8x128xf32, #tpu.memory_space<hbm>>
    %dma_start3A_40 = arith.constant 0 : i32
    %dma_start3A_41 = arith.constant 0 : i32
    %dma_start3A_42 = arith.constant 0 : i32
    %dma_start3A_43 = tpu.memref_slice %arg6[%dma_start3A_30, %dma_start3A_31, %dma_start3A_40, %dma_start3A_41, %dma_start3A_42] : memref<2x16x2x8x128xf32, #tpu.memory_space<vmem>> -> memref<1x1x2x8x128xf32, #tpu.memory_space<vmem>>
    %dma_start3A_44 = tpu.memref_squeeze %dma_start3A_43 : memref<1x1x2x8x128xf32, #tpu.memory_space<vmem>> -> memref<2x8x128xf32, #tpu.memory_space<vmem>>
    %dma_start3A_45 = arith.constant 0 : i32
    %dma_start3A_46 = arith.constant 0 : i32
    %dma_start3A_47 = tpu.memref_slice %arg3[%dma_start3A_45, %dma_start3A_46, %mul3A_29] : memref<2x8x1000000xf32, #tpu.memory_space<hbm>> -> memref<2x8x128xf32, #tpu.memory_space<hbm>>
    tpu.enqueue_dma source(%dma_start3A_47 : memref<2x8x128xf32, #tpu.memory_space<hbm>>) target(%dma_start3A_44 : memref<2x8x128xf32, #tpu.memory_space<vmem>>) target_semaphore(%arg8 : memref<!tpu.dma_semaphore, #tpu.memory_space<semaphore_mem>>)
    %slice3A_48 = vector.extract_strided_slice %get3A_3 {offsets = [2], sizes = [1], strides = [1]} : vector<16xi32> to vector<1xi32>
    %squeeze3A_49 = vector.extract %slice3A_48[0] : i32 from vector<1xi32>
    %shift_right_arithmetic3A_50 = arith.constant 7 : i32
    %shift_right_arithmetic3A_51 = arith.shrsi %squeeze3A_49, %shift_right_arithmetic3A_50 : i32
    %mul3A_52 = arith.constant 128 : i32
    %mul3A_53 = arith.muli %shift_right_arithmetic3A_51, %mul3A_52 : i32
    %dma_start3A_54 = arith.constant 0 : i32
    %dma_start3A_55 = arith.constant 2 : i32
    %dma_start3A_56 = arith.constant 0 : i32
    %dma_start3A_57 = arith.constant 0 : i32
    %dma_start3A_58 = arith.constant 0 : i32
    %dma_start3A_59 = tpu.memref_slice %arg6[%dma_start3A_54, %dma_start3A_55, %dma_start3A_56, %dma_start3A_57, %dma_start3A_58] : memref<2x16x2x8x128xf32, #tpu.memory_space<vmem>> -> memref<1x1x2x8x128xf32, #tpu.memory_space<vmem>>
    %dma_start3A_60 = tpu.memref_squeeze %dma_start3A_59 : memref<1x1x2x8x128xf32, #tpu.memory_space<vmem>> -> memref<2x8x128xf32, #tpu.memory_space<vmem>>
    %dma_start3A_61 = arith.constant 0 : i32
    %dma_start3A_62 = arith.constant 0 : i32
    %dma_start3A_63 = tpu.memref_slice %arg3[%dma_start3A_61, %dma_start3A_62, %mul3A_53] : memref<2x8x1000000xf32, #tpu.memory_space<hbm>> -> memref<2x8x128xf32, #tpu.memory_space<hbm>>
    %dma_start3A_64 = arith.constant 0 : i32
    %dma_start3A_65 = arith.constant 0 : i32
    %dma_start3A_66 = arith.constant 0 : i32
    %dma_start3A_67 = tpu.memref_slice %arg6[%dma_start3A_54, %dma_start3A_55, %dma_start3A_64, %dma_start3A_65, %dma_start3A_66] : memref<2x16x2x8x128xf32, #tpu.memory_space<vmem>> -> memref<1x1x2x8x128xf32, #tpu.memory_space<vmem>>
    %dma_start3A_68 = tpu.memref_squeeze %dma_start3A_67 : memref<1x1x2x8x128xf32, #tpu.memory_space<vmem>> -> memref<2x8x128xf32, #tpu.memory_space<vmem>>
    %dma_start3A_69 = arith.constant 0 : i32
    %dma_start3A_70 = arith.constant 0 : i32
    %dma_start3A_71 = tpu.memref_slice %arg3[%dma_start3A_69, %dma_start3A_70, %mul3A_53] : memref<2x8x1000000xf32, #tpu.memory_space<hbm>> -> memref<2x8x128xf32, #tpu.memory_space<hbm>>
    tpu.enqueue_dma source(%dma_start3A_71 : memref<2x8x128xf32, #tpu.memory_space<hbm>>) target(%dma_start3A_68 : memref<2x8x128xf32, #tpu.memory_space<vmem>>) target_semaphore(%arg8 : memref<!tpu.dma_semaphore, #tpu.memory_space<semaphore_mem>>)
    %slice3A_72 = vector.extract_strided_slice %get3A_3 {offsets = [3], sizes = [1], strides = [1]} : vector<16xi32> to vector<1xi32>
    %squeeze3A_73 = vector.extract %slice3A_72[0] : i32 from vector<1xi32>
    %shift_right_arithmetic3A_74 = arith.constant 7 : i32
    %shift_right_arithmetic3A_75 = arith.shrsi %squeeze3A_73, %shift_right_arithmetic3A_74 : i32
    %mul3A_76 = arith.constant 128 : i32
    %mul3A_77 = arith.muli %shift_right_arithmetic3A_75, %mul3A_76 : i32
    %dma_start3A_78 = arith.constant 0 : i32
    %dma_start3A_79 = arith.constant 3 : i32
    %dma_start3A_80 = arith.constant 0 : i32
    %dma_start3A_81 = arith.constant 0 : i32
    %dma_start3A_82 = arith.constant 0 : i32
    %dma_start3A_83 = tpu.memref_slice %arg6[%dma_start3A_78, %dma_start3A_79, %dma_start3A_80, %dma_start3A_81, %dma_start3A_82] : memref<2x16x2x8x128xf32, #tpu.memory_space<vmem>> -> memref<1x1x2x8x128xf32, #tpu.memory_space<vmem>>
    %dma_start3A_84 = tpu.memref_squeeze %dma_start3A_83 : memref<1x1x2x8x128xf32, #tpu.memory_space<vmem>> -> memref<2x8x128xf32, #tpu.memory_space<vmem>>
    %dma_start3A_85 = arith.constant 0 : i32
    %dma_start3A_86 = arith.constant 0 : i32
    %dma_start3A_87 = tpu.memref_slice %arg3[%dma_start3A_85, %dma_start3A_86, %mul3A_77] : memref<2x8x1000000xf32, #tpu.memory_space<hbm>> -> memref<2x8x128xf32, #tpu.memory_space<hbm>>
    %dma_start3A_88 = arith.constant 0 : i32
    %dma_start3A_89 = arith.constant 0 : i32
    %dma_start3A_90 = arith.constant 0 : i32
    %dma_start3A_91 = tpu.memref_slice %arg6[%dma_start3A_78, %dma_start3A_79, %dma_start3A_88, %dma_start3A_89, %dma_start3A_90] : memref<2x16x2x8x128xf32, #tpu.memory_space<vmem>> -> memref<1x1x2x8x128xf32, #tpu.memory_space<vmem>>
    %dma_start3A_92 = tpu.memref_squeeze %dma_start3A_91 : memref<1x1x2x8x128xf32, #tpu.memory_space<vmem>> -> memref<2x8x128xf32, #tpu.memory_space<vmem>>
    %dma_start3A_93 = arith.constant 0 : i32
    %dma_start3A_94 = arith.constant 0 : i32
    %dma_start3A_95 = tpu.memref_slice %arg3[%dma_start3A_93, %dma_start3A_94, %mul3A_77] : memref<2x8x1000000xf32, #tpu.memory_space<hbm>> -> memref<2x8x128xf32, #tpu.memory_space<hbm>>
    tpu.enqueue_dma source(%dma_start3A_95 : memref<2x8x128xf32, #tpu.memory_space<hbm>>) target(%dma_start3A_92 : memref<2x8x128xf32, #tpu.memory_space<vmem>>) target_semaphore(%arg8 : memref<!tpu.dma_semaphore, #tpu.memory_space<semaphore_mem>>)
    %slice3A_96 = vector.extract_strided_slice %get3A_3 {offsets = [4], sizes = [1], strides = [1]} : vector<16xi32> to vector<1xi32>
    %squeeze3A_97 = vector.extract %slice3A_96[0] : i32 from vector<1xi32>
    %shift_right_arithmetic3A_98 = arith.constant 7 : i32
    %shift_right_arithmetic3A_99 = arith.shrsi %squeeze3A_97, %shift_right_arithmetic3A_98 : i32
    %mul3A_100 = arith.constant 128 : i32
    %mul3A_101 = arith.muli %shift_right_arithmetic3A_99, %mul3A_100 : i32
    %dma_start3A_102 = arith.constant 0 : i32
    %dma_start3A_103 = arith.constant 4 : i32
    %dma_start3A_104 = arith.constant 0 : i32
    %dma_start3A_105 = arith.constant 0 : i32
    %dma_start3A_106 = arith.constant 0 : i32
    %dma_start3A_107 = tpu.memref_slice %arg6[%dma_start3A_102, %dma_start3A_103, %dma_start3A_104, %dma_start3A_105, %dma_start3A_106] : memref<2x16x2x8x128xf32, #tpu.memory_space<vmem>> -> memref<1x1x2x8x128xf32, #tpu.memory_space<vmem>>
    %dma_start3A_108 = tpu.memref_squeeze %dma_start3A_107 : memref<1x1x2x8x128xf32, #tpu.memory_space<vmem>> -> memref<2x8x128xf32, #tpu.memory_space<vmem>>
    %dma_start3A_109 = arith.constant 0 : i32
    %dma_start3A_110 = arith.constant 0 : i32
    %dma_start3A_111 = tpu.memref_slice %arg3[%dma_start3A_109, %dma_start3A_110, %mul3A_101] : memref<2x8x1000000xf32, #tpu.memory_space<hbm>> -> memref<2x8x128xf32, #tpu.memory_space<hbm>>
    %dma_start3A_112 = arith.constant 0 : i32
    %dma_start3A_113 = arith.constant 0 : i32
    %dma_start3A_114 = arith.constant 0 : i32
    %dma_start3A_115 = tpu.memref_slice %arg6[%dma_start3A_102, %dma_start3A_103, %dma_start3A_112, %dma_start3A_113, %dma_start3A_114] : memref<2x16x2x8x128xf32, #tpu.memory_space<vmem>> -> memref<1x1x2x8x128xf32, #tpu.memory_space<vmem>>
    %dma_start3A_116 = tpu.memref_squeeze %dma_start3A_115 : memref<1x1x2x8x128xf32, #tpu.memory_space<vmem>> -> memref<2x8x128xf32, #tpu.memory_space<vmem>>
    %dma_start3A_117 = arith.constant 0 : i32
    %dma_start3A_118 = arith.constant 0 : i32
    %dma_start3A_119 = tpu.memref_slice %arg3[%dma_start3A_117, %dma_start3A_118, %mul3A_101] : memref<2x8x1000000xf32, #tpu.memory_space<hbm>> -> memref<2x8x128xf32, #tpu.memory_space<hbm>>
    tpu.enqueue_dma source(%dma_start3A_119 : memref<2x8x128xf32, #tpu.memory_space<hbm>>) target(%dma_start3A_116 : memref<2x8x128xf32, #tpu.memory_space<vmem>>) target_semaphore(%arg8 : memref<!tpu.dma_semaphore, #tpu.memory_space<semaphore_mem>>)
    %slice3A_120 = vector.extract_strided_slice %get3A_3 {offsets = [5], sizes = [1], strides = [1]} : vector<16xi32> to vector<1xi32>
    %squeeze3A_121 = vector.extract %slice3A_120[0] : i32 from vector<1xi32>
    %shift_right_arithmetic3A_122 = arith.constant 7 : i32
    %shift_right_arithmetic3A_123 = arith.shrsi %squeeze3A_121, %shift_right_arithmetic3A_122 : i32
    %mul3A_124 = arith.constant 128 : i32
    %mul3A_125 = arith.muli %shift_right_arithmetic3A_123, %mul3A_124 : i32
    %dma_start3A_126 = arith.constant 0 : i32
    %dma_start3A_127 = arith.constant 5 : i32
    %dma_start3A_128 = arith.constant 0 : i32
    %dma_start3A_129 = arith.constant 0 : i32
    %dma_start3A_130 = arith.constant 0 : i32
    %dma_start3A_131 = tpu.memref_slice %arg6[%dma_start3A_126, %dma_start3A_127, %dma_start3A_128, %dma_start3A_129, %dma_start3A_130] : memref<2x16x2x8x128xf32, #tpu.memory_space<vmem>> -> memref<1x1x2x8x128xf32, #tpu.memory_space<vmem>>
    %dma_start3A_132 = tpu.memref_squeeze %dma_start3A_131 : memref<1x1x2x8x128xf32, #tpu.memory_space<vmem>> -> memref<2x8x128xf32, #tpu.memory_space<vmem>>
    %dma_start3A_133 = arith.constant 0 : i32
    %dma_start3A_134 = arith.constant 0 : i32
    %dma_start3A_135 = tpu.memref_slice %arg3[%dma_start3A_133, %dma_start3A_134, %mul3A_125] : memref<2x8x1000000xf32, #tpu.memory_space<hbm>> -> memref<2x8x128xf32, #tpu.memory_space<hbm>>
    %dma_start3A_136 = arith.constant 0 : i32
    %dma_start3A_137 = arith.constant 0 : i32
    %dma_start3A_138 = arith.constant 0 : i32
    %dma_start3A_139 = tpu.memref_slice %arg6[%dma_start3A_126, %dma_start3A_127, %dma_start3A_136, %dma_start3A_137, %dma_start3A_138] : memref<2x16x2x8x128xf32, #tpu.memory_space<vmem>> -> memref<1x1x2x8x128xf32, #tpu.memory_space<vmem>>
    %dma_start3A_140 = tpu.memref_squeeze %dma_start3A_139 : memref<1x1x2x8x128xf32, #tpu.memory_space<vmem>> -> memref<2x8x128xf32, #tpu.memory_space<vmem>>
    %dma_start3A_141 = arith.constant 0 : i32
    %dma_start3A_142 = arith.constant 0 : i32
    %dma_start3A_143 = tpu.memref_slice %arg3[%dma_start3A_141, %dma_start3A_142, %mul3A_125] : memref<2x8x1000000xf32, #tpu.memory_space<hbm>> -> memref<2x8x128xf32, #tpu.memory_space<hbm>>
    tpu.enqueue_dma source(%dma_start3A_143 : memref<2x8x128xf32, #tpu.memory_space<hbm>>) target(%dma_start3A_140 : memref<2x8x128xf32, #tpu.memory_space<vmem>>) target_semaphore(%arg8 : memref<!tpu.dma_semaphore, #tpu.memory_space<semaphore_mem>>)
    %slice3A_144 = vector.extract_strided_slice %get3A_3 {offsets = [6], sizes = [1], strides = [1]} : vector<16xi32> to vector<1xi32>
    %squeeze3A_145 = vector.extract %slice3A_144[0] : i32 from vector<1xi32>
    %shift_right_arithmetic3A_146 = arith.constant 7 : i32
    %shift_right_arithmetic3A_147 = arith.shrsi %squeeze3A_145, %shift_right_arithmetic3A_146 : i32
    %mul3A_148 = arith.constant 128 : i32
    %mul3A_149 = arith.muli %shift_right_arithmetic3A_147, %mul3A_148 : i32
    %dma_start3A_150 = arith.constant 0 : i32
    %dma_start3A_151 = arith.constant 6 : i32
    %dma_start3A_152 = arith.constant 0 : i32
    %dma_start3A_153 = arith.constant 0 : i32
    %dma_start3A_154 = arith.constant 0 : i32
    %dma_start3A_155 = tpu.memref_slice %arg6[%dma_start3A_150, %dma_start3A_151, %dma_start3A_152, %dma_start3A_153, %dma_start3A_154] : memref<2x16x2x8x128xf32, #tpu.memory_space<vmem>> -> memref<1x1x2x8x128xf32, #tpu.memory_space<vmem>>
    %dma_start3A_156 = tpu.memref_squeeze %dma_start3A_155 : memref<1x1x2x8x128xf32, #tpu.memory_space<vmem>> -> memref<2x8x128xf32, #tpu.memory_space<vmem>>
    %dma_start3A_157 = arith.constant 0 : i32
    %dma_start3A_158 = arith.constant 0 : i32
    %dma_start3A_159 = tpu.memref_slice %arg3[%dma_start3A_157, %dma_start3A_158, %mul3A_149] : memref<2x8x1000000xf32, #tpu.memory_space<hbm>> -> memref<2x8x128xf32, #tpu.memory_space<hbm>>
    %dma_start3A_160 = arith.constant 0 : i32
    %dma_start3A_161 = arith.constant 0 : i32
    %dma_start3A_162 = arith.constant 0 : i32
    %dma_start3A_163 = tpu.memref_slice %arg6[%dma_start3A_150, %dma_start3A_151, %dma_start3A_160, %dma_start3A_161, %dma_start3A_162] : memref<2x16x2x8x128xf32, #tpu.memory_space<vmem>> -> memref<1x1x2x8x128xf32, #tpu.memory_space<vmem>>
    %dma_start3A_164 = tpu.memref_squeeze %dma_start3A_163 : memref<1x1x2x8x128xf32, #tpu.memory_space<vmem>> -> memref<2x8x128xf32, #tpu.memory_space<vmem>>
    %dma_start3A_165 = arith.constant 0 : i32
    %dma_start3A_166 = arith.constant 0 : i32
    %dma_start3A_167 = tpu.memref_slice %arg3[%dma_start3A_165, %dma_start3A_166, %mul3A_149] : memref<2x8x1000000xf32, #tpu.memory_space<hbm>> -> memref<2x8x128xf32, #tpu.memory_space<hbm>>
    tpu.enqueue_dma source(%dma_start3A_167 : memref<2x8x128xf32, #tpu.memory_space<hbm>>) target(%dma_start3A_164 : memref<2x8x128xf32, #tpu.memory_space<vmem>>) target_semaphore(%arg8 : memref<!tpu.dma_semaphore, #tpu.memory_space<semaphore_mem>>)
    %slice3A_168 = vector.extract_strided_slice %get3A_3 {offsets = [7], sizes = [1], strides = [1]} : vector<16xi32> to vector<1xi32>
    %squeeze3A_169 = vector.extract %slice3A_168[0] : i32 from vector<1xi32>
    %shift_right_arithmetic3A_170 = arith.constant 7 : i32
    %shift_right_arithmetic3A_171 = arith.shrsi %squeeze3A_169, %shift_right_arithmetic3A_170 : i32
    %mul3A_172 = arith.constant 128 : i32
    %mul3A_173 = arith.muli %shift_right_arithmetic3A_171, %mul3A_172 : i32
    %dma_start3A_174 = arith.constant 0 : i32
    %dma_start3A_175 = arith.constant 7 : i32
    %dma_start3A_176 = arith.constant 0 : i32
    %dma_start3A_177 = arith.constant 0 : i32
    %dma_start3A_178 = arith.constant 0 : i32
    %dma_start3A_179 = tpu.memref_slice %arg6[%dma_start3A_174, %dma_start3A_175, %dma_start3A_176, %dma_start3A_177, %dma_start3A_178] : memref<2x16x2x8x128xf32, #tpu.memory_space<vmem>> -> memref<1x1x2x8x128xf32, #tpu.memory_space<vmem>>
    %dma_start3A_180 = tpu.memref_squeeze %dma_start3A_179 : memref<1x1x2x8x128xf32, #tpu.memory_space<vmem>> -> memref<2x8x128xf32, #tpu.memory_space<vmem>>
    %dma_start3A_181 = arith.constant 0 : i32
    %dma_start3A_182 = arith.constant 0 : i32
    %dma_start3A_183 = tpu.memref_slice %arg3[%dma_start3A_181, %dma_start3A_182, %mul3A_173] : memref<2x8x1000000xf32, #tpu.memory_space<hbm>> -> memref<2x8x128xf32, #tpu.memory_space<hbm>>
    %dma_start3A_184 = arith.constant 0 : i32
    %dma_start3A_185 = arith.constant 0 : i32
    %dma_start3A_186 = arith.constant 0 : i32
    %dma_start3A_187 = tpu.memref_slice %arg6[%dma_start3A_174, %dma_start3A_175, %dma_start3A_184, %dma_start3A_185, %dma_start3A_186] : memref<2x16x2x8x128xf32, #tpu.memory_space<vmem>> -> memref<1x1x2x8x128xf32, #tpu.memory_space<vmem>>
    %dma_start3A_188 = tpu.memref_squeeze %dma_start3A_187 : memref<1x1x2x8x128xf32, #tpu.memory_space<vmem>> -> memref<2x8x128xf32, #tpu.memory_space<vmem>>
    %dma_start3A_189 = arith.constant 0 : i32
    %dma_start3A_190 = arith.constant 0 : i32
    %dma_start3A_191 = tpu.memref_slice %arg3[%dma_start3A_189, %dma_start3A_190, %mul3A_173] : memref<2x8x1000000xf32, #tpu.memory_space<hbm>> -> memref<2x8x128xf32, #tpu.memory_space<hbm>>
    tpu.enqueue_dma source(%dma_start3A_191 : memref<2x8x128xf32, #tpu.memory_space<hbm>>) target(%dma_start3A_188 : memref<2x8x128xf32, #tpu.memory_space<vmem>>) target_semaphore(%arg8 : memref<!tpu.dma_semaphore, #tpu.memory_space<semaphore_mem>>)
    %slice3A_192 = vector.extract_strided_slice %get3A_3 {offsets = [8], sizes = [1], strides = [1]} : vector<16xi32> to vector<1xi32>
    %squeeze3A_193 = vector.extract %slice3A_192[0] : i32 from vector<1xi32>
    %shift_right_arithmetic3A_194 = arith.constant 7 : i32
    %shift_right_arithmetic3A_195 = arith.shrsi %squeeze3A_193, %shift_right_arithmetic3A_194 : i32
    %mul3A_196 = arith.constant 128 : i32
    %mul3A_197 = arith.muli %shift_right_arithmetic3A_195, %mul3A_196 : i32
    %dma_start3A_198 = arith.constant 0 : i32
    %dma_start3A_199 = arith.constant 8 : i32
    %dma_start3A_200 = arith.constant 0 : i32
    %dma_start3A_201 = arith.constant 0 : i32
    %dma_start3A_202 = arith.constant 0 : i32
    %dma_start3A_203 = tpu.memref_slice %arg6[%dma_start3A_198, %dma_start3A_199, %dma_start3A_200, %dma_start3A_201, %dma_start3A_202] : memref<2x16x2x8x128xf32, #tpu.memory_space<vmem>> -> memref<1x1x2x8x128xf32, #tpu.memory_space<vmem>>
    %dma_start3A_204 = tpu.memref_squeeze %dma_start3A_203 : memref<1x1x2x8x128xf32, #tpu.memory_space<vmem>> -> memref<2x8x128xf32, #tpu.memory_space<vmem>>
    %dma_start3A_205 = arith.constant 0 : i32
    %dma_start3A_206 = arith.constant 0 : i32
    %dma_start3A_207 = tpu.memref_slice %arg3[%dma_start3A_205, %dma_start3A_206, %mul3A_197] : memref<2x8x1000000xf32, #tpu.memory_space<hbm>> -> memref<2x8x128xf32, #tpu.memory_space<hbm>>
    %dma_start3A_208 = arith.constant 0 : i32
    %dma_start3A_209 = arith.constant 0 : i32
    %dma_start3A_210 = arith.constant 0 : i32
    %dma_start3A_211 = tpu.memref_slice %arg6[%dma_start3A_198, %dma_start3A_199, %dma_start3A_208, %dma_start3A_209, %dma_start3A_210] : memref<2x16x2x8x128xf32, #tpu.memory_space<vmem>> -> memref<1x1x2x8x128xf32, #tpu.memory_space<vmem>>
    %dma_start3A_212 = tpu.memref_squeeze %dma_start3A_211 : memref<1x1x2x8x128xf32, #tpu.memory_space<vmem>> -> memref<2x8x128xf32, #tpu.memory_space<vmem>>
    %dma_start3A_213 = arith.constant 0 : i32
    %dma_start3A_214 = arith.constant 0 : i32
    %dma_start3A_215 = tpu.memref_slice %arg3[%dma_start3A_213, %dma_start3A_214, %mul3A_197] : memref<2x8x1000000xf32, #tpu.memory_space<hbm>> -> memref<2x8x128xf32, #tpu.memory_space<hbm>>
    tpu.enqueue_dma source(%dma_start3A_215 : memref<2x8x128xf32, #tpu.memory_space<hbm>>) target(%dma_start3A_212 : memref<2x8x128xf32, #tpu.memory_space<vmem>>) target_semaphore(%arg8 : memref<!tpu.dma_semaphore, #tpu.memory_space<semaphore_mem>>)
    %slice3A_216 = vector.extract_strided_slice %get3A_3 {offsets = [9], sizes = [1], strides = [1]} : vector<16xi32> to vector<1xi32>
    %squeeze3A_217 = vector.extract %slice3A_216[0] : i32 from vector<1xi32>
    %shift_right_arithmetic3A_218 = arith.constant 7 : i32
    %shift_right_arithmetic3A_219 = arith.shrsi %squeeze3A_217, %shift_right_arithmetic3A_218 : i32
    %mul3A_220 = arith.constant 128 : i32
    %mul3A_221 = arith.muli %shift_right_arithmetic3A_219, %mul3A_220 : i32
    %dma_start3A_222 = arith.constant 0 : i32
    %dma_start3A_223 = arith.constant 9 : i32
    %dma_start3A_224 = arith.constant 0 : i32
    %dma_start3A_225 = arith.constant 0 : i32
    %dma_start3A_226 = arith.constant 0 : i32
    %dma_start3A_227 = tpu.memref_slice %arg6[%dma_start3A_222, %dma_start3A_223, %dma_start3A_224, %dma_start3A_225, %dma_start3A_226] : memref<2x16x2x8x128xf32, #tpu.memory_space<vmem>> -> memref<1x1x2x8x128xf32, #tpu.memory_space<vmem>>
    %dma_start3A_228 = tpu.memref_squeeze %dma_start3A_227 : memref<1x1x2x8x128xf32, #tpu.memory_space<vmem>> -> memref<2x8x128xf32, #tpu.memory_space<vmem>>
    %dma_start3A_229 = arith.constant 0 : i32
    %dma_start3A_230 = arith.constant 0 : i32
    %dma_start3A_231 = tpu.memref_slice %arg3[%dma_start3A_229, %dma_start3A_230, %mul3A_221] : memref<2x8x1000000xf32, #tpu.memory_space<hbm>> -> memref<2x8x128xf32, #tpu.memory_space<hbm>>
    %dma_start3A_232 = arith.constant 0 : i32
    %dma_start3A_233 = arith.constant 0 : i32
    %dma_start3A_234 = arith.constant 0 : i32
    %dma_start3A_235 = tpu.memref_slice %arg6[%dma_start3A_222, %dma_start3A_223, %dma_start3A_232, %dma_start3A_233, %dma_start3A_234] : memref<2x16x2x8x128xf32, #tpu.memory_space<vmem>> -> memref<1x1x2x8x128xf32, #tpu.memory_space<vmem>>
    %dma_start3A_236 = tpu.memref_squeeze %dma_start3A_235 : memref<1x1x2x8x128xf32, #tpu.memory_space<vmem>> -> memref<2x8x128xf32, #tpu.memory_space<vmem>>
    %dma_start3A_237 = arith.constant 0 : i32
    %dma_start3A_238 = arith.constant 0 : i32
    %dma_start3A_239 = tpu.memref_slice %arg3[%dma_start3A_237, %dma_start3A_238, %mul3A_221] : memref<2x8x1000000xf32, #tpu.memory_space<hbm>> -> memref<2x8x128xf32, #tpu.memory_space<hbm>>
    tpu.enqueue_dma source(%dma_start3A_239 : memref<2x8x128xf32, #tpu.memory_space<hbm>>) target(%dma_start3A_236 : memref<2x8x128xf32, #tpu.memory_space<vmem>>) target_semaphore(%arg8 : memref<!tpu.dma_semaphore, #tpu.memory_space<semaphore_mem>>)
    %slice3A_240 = vector.extract_strided_slice %get3A_3 {offsets = [10], sizes = [1], strides = [1]} : vector<16xi32> to vector<1xi32>
    %squeeze3A_241 = vector.extract %slice3A_240[0] : i32 from vector<1xi32>
    %shift_right_arithmetic3A_242 = arith.constant 7 : i32
    %shift_right_arithmetic3A_243 = arith.shrsi %squeeze3A_241, %shift_right_arithmetic3A_242 : i32
    %mul3A_244 = arith.constant 128 : i32
    %mul3A_245 = arith.muli %shift_right_arithmetic3A_243, %mul3A_244 : i32
    %dma_start3A_246 = arith.constant 0 : i32
    %dma_start3A_247 = arith.constant 10 : i32
    %dma_start3A_248 = arith.constant 0 : i32
    %dma_start3A_249 = arith.constant 0 : i32
    %dma_start3A_250 = arith.constant 0 : i32
    %dma_start3A_251 = tpu.memref_slice %arg6[%dma_start3A_246, %dma_start3A_247, %dma_start3A_248, %dma_start3A_249, %dma_start3A_250] : memref<2x16x2x8x128xf32, #tpu.memory_space<vmem>> -> memref<1x1x2x8x128xf32, #tpu.memory_space<vmem>>
    %dma_start3A_252 = tpu.memref_squeeze %dma_start3A_251 : memref<1x1x2x8x128xf32, #tpu.memory_space<vmem>> -> memref<2x8x128xf32, #tpu.memory_space<vmem>>
    %dma_start3A_253 = arith.constant 0 : i32
    %dma_start3A_254 = arith.constant 0 : i32
    %dma_start3A_255 = tpu.memref_slice %arg3[%dma_start3A_253, %dma_start3A_254, %mul3A_245] : memref<2x8x1000000xf32, #tpu.memory_space<hbm>> -> memref<2x8x128xf32, #tpu.memory_space<hbm>>
    %dma_start3A_256 = arith.constant 0 : i32
    %dma_start3A_257 = arith.constant 0 : i32
    %dma_start3A_258 = arith.constant 0 : i32
    %dma_start3A_259 = tpu.memref_slice %arg6[%dma_start3A_246, %dma_start3A_247, %dma_start3A_256, %dma_start3A_257, %dma_start3A_258] : memref<2x16x2x8x128xf32, #tpu.memory_space<vmem>> -> memref<1x1x2x8x128xf32, #tpu.memory_space<vmem>>
    %dma_start3A_260 = tpu.memref_squeeze %dma_start3A_259 : memref<1x1x2x8x128xf32, #tpu.memory_space<vmem>> -> memref<2x8x128xf32, #tpu.memory_space<vmem>>
    %dma_start3A_261 = arith.constant 0 : i32
    %dma_start3A_262 = arith.constant 0 : i32
    %dma_start3A_263 = tpu.memref_slice %arg3[%dma_start3A_261, %dma_start3A_262, %mul3A_245] : memref<2x8x1000000xf32, #tpu.memory_space<hbm>> -> memref<2x8x128xf32, #tpu.memory_space<hbm>>
    tpu.enqueue_dma source(%dma_start3A_263 : memref<2x8x128xf32, #tpu.memory_space<hbm>>) target(%dma_start3A_260 : memref<2x8x128xf32, #tpu.memory_space<vmem>>) target_semaphore(%arg8 : memref<!tpu.dma_semaphore, #tpu.memory_space<semaphore_mem>>)
    %slice3A_264 = vector.extract_strided_slice %get3A_3 {offsets = [11], sizes = [1], strides = [1]} : vector<16xi32> to vector<1xi32>
    %squeeze3A_265 = vector.extract %slice3A_264[0] : i32 from vector<1xi32>
    %shift_right_arithmetic3A_266 = arith.constant 7 : i32
    %shift_right_arithmetic3A_267 = arith.shrsi %squeeze3A_265, %shift_right_arithmetic3A_266 : i32
    %mul3A_268 = arith.constant 128 : i32
    %mul3A_269 = arith.muli %shift_right_arithmetic3A_267, %mul3A_268 : i32
    %dma_start3A_270 = arith.constant 0 : i32
    %dma_start3A_271 = arith.constant 11 : i32
    %dma_start3A_272 = arith.constant 0 : i32
    %dma_start3A_273 = arith.constant 0 : i32
    %dma_start3A_274 = arith.constant 0 : i32
    %dma_start3A_275 = tpu.memref_slice %arg6[%dma_start3A_270, %dma_start3A_271, %dma_start3A_272, %dma_start3A_273, %dma_start3A_274] : memref<2x16x2x8x128xf32, #tpu.memory_space<vmem>> -> memref<1x1x2x8x128xf32, #tpu.memory_space<vmem>>
    %dma_start3A_276 = tpu.memref_squeeze %dma_start3A_275 : memref<1x1x2x8x128xf32, #tpu.memory_space<vmem>> -> memref<2x8x128xf32, #tpu.memory_space<vmem>>
    %dma_start3A_277 = arith.constant 0 : i32
    %dma_start3A_278 = arith.constant 0 : i32
    %dma_start3A_279 = tpu.memref_slice %arg3[%dma_start3A_277, %dma_start3A_278, %mul3A_269] : memref<2x8x1000000xf32, #tpu.memory_space<hbm>> -> memref<2x8x128xf32, #tpu.memory_space<hbm>>
    %dma_start3A_280 = arith.constant 0 : i32
    %dma_start3A_281 = arith.constant 0 : i32
    %dma_start3A_282 = arith.constant 0 : i32
    %dma_start3A_283 = tpu.memref_slice %arg6[%dma_start3A_270, %dma_start3A_271, %dma_start3A_280, %dma_start3A_281, %dma_start3A_282] : memref<2x16x2x8x128xf32, #tpu.memory_space<vmem>> -> memref<1x1x2x8x128xf32, #tpu.memory_space<vmem>>
    %dma_start3A_284 = tpu.memref_squeeze %dma_start3A_283 : memref<1x1x2x8x128xf32, #tpu.memory_space<vmem>> -> memref<2x8x128xf32, #tpu.memory_space<vmem>>
    %dma_start3A_285 = arith.constant 0 : i32
    %dma_start3A_286 = arith.constant 0 : i32
    %dma_start3A_287 = tpu.memref_slice %arg3[%dma_start3A_285, %dma_start3A_286, %mul3A_269] : memref<2x8x1000000xf32, #tpu.memory_space<hbm>> -> memref<2x8x128xf32, #tpu.memory_space<hbm>>
    tpu.enqueue_dma source(%dma_start3A_287 : memref<2x8x128xf32, #tpu.memory_space<hbm>>) target(%dma_start3A_284 : memref<2x8x128xf32, #tpu.memory_space<vmem>>) target_semaphore(%arg8 : memref<!tpu.dma_semaphore, #tpu.memory_space<semaphore_mem>>)
    %slice3A_288 = vector.extract_strided_slice %get3A_3 {offsets = [12], sizes = [1], strides = [1]} : vector<16xi32> to vector<1xi32>
    %squeeze3A_289 = vector.extract %slice3A_288[0] : i32 from vector<1xi32>
    %shift_right_arithmetic3A_290 = arith.constant 7 : i32
    %shift_right_arithmetic3A_291 = arith.shrsi %squeeze3A_289, %shift_right_arithmetic3A_290 : i32
    %mul3A_292 = arith.constant 128 : i32
    %mul3A_293 = arith.muli %shift_right_arithmetic3A_291, %mul3A_292 : i32
    %dma_start3A_294 = arith.constant 0 : i32
    %dma_start3A_295 = arith.constant 12 : i32
    %dma_start3A_296 = arith.constant 0 : i32
    %dma_start3A_297 = arith.constant 0 : i32
    %dma_start3A_298 = arith.constant 0 : i32
    %dma_start3A_299 = tpu.memref_slice %arg6[%dma_start3A_294, %dma_start3A_295, %dma_start3A_296, %dma_start3A_297, %dma_start3A_298] : memref<2x16x2x8x128xf32, #tpu.memory_space<vmem>> -> memref<1x1x2x8x128xf32, #tpu.memory_space<vmem>>
    %dma_start3A_300 = tpu.memref_squeeze %dma_start3A_299 : memref<1x1x2x8x128xf32, #tpu.memory_space<vmem>> -> memref<2x8x128xf32, #tpu.memory_space<vmem>>
    %dma_start3A_301 = arith.constant 0 : i32
    %dma_start3A_302 = arith.constant 0 : i32
    %dma_start3A_303 = tpu.memref_slice %arg3[%dma_start3A_301, %dma_start3A_302, %mul3A_293] : memref<2x8x1000000xf32, #tpu.memory_space<hbm>> -> memref<2x8x128xf32, #tpu.memory_space<hbm>>
    %dma_start3A_304 = arith.constant 0 : i32
    %dma_start3A_305 = arith.constant 0 : i32
    %dma_start3A_306 = arith.constant 0 : i32
    %dma_start3A_307 = tpu.memref_slice %arg6[%dma_start3A_294, %dma_start3A_295, %dma_start3A_304, %dma_start3A_305, %dma_start3A_306] : memref<2x16x2x8x128xf32, #tpu.memory_space<vmem>> -> memref<1x1x2x8x128xf32, #tpu.memory_space<vmem>>
    %dma_start3A_308 = tpu.memref_squeeze %dma_start3A_307 : memref<1x1x2x8x128xf32, #tpu.memory_space<vmem>> -> memref<2x8x128xf32, #tpu.memory_space<vmem>>
    %dma_start3A_309 = arith.constant 0 : i32
    %dma_start3A_310 = arith.constant 0 : i32
    %dma_start3A_311 = tpu.memref_slice %arg3[%dma_start3A_309, %dma_start3A_310, %mul3A_293] : memref<2x8x1000000xf32, #tpu.memory_space<hbm>> -> memref<2x8x128xf32, #tpu.memory_space<hbm>>
    tpu.enqueue_dma source(%dma_start3A_311 : memref<2x8x128xf32, #tpu.memory_space<hbm>>) target(%dma_start3A_308 : memref<2x8x128xf32, #tpu.memory_space<vmem>>) target_semaphore(%arg8 : memref<!tpu.dma_semaphore, #tpu.memory_space<semaphore_mem>>)
    %slice3A_312 = vector.extract_strided_slice %get3A_3 {offsets = [13], sizes = [1], strides = [1]} : vector<16xi32> to vector<1xi32>
    %squeeze3A_313 = vector.extract %slice3A_312[0] : i32 from vector<1xi32>
    %shift_right_arithmetic3A_314 = arith.constant 7 : i32
    %shift_right_arithmetic3A_315 = arith.shrsi %squeeze3A_313, %shift_right_arithmetic3A_314 : i32
    %mul3A_316 = arith.constant 128 : i32
    %mul3A_317 = arith.muli %shift_right_arithmetic3A_315, %mul3A_316 : i32
    %dma_start3A_318 = arith.constant 0 : i32
    %dma_start3A_319 = arith.constant 13 : i32
    %dma_start3A_320 = arith.constant 0 : i32
    %dma_start3A_321 = arith.constant 0 : i32
    %dma_start3A_322 = arith.constant 0 : i32
    %dma_start3A_323 = tpu.memref_slice %arg6[%dma_start3A_318, %dma_start3A_319, %dma_start3A_320, %dma_start3A_321, %dma_start3A_322] : memref<2x16x2x8x128xf32, #tpu.memory_space<vmem>> -> memref<1x1x2x8x128xf32, #tpu.memory_space<vmem>>
    %dma_start3A_324 = tpu.memref_squeeze %dma_start3A_323 : memref<1x1x2x8x128xf32, #tpu.memory_space<vmem>> -> memref<2x8x128xf32, #tpu.memory_space<vmem>>
    %dma_start3A_325 = arith.constant 0 : i32
    %dma_start3A_326 = arith.constant 0 : i32
    %dma_start3A_327 = tpu.memref_slice %arg3[%dma_start3A_325, %dma_start3A_326, %mul3A_317] : memref<2x8x1000000xf32, #tpu.memory_space<hbm>> -> memref<2x8x128xf32, #tpu.memory_space<hbm>>
    %dma_start3A_328 = arith.constant 0 : i32
    %dma_start3A_329 = arith.constant 0 : i32
    %dma_start3A_330 = arith.constant 0 : i32
    %dma_start3A_331 = tpu.memref_slice %arg6[%dma_start3A_318, %dma_start3A_319, %dma_start3A_328, %dma_start3A_329, %dma_start3A_330] : memref<2x16x2x8x128xf32, #tpu.memory_space<vmem>> -> memref<1x1x2x8x128xf32, #tpu.memory_space<vmem>>
    %dma_start3A_332 = tpu.memref_squeeze %dma_start3A_331 : memref<1x1x2x8x128xf32, #tpu.memory_space<vmem>> -> memref<2x8x128xf32, #tpu.memory_space<vmem>>
    %dma_start3A_333 = arith.constant 0 : i32
    %dma_start3A_334 = arith.constant 0 : i32
    %dma_start3A_335 = tpu.memref_slice %arg3[%dma_start3A_333, %dma_start3A_334, %mul3A_317] : memref<2x8x1000000xf32, #tpu.memory_space<hbm>> -> memref<2x8x128xf32, #tpu.memory_space<hbm>>
    tpu.enqueue_dma source(%dma_start3A_335 : memref<2x8x128xf32, #tpu.memory_space<hbm>>) target(%dma_start3A_332 : memref<2x8x128xf32, #tpu.memory_space<vmem>>) target_semaphore(%arg8 : memref<!tpu.dma_semaphore, #tpu.memory_space<semaphore_mem>>)
    %slice3A_336 = vector.extract_strided_slice %get3A_3 {offsets = [14], sizes = [1], strides = [1]} : vector<16xi32> to vector<1xi32>
    %squeeze3A_337 = vector.extract %slice3A_336[0] : i32 from vector<1xi32>
    %shift_right_arithmetic3A_338 = arith.constant 7 : i32
    %shift_right_arithmetic3A_339 = arith.shrsi %squeeze3A_337, %shift_right_arithmetic3A_338 : i32
    %mul3A_340 = arith.constant 128 : i32
    %mul3A_341 = arith.muli %shift_right_arithmetic3A_339, %mul3A_340 : i32
    %dma_start3A_342 = arith.constant 0 : i32
    %dma_start3A_343 = arith.constant 14 : i32
    %dma_start3A_344 = arith.constant 0 : i32
    %dma_start3A_345 = arith.constant 0 : i32
    %dma_start3A_346 = arith.constant 0 : i32
    %dma_start3A_347 = tpu.memref_slice %arg6[%dma_start3A_342, %dma_start3A_343, %dma_start3A_344, %dma_start3A_345, %dma_start3A_346] : memref<2x16x2x8x128xf32, #tpu.memory_space<vmem>> -> memref<1x1x2x8x128xf32, #tpu.memory_space<vmem>>
    %dma_start3A_348 = tpu.memref_squeeze %dma_start3A_347 : memref<1x1x2x8x128xf32, #tpu.memory_space<vmem>> -> memref<2x8x128xf32, #tpu.memory_space<vmem>>
    %dma_start3A_349 = arith.constant 0 : i32
    %dma_start3A_350 = arith.constant 0 : i32
    %dma_start3A_351 = tpu.memref_slice %arg3[%dma_start3A_349, %dma_start3A_350, %mul3A_341] : memref<2x8x1000000xf32, #tpu.memory_space<hbm>> -> memref<2x8x128xf32, #tpu.memory_space<hbm>>
    %dma_start3A_352 = arith.constant 0 : i32
    %dma_start3A_353 = arith.constant 0 : i32
    %dma_start3A_354 = arith.constant 0 : i32
    %dma_start3A_355 = tpu.memref_slice %arg6[%dma_start3A_342, %dma_start3A_343, %dma_start3A_352, %dma_start3A_353, %dma_start3A_354] : memref<2x16x2x8x128xf32, #tpu.memory_space<vmem>> -> memref<1x1x2x8x128xf32, #tpu.memory_space<vmem>>
    %dma_start3A_356 = tpu.memref_squeeze %dma_start3A_355 : memref<1x1x2x8x128xf32, #tpu.memory_space<vmem>> -> memref<2x8x128xf32, #tpu.memory_space<vmem>>
    %dma_start3A_357 = arith.constant 0 : i32
    %dma_start3A_358 = arith.constant 0 : i32
    %dma_start3A_359 = tpu.memref_slice %arg3[%dma_start3A_357, %dma_start3A_358, %mul3A_341] : memref<2x8x1000000xf32, #tpu.memory_space<hbm>> -> memref<2x8x128xf32, #tpu.memory_space<hbm>>
    tpu.enqueue_dma source(%dma_start3A_359 : memref<2x8x128xf32, #tpu.memory_space<hbm>>) target(%dma_start3A_356 : memref<2x8x128xf32, #tpu.memory_space<vmem>>) target_semaphore(%arg8 : memref<!tpu.dma_semaphore, #tpu.memory_space<semaphore_mem>>)
    %slice3A_360 = vector.extract_strided_slice %get3A_3 {offsets = [15], sizes = [1], strides = [1]} : vector<16xi32> to vector<1xi32>
    %squeeze3A_361 = vector.extract %slice3A_360[0] : i32 from vector<1xi32>
    %shift_right_arithmetic3A_362 = arith.constant 7 : i32
    %shift_right_arithmetic3A_363 = arith.shrsi %squeeze3A_361, %shift_right_arithmetic3A_362 : i32
    %mul3A_364 = arith.constant 128 : i32
    %mul3A_365 = arith.muli %shift_right_arithmetic3A_363, %mul3A_364 : i32
    %dma_start3A_366 = arith.constant 0 : i32
    %dma_start3A_367 = arith.constant 15 : i32
    %dma_start3A_368 = arith.constant 0 : i32
    %dma_start3A_369 = arith.constant 0 : i32
    %dma_start3A_370 = arith.constant 0 : i32
    %dma_start3A_371 = tpu.memref_slice %arg6[%dma_start3A_366, %dma_start3A_367, %dma_start3A_368, %dma_start3A_369, %dma_start3A_370] : memref<2x16x2x8x128xf32, #tpu.memory_space<vmem>> -> memref<1x1x2x8x128xf32, #tpu.memory_space<vmem>>
    %dma_start3A_372 = tpu.memref_squeeze %dma_start3A_371 : memref<1x1x2x8x128xf32, #tpu.memory_space<vmem>> -> memref<2x8x128xf32, #tpu.memory_space<vmem>>
    %dma_start3A_373 = arith.constant 0 : i32
    %dma_start3A_374 = arith.constant 0 : i32
    %dma_start3A_375 = tpu.memref_slice %arg3[%dma_start3A_373, %dma_start3A_374, %mul3A_365] : memref<2x8x1000000xf32, #tpu.memory_space<hbm>> -> memref<2x8x128xf32, #tpu.memory_space<hbm>>
    %dma_start3A_376 = arith.constant 0 : i32
    %dma_start3A_377 = arith.constant 0 : i32
    %dma_start3A_378 = arith.constant 0 : i32
    %dma_start3A_379 = tpu.memref_slice %arg6[%dma_start3A_366, %dma_start3A_367, %dma_start3A_376, %dma_start3A_377, %dma_start3A_378] : memref<2x16x2x8x128xf32, #tpu.memory_space<vmem>> -> memref<1x1x2x8x128xf32, #tpu.memory_space<vmem>>
    %dma_start3A_380 = tpu.memref_squeeze %dma_start3A_379 : memref<1x1x2x8x128xf32, #tpu.memory_space<vmem>> -> memref<2x8x128xf32, #tpu.memory_space<vmem>>
    %dma_start3A_381 = arith.constant 0 : i32
    %dma_start3A_382 = arith.constant 0 : i32
    %dma_start3A_383 = tpu.memref_slice %arg3[%dma_start3A_381, %dma_start3A_382, %mul3A_365] : memref<2x8x1000000xf32, #tpu.memory_space<hbm>> -> memref<2x8x128xf32, #tpu.memory_space<hbm>>
    tpu.enqueue_dma source(%dma_start3A_383 : memref<2x8x128xf32, #tpu.memory_space<hbm>>) target(%dma_start3A_380 : memref<2x8x128xf32, #tpu.memory_space<vmem>>) target_semaphore(%arg8 : memref<!tpu.dma_semaphore, #tpu.memory_space<semaphore_mem>>)
    %scan3A = arith.constant 0 : i32
    %scan3A_384 = arith.constant 0 : i32
    %scan3A_385 = arith.constant 16 : i32
    %scan3A_386 = arith.addi %scan3A_384, %scan3A_385 : i32
    %scan3A_387 = arith.constant 1 : i32
    scf.for %scan3A_389 = %scan3A_384 to %scan3A_386 step %scan3A_387  : i32 {
      %mul3A_390 = arith.constant 2 : i32
      %mul3A_391 = arith.muli %mul3A_390, %scan3A_389 : i32
      %add3A_392 = arith.constant 1 : i32
      %add3A_393 = arith.addi %mul3A_391, %add3A_392 : i32
      %mul3A_394 = arith.constant 16 : i32
      %mul3A_395 = arith.muli %add3A_393, %mul3A_394 : i32
      %get3A_396 = arith.index_cast %mul3A_395 : i32 to index
      %get3A_397 = tpu.vector_load %arg5[%get3A_396] {strides = array<i32>} : memref<512xi32, #tpu.memory_space<vmem>>, vector<16xi32>,
      %slice3A_398 = vector.extract_strided_slice %get3A_397 {offsets = [0], sizes = [1], strides = [1]} : vector<16xi32> to vector<1xi32>
      %squeeze3A_399 = vector.extract %slice3A_398[0] : i32 from vector<1xi32>
      %shift_right_arithmetic3A_400 = arith.constant 7 : i32
      %shift_right_arithmetic3A_401 = arith.shrsi %squeeze3A_399, %shift_right_arithmetic3A_400 : i32
      %mul3A_402 = arith.constant 128 : i32
      %mul3A_403 = arith.muli %shift_right_arithmetic3A_401, %mul3A_402 : i32
      %dma_start3A_404 = arith.constant 1 : i32
      %dma_start3A_405 = arith.constant 0 : i32
      %dma_start3A_406 = arith.constant 0 : i32
      %dma_start3A_407 = arith.constant 0 : i32
      %dma_start3A_408 = arith.constant 0 : i32
      %dma_start3A_409 = tpu.memref_slice %arg6[%dma_start3A_404, %dma_start3A_405, %dma_start3A_406, %dma_start3A_407, %dma_start3A_408] : memref<2x16x2x8x128xf32, #tpu.memory_space<vmem>> -> memref<1x1x2x8x128xf32, #tpu.memory_space<vmem>>
      %dma_start3A_410 = tpu.memref_squeeze %dma_start3A_409 : memref<1x1x2x8x128xf32, #tpu.memory_space<vmem>> -> memref<2x8x128xf32, #tpu.memory_space<vmem>>
      %dma_start3A_411 = arith.constant 0 : i32
      %dma_start3A_412 = arith.constant 0 : i32
      %dma_start3A_413 = tpu.memref_slice %arg3[%dma_start3A_411, %dma_start3A_412, %mul3A_403] : memref<2x8x1000000xf32, #tpu.memory_space<hbm>> -> memref<2x8x128xf32, #tpu.memory_space<hbm>>
      %dma_start3A_414 = arith.constant 0 : i32
      %dma_start3A_415 = arith.constant 0 : i32
      %dma_start3A_416 = arith.constant 0 : i32
      %dma_start3A_417 = tpu.memref_slice %arg6[%dma_start3A_404, %dma_start3A_405, %dma_start3A_414, %dma_start3A_415, %dma_start3A_416] : memref<2x16x2x8x128xf32, #tpu.memory_space<vmem>> -> memref<1x1x2x8x128xf32, #tpu.memory_space<vmem>>
      %dma_start3A_418 = tpu.memref_squeeze %dma_start3A_417 : memref<1x1x2x8x128xf32, #tpu.memory_space<vmem>> -> memref<2x8x128xf32, #tpu.memory_space<vmem>>
      %dma_start3A_419 = arith.constant 0 : i32
      %dma_start3A_420 = arith.constant 0 : i32
      %dma_start3A_421 = tpu.memref_slice %arg3[%dma_start3A_419, %dma_start3A_420, %mul3A_403] : memref<2x8x1000000xf32, #tpu.memory_space<hbm>> -> memref<2x8x128xf32, #tpu.memory_space<hbm>>
      tpu.enqueue_dma source(%dma_start3A_421 : memref<2x8x128xf32, #tpu.memory_space<hbm>>) target(%dma_start3A_418 : memref<2x8x128xf32, #tpu.memory_space<vmem>>) target_semaphore(%arg9 : memref<!tpu.dma_semaphore, #tpu.memory_space<semaphore_mem>>)
      %slice3A_422 = vector.extract_strided_slice %get3A_397 {offsets = [1], sizes = [1], strides = [1]} : vector<16xi32> to vector<1xi32>
      %squeeze3A_423 = vector.extract %slice3A_422[0] : i32 from vector<1xi32>
      %shift_right_arithmetic3A_424 = arith.constant 7 : i32
      %shift_right_arithmetic3A_425 = arith.shrsi %squeeze3A_423, %shift_right_arithmetic3A_424 : i32
      %mul3A_426 = arith.constant 128 : i32
      %mul3A_427 = arith.muli %shift_right_arithmetic3A_425, %mul3A_426 : i32
      %dma_start3A_428 = arith.constant 1 : i32
      %dma_start3A_429 = arith.constant 1 : i32
      %dma_start3A_430 = arith.constant 0 : i32
      %dma_start3A_431 = arith.constant 0 : i32
      %dma_start3A_432 = arith.constant 0 : i32
      %dma_start3A_433 = tpu.memref_slice %arg6[%dma_start3A_428, %dma_start3A_429, %dma_start3A_430, %dma_start3A_431, %dma_start3A_432] : memref<2x16x2x8x128xf32, #tpu.memory_space<vmem>> -> memref<1x1x2x8x128xf32, #tpu.memory_space<vmem>>
      %dma_start3A_434 = tpu.memref_squeeze %dma_start3A_433 : memref<1x1x2x8x128xf32, #tpu.memory_space<vmem>> -> memref<2x8x128xf32, #tpu.memory_space<vmem>>
      %dma_start3A_435 = arith.constant 0 : i32
      %dma_start3A_436 = arith.constant 0 : i32
      %dma_start3A_437 = tpu.memref_slice %arg3[%dma_start3A_435, %dma_start3A_436, %mul3A_427] : memref<2x8x1000000xf32, #tpu.memory_space<hbm>> -> memref<2x8x128xf32, #tpu.memory_space<hbm>>
      %dma_start3A_438 = arith.constant 0 : i32
      %dma_start3A_439 = arith.constant 0 : i32
      %dma_start3A_440 = arith.constant 0 : i32
      %dma_start3A_441 = tpu.memref_slice %arg6[%dma_start3A_428, %dma_start3A_429, %dma_start3A_438, %dma_start3A_439, %dma_start3A_440] : memref<2x16x2x8x128xf32, #tpu.memory_space<vmem>> -> memref<1x1x2x8x128xf32, #tpu.memory_space<vmem>>
      %dma_start3A_442 = tpu.memref_squeeze %dma_start3A_441 : memref<1x1x2x8x128xf32, #tpu.memory_space<vmem>> -> memref<2x8x128xf32, #tpu.memory_space<vmem>>
      %dma_start3A_443 = arith.constant 0 : i32
      %dma_start3A_444 = arith.constant 0 : i32
      %dma_start3A_445 = tpu.memref_slice %arg3[%dma_start3A_443, %dma_start3A_444, %mul3A_427] : memref<2x8x1000000xf32, #tpu.memory_space<hbm>> -> memref<2x8x128xf32, #tpu.memory_space<hbm>>
      tpu.enqueue_dma source(%dma_start3A_445 : memref<2x8x128xf32, #tpu.memory_space<hbm>>) target(%dma_start3A_442 : memref<2x8x128xf32, #tpu.memory_space<vmem>>) target_semaphore(%arg9 : memref<!tpu.dma_semaphore, #tpu.memory_space<semaphore_mem>>)
      %slice3A_446 = vector.extract_strided_slice %get3A_397 {offsets = [2], sizes = [1], strides = [1]} : vector<16xi32> to vector<1xi32>
      %squeeze3A_447 = vector.extract %slice3A_446[0] : i32 from vector<1xi32>
      %shift_right_arithmetic3A_448 = arith.constant 7 : i32
      %shift_right_arithmetic3A_449 = arith.shrsi %squeeze3A_447, %shift_right_arithmetic3A_448 : i32
      %mul3A_450 = arith.constant 128 : i32
      %mul3A_451 = arith.muli %shift_right_arithmetic3A_449, %mul3A_450 : i32
      %dma_start3A_452 = arith.constant 1 : i32
      %dma_start3A_453 = arith.constant 2 : i32
      %dma_start3A_454 = arith.constant 0 : i32
      %dma_start3A_455 = arith.constant 0 : i32
      %dma_start3A_456 = arith.constant 0 : i32
      %dma_start3A_457 = tpu.memref_slice %arg6[%dma_start3A_452, %dma_start3A_453, %dma_start3A_454, %dma_start3A_455, %dma_start3A_456] : memref<2x16x2x8x128xf32, #tpu.memory_space<vmem>> -> memref<1x1x2x8x128xf32, #tpu.memory_space<vmem>>
      %dma_start3A_458 = tpu.memref_squeeze %dma_start3A_457 : memref<1x1x2x8x128xf32, #tpu.memory_space<vmem>> -> memref<2x8x128xf32, #tpu.memory_space<vmem>>
      %dma_start3A_459 = arith.constant 0 : i32
      %dma_start3A_460 = arith.constant 0 : i32
      %dma_start3A_461 = tpu.memref_slice %arg3[%dma_start3A_459, %dma_start3A_460, %mul3A_451] : memref<2x8x1000000xf32, #tpu.memory_space<hbm>> -> memref<2x8x128xf32, #tpu.memory_space<hbm>>
      %dma_start3A_462 = arith.constant 0 : i32
      %dma_start3A_463 = arith.constant 0 : i32
      %dma_start3A_464 = arith.constant 0 : i32
      %dma_start3A_465 = tpu.memref_slice %arg6[%dma_start3A_452, %dma_start3A_453, %dma_start3A_462, %dma_start3A_463, %dma_start3A_464] : memref<2x16x2x8x128xf32, #tpu.memory_space<vmem>> -> memref<1x1x2x8x128xf32, #tpu.memory_space<vmem>>
      %dma_start3A_466 = tpu.memref_squeeze %dma_start3A_465 : memref<1x1x2x8x128xf32, #tpu.memory_space<vmem>> -> memref<2x8x128xf32, #tpu.memory_space<vmem>>
      %dma_start3A_467 = arith.constant 0 : i32
      %dma_start3A_468 = arith.constant 0 : i32
      %dma_start3A_469 = tpu.memref_slice %arg3[%dma_start3A_467, %dma_start3A_468, %mul3A_451] : memref<2x8x1000000xf32, #tpu.memory_space<hbm>> -> memref<2x8x128xf32, #tpu.memory_space<hbm>>
      tpu.enqueue_dma source(%dma_start3A_469 : memref<2x8x128xf32, #tpu.memory_space<hbm>>) target(%dma_start3A_466 : memref<2x8x128xf32, #tpu.memory_space<vmem>>) target_semaphore(%arg9 : memref<!tpu.dma_semaphore, #tpu.memory_space<semaphore_mem>>)
      %slice3A_470 = vector.extract_strided_slice %get3A_397 {offsets = [3], sizes = [1], strides = [1]} : vector<16xi32> to vector<1xi32>
      %squeeze3A_471 = vector.extract %slice3A_470[0] : i32 from vector<1xi32>
      %shift_right_arithmetic3A_472 = arith.constant 7 : i32
      %shift_right_arithmetic3A_473 = arith.shrsi %squeeze3A_471, %shift_right_arithmetic3A_472 : i32
      %mul3A_474 = arith.constant 128 : i32
      %mul3A_475 = arith.muli %shift_right_arithmetic3A_473, %mul3A_474 : i32
      %dma_start3A_476 = arith.constant 1 : i32
      %dma_start3A_477 = arith.constant 3 : i32
      %dma_start3A_478 = arith.constant 0 : i32
      %dma_start3A_479 = arith.constant 0 : i32
      %dma_start3A_480 = arith.constant 0 : i32
      %dma_start3A_481 = tpu.memref_slice %arg6[%dma_start3A_476, %dma_start3A_477, %dma_start3A_478, %dma_start3A_479, %dma_start3A_480] : memref<2x16x2x8x128xf32, #tpu.memory_space<vmem>> -> memref<1x1x2x8x128xf32, #tpu.memory_space<vmem>>
      %dma_start3A_482 = tpu.memref_squeeze %dma_start3A_481 : memref<1x1x2x8x128xf32, #tpu.memory_space<vmem>> -> memref<2x8x128xf32, #tpu.memory_space<vmem>>
      %dma_start3A_483 = arith.constant 0 : i32
      %dma_start3A_484 = arith.constant 0 : i32
      %dma_start3A_485 = tpu.memref_slice %arg3[%dma_start3A_483, %dma_start3A_484, %mul3A_475] : memref<2x8x1000000xf32, #tpu.memory_space<hbm>> -> memref<2x8x128xf32, #tpu.memory_space<hbm>>
      %dma_start3A_486 = arith.constant 0 : i32
      %dma_start3A_487 = arith.constant 0 : i32
      %dma_start3A_488 = arith.constant 0 : i32
      %dma_start3A_489 = tpu.memref_slice %arg6[%dma_start3A_476, %dma_start3A_477, %dma_start3A_486, %dma_start3A_487, %dma_start3A_488] : memref<2x16x2x8x128xf32, #tpu.memory_space<vmem>> -> memref<1x1x2x8x128xf32, #tpu.memory_space<vmem>>
      %dma_start3A_490 = tpu.memref_squeeze %dma_start3A_489 : memref<1x1x2x8x128xf32, #tpu.memory_space<vmem>> -> memref<2x8x128xf32, #tpu.memory_space<vmem>>
      %dma_start3A_491 = arith.constant 0 : i32
      %dma_start3A_492 = arith.constant 0 : i32
      %dma_start3A_493 = tpu.memref_slice %arg3[%dma_start3A_491, %dma_start3A_492, %mul3A_475] : memref<2x8x1000000xf32, #tpu.memory_space<hbm>> -> memref<2x8x128xf32, #tpu.memory_space<hbm>>
      tpu.enqueue_dma source(%dma_start3A_493 : memref<2x8x128xf32, #tpu.memory_space<hbm>>) target(%dma_start3A_490 : memref<2x8x128xf32, #tpu.memory_space<vmem>>) target_semaphore(%arg9 : memref<!tpu.dma_semaphore, #tpu.memory_space<semaphore_mem>>)
      %slice3A_494 = vector.extract_strided_slice %get3A_397 {offsets = [4], sizes = [1], strides = [1]} : vector<16xi32> to vector<1xi32>
      %squeeze3A_495 = vector.extract %slice3A_494[0] : i32 from vector<1xi32>
      %shift_right_arithmetic3A_496 = arith.constant 7 : i32
      %shift_right_arithmetic3A_497 = arith.shrsi %squeeze3A_495, %shift_right_arithmetic3A_496 : i32
      %mul3A_498 = arith.constant 128 : i32
      %mul3A_499 = arith.muli %shift_right_arithmetic3A_497, %mul3A_498 : i32
      %dma_start3A_500 = arith.constant 1 : i32
      %dma_start3A_501 = arith.constant 4 : i32
      %dma_start3A_502 = arith.constant 0 : i32
      %dma_start3A_503 = arith.constant 0 : i32
      %dma_start3A_504 = arith.constant 0 : i32
      %dma_start3A_505 = tpu.memref_slice %arg6[%dma_start3A_500, %dma_start3A_501, %dma_start3A_502, %dma_start3A_503, %dma_start3A_504] : memref<2x16x2x8x128xf32, #tpu.memory_space<vmem>> -> memref<1x1x2x8x128xf32, #tpu.memory_space<vmem>>
      %dma_start3A_506 = tpu.memref_squeeze %dma_start3A_505 : memref<1x1x2x8x128xf32, #tpu.memory_space<vmem>> -> memref<2x8x128xf32, #tpu.memory_space<vmem>>
      %dma_start3A_507 = arith.constant 0 : i32
      %dma_start3A_508 = arith.constant 0 : i32
      %dma_start3A_509 = tpu.memref_slice %arg3[%dma_start3A_507, %dma_start3A_508, %mul3A_499] : memref<2x8x1000000xf32, #tpu.memory_space<hbm>> -> memref<2x8x128xf32, #tpu.memory_space<hbm>>
      %dma_start3A_510 = arith.constant 0 : i32
      %dma_start3A_511 = arith.constant 0 : i32
      %dma_start3A_512 = arith.constant 0 : i32
      %dma_start3A_513 = tpu.memref_slice %arg6[%dma_start3A_500, %dma_start3A_501, %dma_start3A_510, %dma_start3A_511, %dma_start3A_512] : memref<2x16x2x8x128xf32, #tpu.memory_space<vmem>> -> memref<1x1x2x8x128xf32, #tpu.memory_space<vmem>>
      %dma_start3A_514 = tpu.memref_squeeze %dma_start3A_513 : memref<1x1x2x8x128xf32, #tpu.memory_space<vmem>> -> memref<2x8x128xf32, #tpu.memory_space<vmem>>
      %dma_start3A_515 = arith.constant 0 : i32
      %dma_start3A_516 = arith.constant 0 : i32
      %dma_start3A_517 = tpu.memref_slice %arg3[%dma_start3A_515, %dma_start3A_516, %mul3A_499] : memref<2x8x1000000xf32, #tpu.memory_space<hbm>> -> memref<2x8x128xf32, #tpu.memory_space<hbm>>
      tpu.enqueue_dma source(%dma_start3A_517 : memref<2x8x128xf32, #tpu.memory_space<hbm>>) target(%dma_start3A_514 : memref<2x8x128xf32, #tpu.memory_space<vmem>>) target_semaphore(%arg9 : memref<!tpu.dma_semaphore, #tpu.memory_space<semaphore_mem>>)
      %slice3A_518 = vector.extract_strided_slice %get3A_397 {offsets = [5], sizes = [1], strides = [1]} : vector<16xi32> to vector<1xi32>
      %squeeze3A_519 = vector.extract %slice3A_518[0] : i32 from vector<1xi32>
      %shift_right_arithmetic3A_520 = arith.constant 7 : i32
      %shift_right_arithmetic3A_521 = arith.shrsi %squeeze3A_519, %shift_right_arithmetic3A_520 : i32
      %mul3A_522 = arith.constant 128 : i32
      %mul3A_523 = arith.muli %shift_right_arithmetic3A_521, %mul3A_522 : i32
      %dma_start3A_524 = arith.constant 1 : i32
      %dma_start3A_525 = arith.constant 5 : i32
      %dma_start3A_526 = arith.constant 0 : i32
      %dma_start3A_527 = arith.constant 0 : i32
      %dma_start3A_528 = arith.constant 0 : i32
      %dma_start3A_529 = tpu.memref_slice %arg6[%dma_start3A_524, %dma_start3A_525, %dma_start3A_526, %dma_start3A_527, %dma_start3A_528] : memref<2x16x2x8x128xf32, #tpu.memory_space<vmem>> -> memref<1x1x2x8x128xf32, #tpu.memory_space<vmem>>
      %dma_start3A_530 = tpu.memref_squeeze %dma_start3A_529 : memref<1x1x2x8x128xf32, #tpu.memory_space<vmem>> -> memref<2x8x128xf32, #tpu.memory_space<vmem>>
      %dma_start3A_531 = arith.constant 0 : i32
      %dma_start3A_532 = arith.constant 0 : i32
      %dma_start3A_533 = tpu.memref_slice %arg3[%dma_start3A_531, %dma_start3A_532, %mul3A_523] : memref<2x8x1000000xf32, #tpu.memory_space<hbm>> -> memref<2x8x128xf32, #tpu.memory_space<hbm>>
      %dma_start3A_534 = arith.constant 0 : i32
      %dma_start3A_535 = arith.constant 0 : i32
      %dma_start3A_536 = arith.constant 0 : i32
      %dma_start3A_537 = tpu.memref_slice %arg6[%dma_start3A_524, %dma_start3A_525, %dma_start3A_534, %dma_start3A_535, %dma_start3A_536] : memref<2x16x2x8x128xf32, #tpu.memory_space<vmem>> -> memref<1x1x2x8x128xf32, #tpu.memory_space<vmem>>
      %dma_start3A_538 = tpu.memref_squeeze %dma_start3A_537 : memref<1x1x2x8x128xf32, #tpu.memory_space<vmem>> -> memref<2x8x128xf32, #tpu.memory_space<vmem>>
      %dma_start3A_539 = arith.constant 0 : i32
      %dma_start3A_540 = arith.constant 0 : i32
      %dma_start3A_541 = tpu.memref_slice %arg3[%dma_start3A_539, %dma_start3A_540, %mul3A_523] : memref<2x8x1000000xf32, #tpu.memory_space<hbm>> -> memref<2x8x128xf32, #tpu.memory_space<hbm>>
      tpu.enqueue_dma source(%dma_start3A_541 : memref<2x8x128xf32, #tpu.memory_space<hbm>>) target(%dma_start3A_538 : memref<2x8x128xf32, #tpu.memory_space<vmem>>) target_semaphore(%arg9 : memref<!tpu.dma_semaphore, #tpu.memory_space<semaphore_mem>>)
      %slice3A_542 = vector.extract_strided_slice %get3A_397 {offsets = [6], sizes = [1], strides = [1]} : vector<16xi32> to vector<1xi32>
      %squeeze3A_543 = vector.extract %slice3A_542[0] : i32 from vector<1xi32>
      %shift_right_arithmetic3A_544 = arith.constant 7 : i32
      %shift_right_arithmetic3A_545 = arith.shrsi %squeeze3A_543, %shift_right_arithmetic3A_544 : i32
      %mul3A_546 = arith.constant 128 : i32
      %mul3A_547 = arith.muli %shift_right_arithmetic3A_545, %mul3A_546 : i32
      %dma_start3A_548 = arith.constant 1 : i32
      %dma_start3A_549 = arith.constant 6 : i32
      %dma_start3A_550 = arith.constant 0 : i32
      %dma_start3A_551 = arith.constant 0 : i32
      %dma_start3A_552 = arith.constant 0 : i32
      %dma_start3A_553 = tpu.memref_slice %arg6[%dma_start3A_548, %dma_start3A_549, %dma_start3A_550, %dma_start3A_551, %dma_start3A_552] : memref<2x16x2x8x128xf32, #tpu.memory_space<vmem>> -> memref<1x1x2x8x128xf32, #tpu.memory_space<vmem>>
      %dma_start3A_554 = tpu.memref_squeeze %dma_start3A_553 : memref<1x1x2x8x128xf32, #tpu.memory_space<vmem>> -> memref<2x8x128xf32, #tpu.memory_space<vmem>>
      %dma_start3A_555 = arith.constant 0 : i32
      %dma_start3A_556 = arith.constant 0 : i32
      %dma_start3A_557 = tpu.memref_slice %arg3[%dma_start3A_555, %dma_start3A_556, %mul3A_547] : memref<2x8x1000000xf32, #tpu.memory_space<hbm>> -> memref<2x8x128xf32, #tpu.memory_space<hbm>>
      %dma_start3A_558 = arith.constant 0 : i32
      %dma_start3A_559 = arith.constant 0 : i32
      %dma_start3A_560 = arith.constant 0 : i32
      %dma_start3A_561 = tpu.memref_slice %arg6[%dma_start3A_548, %dma_start3A_549, %dma_start3A_558, %dma_start3A_559, %dma_start3A_560] : memref<2x16x2x8x128xf32, #tpu.memory_space<vmem>> -> memref<1x1x2x8x128xf32, #tpu.memory_space<vmem>>
      %dma_start3A_562 = tpu.memref_squeeze %dma_start3A_561 : memref<1x1x2x8x128xf32, #tpu.memory_space<vmem>> -> memref<2x8x128xf32, #tpu.memory_space<vmem>>
      %dma_start3A_563 = arith.constant 0 : i32
      %dma_start3A_564 = arith.constant 0 : i32
      %dma_start3A_565 = tpu.memref_slice %arg3[%dma_start3A_563, %dma_start3A_564, %mul3A_547] : memref<2x8x1000000xf32, #tpu.memory_space<hbm>> -> memref<2x8x128xf32, #tpu.memory_space<hbm>>
      tpu.enqueue_dma source(%dma_start3A_565 : memref<2x8x128xf32, #tpu.memory_space<hbm>>) target(%dma_start3A_562 : memref<2x8x128xf32, #tpu.memory_space<vmem>>) target_semaphore(%arg9 : memref<!tpu.dma_semaphore, #tpu.memory_space<semaphore_mem>>)
      %slice3A_566 = vector.extract_strided_slice %get3A_397 {offsets = [7], sizes = [1], strides = [1]} : vector<16xi32> to vector<1xi32>
      %squeeze3A_567 = vector.extract %slice3A_566[0] : i32 from vector<1xi32>
      %shift_right_arithmetic3A_568 = arith.constant 7 : i32
      %shift_right_arithmetic3A_569 = arith.shrsi %squeeze3A_567, %shift_right_arithmetic3A_568 : i32
      %mul3A_570 = arith.constant 128 : i32
      %mul3A_571 = arith.muli %shift_right_arithmetic3A_569, %mul3A_570 : i32
      %dma_start3A_572 = arith.constant 1 : i32
      %dma_start3A_573 = arith.constant 7 : i32
      %dma_start3A_574 = arith.constant 0 : i32
      %dma_start3A_575 = arith.constant 0 : i32
      %dma_start3A_576 = arith.constant 0 : i32
      %dma_start3A_577 = tpu.memref_slice %arg6[%dma_start3A_572, %dma_start3A_573, %dma_start3A_574, %dma_start3A_575, %dma_start3A_576] : memref<2x16x2x8x128xf32, #tpu.memory_space<vmem>> -> memref<1x1x2x8x128xf32, #tpu.memory_space<vmem>>
      %dma_start3A_578 = tpu.memref_squeeze %dma_start3A_577 : memref<1x1x2x8x128xf32, #tpu.memory_space<vmem>> -> memref<2x8x128xf32, #tpu.memory_space<vmem>>
      %dma_start3A_579 = arith.constant 0 : i32
      %dma_start3A_580 = arith.constant 0 : i32
      %dma_start3A_581 = tpu.memref_slice %arg3[%dma_start3A_579, %dma_start3A_580, %mul3A_571] : memref<2x8x1000000xf32, #tpu.memory_space<hbm>> -> memref<2x8x128xf32, #tpu.memory_space<hbm>>
      %dma_start3A_582 = arith.constant 0 : i32
      %dma_start3A_583 = arith.constant 0 : i32
      %dma_start3A_584 = arith.constant 0 : i32
      %dma_start3A_585 = tpu.memref_slice %arg6[%dma_start3A_572, %dma_start3A_573, %dma_start3A_582, %dma_start3A_583, %dma_start3A_584] : memref<2x16x2x8x128xf32, #tpu.memory_space<vmem>> -> memref<1x1x2x8x128xf32, #tpu.memory_space<vmem>>
      %dma_start3A_586 = tpu.memref_squeeze %dma_start3A_585 : memref<1x1x2x8x128xf32, #tpu.memory_space<vmem>> -> memref<2x8x128xf32, #tpu.memory_space<vmem>>
      %dma_start3A_587 = arith.constant 0 : i32
      %dma_start3A_588 = arith.constant 0 : i32
      %dma_start3A_589 = tpu.memref_slice %arg3[%dma_start3A_587, %dma_start3A_588, %mul3A_571] : memref<2x8x1000000xf32, #tpu.memory_space<hbm>> -> memref<2x8x128xf32, #tpu.memory_space<hbm>>
      tpu.enqueue_dma source(%dma_start3A_589 : memref<2x8x128xf32, #tpu.memory_space<hbm>>) target(%dma_start3A_586 : memref<2x8x128xf32, #tpu.memory_space<vmem>>) target_semaphore(%arg9 : memref<!tpu.dma_semaphore, #tpu.memory_space<semaphore_mem>>)
      %slice3A_590 = vector.extract_strided_slice %get3A_397 {offsets = [8], sizes = [1], strides = [1]} : vector<16xi32> to vector<1xi32>
      %squeeze3A_591 = vector.extract %slice3A_590[0] : i32 from vector<1xi32>
      %shift_right_arithmetic3A_592 = arith.constant 7 : i32
      %shift_right_arithmetic3A_593 = arith.shrsi %squeeze3A_591, %shift_right_arithmetic3A_592 : i32
      %mul3A_594 = arith.constant 128 : i32
      %mul3A_595 = arith.muli %shift_right_arithmetic3A_593, %mul3A_594 : i32
      %dma_start3A_596 = arith.constant 1 : i32
      %dma_start3A_597 = arith.constant 8 : i32
      %dma_start3A_598 = arith.constant 0 : i32
      %dma_start3A_599 = arith.constant 0 : i32
      %dma_start3A_600 = arith.constant 0 : i32
      %dma_start3A_601 = tpu.memref_slice %arg6[%dma_start3A_596, %dma_start3A_597, %dma_start3A_598, %dma_start3A_599, %dma_start3A_600] : memref<2x16x2x8x128xf32, #tpu.memory_space<vmem>> -> memref<1x1x2x8x128xf32, #tpu.memory_space<vmem>>
      %dma_start3A_602 = tpu.memref_squeeze %dma_start3A_601 : memref<1x1x2x8x128xf32, #tpu.memory_space<vmem>> -> memref<2x8x128xf32, #tpu.memory_space<vmem>>
      %dma_start3A_603 = arith.constant 0 : i32
      %dma_start3A_604 = arith.constant 0 : i32
      %dma_start3A_605 = tpu.memref_slice %arg3[%dma_start3A_603, %dma_start3A_604, %mul3A_595] : memref<2x8x1000000xf32, #tpu.memory_space<hbm>> -> memref<2x8x128xf32, #tpu.memory_space<hbm>>
      %dma_start3A_606 = arith.constant 0 : i32
      %dma_start3A_607 = arith.constant 0 : i32
      %dma_start3A_608 = arith.constant 0 : i32
      %dma_start3A_609 = tpu.memref_slice %arg6[%dma_start3A_596, %dma_start3A_597, %dma_start3A_606, %dma_start3A_607, %dma_start3A_608] : memref<2x16x2x8x128xf32, #tpu.memory_space<vmem>> -> memref<1x1x2x8x128xf32, #tpu.memory_space<vmem>>
      %dma_start3A_610 = tpu.memref_squeeze %dma_start3A_609 : memref<1x1x2x8x128xf32, #tpu.memory_space<vmem>> -> memref<2x8x128xf32, #tpu.memory_space<vmem>>
      %dma_start3A_611 = arith.constant 0 : i32
      %dma_start3A_612 = arith.constant 0 : i32
      %dma_start3A_613 = tpu.memref_slice %arg3[%dma_start3A_611, %dma_start3A_612, %mul3A_595] : memref<2x8x1000000xf32, #tpu.memory_space<hbm>> -> memref<2x8x128xf32, #tpu.memory_space<hbm>>
      tpu.enqueue_dma source(%dma_start3A_613 : memref<2x8x128xf32, #tpu.memory_space<hbm>>) target(%dma_start3A_610 : memref<2x8x128xf32, #tpu.memory_space<vmem>>) target_semaphore(%arg9 : memref<!tpu.dma_semaphore, #tpu.memory_space<semaphore_mem>>)
      %slice3A_614 = vector.extract_strided_slice %get3A_397 {offsets = [9], sizes = [1], strides = [1]} : vector<16xi32> to vector<1xi32>
      %squeeze3A_615 = vector.extract %slice3A_614[0] : i32 from vector<1xi32>
      %shift_right_arithmetic3A_616 = arith.constant 7 : i32
      %shift_right_arithmetic3A_617 = arith.shrsi %squeeze3A_615, %shift_right_arithmetic3A_616 : i32
      %mul3A_618 = arith.constant 128 : i32
      %mul3A_619 = arith.muli %shift_right_arithmetic3A_617, %mul3A_618 : i32
      %dma_start3A_620 = arith.constant 1 : i32
      %dma_start3A_621 = arith.constant 9 : i32
      %dma_start3A_622 = arith.constant 0 : i32
      %dma_start3A_623 = arith.constant 0 : i32
      %dma_start3A_624 = arith.constant 0 : i32
      %dma_start3A_625 = tpu.memref_slice %arg6[%dma_start3A_620, %dma_start3A_621, %dma_start3A_622, %dma_start3A_623, %dma_start3A_624] : memref<2x16x2x8x128xf32, #tpu.memory_space<vmem>> -> memref<1x1x2x8x128xf32, #tpu.memory_space<vmem>>
      %dma_start3A_626 = tpu.memref_squeeze %dma_start3A_625 : memref<1x1x2x8x128xf32, #tpu.memory_space<vmem>> -> memref<2x8x128xf32, #tpu.memory_space<vmem>>
      %dma_start3A_627 = arith.constant 0 : i32
      %dma_start3A_628 = arith.constant 0 : i32
      %dma_start3A_629 = tpu.memref_slice %arg3[%dma_start3A_627, %dma_start3A_628, %mul3A_619] : memref<2x8x1000000xf32, #tpu.memory_space<hbm>> -> memref<2x8x128xf32, #tpu.memory_space<hbm>>
      %dma_start3A_630 = arith.constant 0 : i32
      %dma_start3A_631 = arith.constant 0 : i32
      %dma_start3A_632 = arith.constant 0 : i32
      %dma_start3A_633 = tpu.memref_slice %arg6[%dma_start3A_620, %dma_start3A_621, %dma_start3A_630, %dma_start3A_631, %dma_start3A_632] : memref<2x16x2x8x128xf32, #tpu.memory_space<vmem>> -> memref<1x1x2x8x128xf32, #tpu.memory_space<vmem>>
      %dma_start3A_634 = tpu.memref_squeeze %dma_start3A_633 : memref<1x1x2x8x128xf32, #tpu.memory_space<vmem>> -> memref<2x8x128xf32, #tpu.memory_space<vmem>>
      %dma_start3A_635 = arith.constant 0 : i32
      %dma_start3A_636 = arith.constant 0 : i32
      %dma_start3A_637 = tpu.memref_slice %arg3[%dma_start3A_635, %dma_start3A_636, %mul3A_619] : memref<2x8x1000000xf32, #tpu.memory_space<hbm>> -> memref<2x8x128xf32, #tpu.memory_space<hbm>>
      tpu.enqueue_dma source(%dma_start3A_637 : memref<2x8x128xf32, #tpu.memory_space<hbm>>) target(%dma_start3A_634 : memref<2x8x128xf32, #tpu.memory_space<vmem>>) target_semaphore(%arg9 : memref<!tpu.dma_semaphore, #tpu.memory_space<semaphore_mem>>)
      %slice3A_638 = vector.extract_strided_slice %get3A_397 {offsets = [10], sizes = [1], strides = [1]} : vector<16xi32> to vector<1xi32>
      %squeeze3A_639 = vector.extract %slice3A_638[0] : i32 from vector<1xi32>
      %shift_right_arithmetic3A_640 = arith.constant 7 : i32
      %shift_right_arithmetic3A_641 = arith.shrsi %squeeze3A_639, %shift_right_arithmetic3A_640 : i32
      %mul3A_642 = arith.constant 128 : i32
      %mul3A_643 = arith.muli %shift_right_arithmetic3A_641, %mul3A_642 : i32
      %dma_start3A_644 = arith.constant 1 : i32
      %dma_start3A_645 = arith.constant 10 : i32
      %dma_start3A_646 = arith.constant 0 : i32
      %dma_start3A_647 = arith.constant 0 : i32
      %dma_start3A_648 = arith.constant 0 : i32
      %dma_start3A_649 = tpu.memref_slice %arg6[%dma_start3A_644, %dma_start3A_645, %dma_start3A_646, %dma_start3A_647, %dma_start3A_648] : memref<2x16x2x8x128xf32, #tpu.memory_space<vmem>> -> memref<1x1x2x8x128xf32, #tpu.memory_space<vmem>>
      %dma_start3A_650 = tpu.memref_squeeze %dma_start3A_649 : memref<1x1x2x8x128xf32, #tpu.memory_space<vmem>> -> memref<2x8x128xf32, #tpu.memory_space<vmem>>
      %dma_start3A_651 = arith.constant 0 : i32
      %dma_start3A_652 = arith.constant 0 : i32
      %dma_start3A_653 = tpu.memref_slice %arg3[%dma_start3A_651, %dma_start3A_652, %mul3A_643] : memref<2x8x1000000xf32, #tpu.memory_space<hbm>> -> memref<2x8x128xf32, #tpu.memory_space<hbm>>
      %dma_start3A_654 = arith.constant 0 : i32
      %dma_start3A_655 = arith.constant 0 : i32
      %dma_start3A_656 = arith.constant 0 : i32
      %dma_start3A_657 = tpu.memref_slice %arg6[%dma_start3A_644, %dma_start3A_645, %dma_start3A_654, %dma_start3A_655, %dma_start3A_656] : memref<2x16x2x8x128xf32, #tpu.memory_space<vmem>> -> memref<1x1x2x8x128xf32, #tpu.memory_space<vmem>>
      %dma_start3A_658 = tpu.memref_squeeze %dma_start3A_657 : memref<1x1x2x8x128xf32, #tpu.memory_space<vmem>> -> memref<2x8x128xf32, #tpu.memory_space<vmem>>
      %dma_start3A_659 = arith.constant 0 : i32
      %dma_start3A_660 = arith.constant 0 : i32
      %dma_start3A_661 = tpu.memref_slice %arg3[%dma_start3A_659, %dma_start3A_660, %mul3A_643] : memref<2x8x1000000xf32, #tpu.memory_space<hbm>> -> memref<2x8x128xf32, #tpu.memory_space<hbm>>
      tpu.enqueue_dma source(%dma_start3A_661 : memref<2x8x128xf32, #tpu.memory_space<hbm>>) target(%dma_start3A_658 : memref<2x8x128xf32, #tpu.memory_space<vmem>>) target_semaphore(%arg9 : memref<!tpu.dma_semaphore, #tpu.memory_space<semaphore_mem>>)
      %slice3A_662 = vector.extract_strided_slice %get3A_397 {offsets = [11], sizes = [1], strides = [1]} : vector<16xi32> to vector<1xi32>
      %squeeze3A_663 = vector.extract %slice3A_662[0] : i32 from vector<1xi32>
      %shift_right_arithmetic3A_664 = arith.constant 7 : i32
      %shift_right_arithmetic3A_665 = arith.shrsi %squeeze3A_663, %shift_right_arithmetic3A_664 : i32
      %mul3A_666 = arith.constant 128 : i32
      %mul3A_667 = arith.muli %shift_right_arithmetic3A_665, %mul3A_666 : i32
      %dma_start3A_668 = arith.constant 1 : i32
      %dma_start3A_669 = arith.constant 11 : i32
      %dma_start3A_670 = arith.constant 0 : i32
      %dma_start3A_671 = arith.constant 0 : i32
      %dma_start3A_672 = arith.constant 0 : i32
      %dma_start3A_673 = tpu.memref_slice %arg6[%dma_start3A_668, %dma_start3A_669, %dma_start3A_670, %dma_start3A_671, %dma_start3A_672] : memref<2x16x2x8x128xf32, #tpu.memory_space<vmem>> -> memref<1x1x2x8x128xf32, #tpu.memory_space<vmem>>
      %dma_start3A_674 = tpu.memref_squeeze %dma_start3A_673 : memref<1x1x2x8x128xf32, #tpu.memory_space<vmem>> -> memref<2x8x128xf32, #tpu.memory_space<vmem>>
      %dma_start3A_675 = arith.constant 0 : i32
      %dma_start3A_676 = arith.constant 0 : i32
      %dma_start3A_677 = tpu.memref_slice %arg3[%dma_start3A_675, %dma_start3A_676, %mul3A_667] : memref<2x8x1000000xf32, #tpu.memory_space<hbm>> -> memref<2x8x128xf32, #tpu.memory_space<hbm>>
      %dma_start3A_678 = arith.constant 0 : i32
      %dma_start3A_679 = arith.constant 0 : i32
      %dma_start3A_680 = arith.constant 0 : i32
      %dma_start3A_681 = tpu.memref_slice %arg6[%dma_start3A_668, %dma_start3A_669, %dma_start3A_678, %dma_start3A_679, %dma_start3A_680] : memref<2x16x2x8x128xf32, #tpu.memory_space<vmem>> -> memref<1x1x2x8x128xf32, #tpu.memory_space<vmem>>
      %dma_start3A_682 = tpu.memref_squeeze %dma_start3A_681 : memref<1x1x2x8x128xf32, #tpu.memory_space<vmem>> -> memref<2x8x128xf32, #tpu.memory_space<vmem>>
      %dma_start3A_683 = arith.constant 0 : i32
      %dma_start3A_684 = arith.constant 0 : i32
      %dma_start3A_685 = tpu.memref_slice %arg3[%dma_start3A_683, %dma_start3A_684, %mul3A_667] : memref<2x8x1000000xf32, #tpu.memory_space<hbm>> -> memref<2x8x128xf32, #tpu.memory_space<hbm>>
      tpu.enqueue_dma source(%dma_start3A_685 : memref<2x8x128xf32, #tpu.memory_space<hbm>>) target(%dma_start3A_682 : memref<2x8x128xf32, #tpu.memory_space<vmem>>) target_semaphore(%arg9 : memref<!tpu.dma_semaphore, #tpu.memory_space<semaphore_mem>>)
      %slice3A_686 = vector.extract_strided_slice %get3A_397 {offsets = [12], sizes = [1], strides = [1]} : vector<16xi32> to vector<1xi32>
      %squeeze3A_687 = vector.extract %slice3A_686[0] : i32 from vector<1xi32>
      %shift_right_arithmetic3A_688 = arith.constant 7 : i32
      %shift_right_arithmetic3A_689 = arith.shrsi %squeeze3A_687, %shift_right_arithmetic3A_688 : i32
      %mul3A_690 = arith.constant 128 : i32
      %mul3A_691 = arith.muli %shift_right_arithmetic3A_689, %mul3A_690 : i32
      %dma_start3A_692 = arith.constant 1 : i32
      %dma_start3A_693 = arith.constant 12 : i32
      %dma_start3A_694 = arith.constant 0 : i32
      %dma_start3A_695 = arith.constant 0 : i32
      %dma_start3A_696 = arith.constant 0 : i32
      %dma_start3A_697 = tpu.memref_slice %arg6[%dma_start3A_692, %dma_start3A_693, %dma_start3A_694, %dma_start3A_695, %dma_start3A_696] : memref<2x16x2x8x128xf32, #tpu.memory_space<vmem>> -> memref<1x1x2x8x128xf32, #tpu.memory_space<vmem>>
      %dma_start3A_698 = tpu.memref_squeeze %dma_start3A_697 : memref<1x1x2x8x128xf32, #tpu.memory_space<vmem>> -> memref<2x8x128xf32, #tpu.memory_space<vmem>>
      %dma_start3A_699 = arith.constant 0 : i32
      %dma_start3A_700 = arith.constant 0 : i32
      %dma_start3A_701 = tpu.memref_slice %arg3[%dma_start3A_699, %dma_start3A_700, %mul3A_691] : memref<2x8x1000000xf32, #tpu.memory_space<hbm>> -> memref<2x8x128xf32, #tpu.memory_space<hbm>>
      %dma_start3A_702 = arith.constant 0 : i32
      %dma_start3A_703 = arith.constant 0 : i32
      %dma_start3A_704 = arith.constant 0 : i32
      %dma_start3A_705 = tpu.memref_slice %arg6[%dma_start3A_692, %dma_start3A_693, %dma_start3A_702, %dma_start3A_703, %dma_start3A_704] : memref<2x16x2x8x128xf32, #tpu.memory_space<vmem>> -> memref<1x1x2x8x128xf32, #tpu.memory_space<vmem>>
      %dma_start3A_706 = tpu.memref_squeeze %dma_start3A_705 : memref<1x1x2x8x128xf32, #tpu.memory_space<vmem>> -> memref<2x8x128xf32, #tpu.memory_space<vmem>>
      %dma_start3A_707 = arith.constant 0 : i32
      %dma_start3A_708 = arith.constant 0 : i32
      %dma_start3A_709 = tpu.memref_slice %arg3[%dma_start3A_707, %dma_start3A_708, %mul3A_691] : memref<2x8x1000000xf32, #tpu.memory_space<hbm>> -> memref<2x8x128xf32, #tpu.memory_space<hbm>>
      tpu.enqueue_dma source(%dma_start3A_709 : memref<2x8x128xf32, #tpu.memory_space<hbm>>) target(%dma_start3A_706 : memref<2x8x128xf32, #tpu.memory_space<vmem>>) target_semaphore(%arg9 : memref<!tpu.dma_semaphore, #tpu.memory_space<semaphore_mem>>)
      %slice3A_710 = vector.extract_strided_slice %get3A_397 {offsets = [13], sizes = [1], strides = [1]} : vector<16xi32> to vector<1xi32>
      %squeeze3A_711 = vector.extract %slice3A_710[0] : i32 from vector<1xi32>
      %shift_right_arithmetic3A_712 = arith.constant 7 : i32
      %shift_right_arithmetic3A_713 = arith.shrsi %squeeze3A_711, %shift_right_arithmetic3A_712 : i32
      %mul3A_714 = arith.constant 128 : i32
      %mul3A_715 = arith.muli %shift_right_arithmetic3A_713, %mul3A_714 : i32
      %dma_start3A_716 = arith.constant 1 : i32
      %dma_start3A_717 = arith.constant 13 : i32
      %dma_start3A_718 = arith.constant 0 : i32
      %dma_start3A_719 = arith.constant 0 : i32
      %dma_start3A_720 = arith.constant 0 : i32
      %dma_start3A_721 = tpu.memref_slice %arg6[%dma_start3A_716, %dma_start3A_717, %dma_start3A_718, %dma_start3A_719, %dma_start3A_720] : memref<2x16x2x8x128xf32, #tpu.memory_space<vmem>> -> memref<1x1x2x8x128xf32, #tpu.memory_space<vmem>>
      %dma_start3A_722 = tpu.memref_squeeze %dma_start3A_721 : memref<1x1x2x8x128xf32, #tpu.memory_space<vmem>> -> memref<2x8x128xf32, #tpu.memory_space<vmem>>
      %dma_start3A_723 = arith.constant 0 : i32
      %dma_start3A_724 = arith.constant 0 : i32
      %dma_start3A_725 = tpu.memref_slice %arg3[%dma_start3A_723, %dma_start3A_724, %mul3A_715] : memref<2x8x1000000xf32, #tpu.memory_space<hbm>> -> memref<2x8x128xf32, #tpu.memory_space<hbm>>
      %dma_start3A_726 = arith.constant 0 : i32
      %dma_start3A_727 = arith.constant 0 : i32
      %dma_start3A_728 = arith.constant 0 : i32
      %dma_start3A_729 = tpu.memref_slice %arg6[%dma_start3A_716, %dma_start3A_717, %dma_start3A_726, %dma_start3A_727, %dma_start3A_728] : memref<2x16x2x8x128xf32, #tpu.memory_space<vmem>> -> memref<1x1x2x8x128xf32, #tpu.memory_space<vmem>>
      %dma_start3A_730 = tpu.memref_squeeze %dma_start3A_729 : memref<1x1x2x8x128xf32, #tpu.memory_space<vmem>> -> memref<2x8x128xf32, #tpu.memory_space<vmem>>
      %dma_start3A_731 = arith.constant 0 : i32
      %dma_start3A_732 = arith.constant 0 : i32
      %dma_start3A_733 = tpu.memref_slice %arg3[%dma_start3A_731, %dma_start3A_732, %mul3A_715] : memref<2x8x1000000xf32, #tpu.memory_space<hbm>> -> memref<2x8x128xf32, #tpu.memory_space<hbm>>
      tpu.enqueue_dma source(%dma_start3A_733 : memref<2x8x128xf32, #tpu.memory_space<hbm>>) target(%dma_start3A_730 : memref<2x8x128xf32, #tpu.memory_space<vmem>>) target_semaphore(%arg9 : memref<!tpu.dma_semaphore, #tpu.memory_space<semaphore_mem>>)
      %slice3A_734 = vector.extract_strided_slice %get3A_397 {offsets = [14], sizes = [1], strides = [1]} : vector<16xi32> to vector<1xi32>
      %squeeze3A_735 = vector.extract %slice3A_734[0] : i32 from vector<1xi32>
      %shift_right_arithmetic3A_736 = arith.constant 7 : i32
      %shift_right_arithmetic3A_737 = arith.shrsi %squeeze3A_735, %shift_right_arithmetic3A_736 : i32
      %mul3A_738 = arith.constant 128 : i32
      %mul3A_739 = arith.muli %shift_right_arithmetic3A_737, %mul3A_738 : i32
      %dma_start3A_740 = arith.constant 1 : i32
      %dma_start3A_741 = arith.constant 14 : i32
      %dma_start3A_742 = arith.constant 0 : i32
      %dma_start3A_743 = arith.constant 0 : i32
      %dma_start3A_744 = arith.constant 0 : i32
      %dma_start3A_745 = tpu.memref_slice %arg6[%dma_start3A_740, %dma_start3A_741, %dma_start3A_742, %dma_start3A_743, %dma_start3A_744] : memref<2x16x2x8x128xf32, #tpu.memory_space<vmem>> -> memref<1x1x2x8x128xf32, #tpu.memory_space<vmem>>
      %dma_start3A_746 = tpu.memref_squeeze %dma_start3A_745 : memref<1x1x2x8x128xf32, #tpu.memory_space<vmem>> -> memref<2x8x128xf32, #tpu.memory_space<vmem>>
      %dma_start3A_747 = arith.constant 0 : i32
      %dma_start3A_748 = arith.constant 0 : i32
      %dma_start3A_749 = tpu.memref_slice %arg3[%dma_start3A_747, %dma_start3A_748, %mul3A_739] : memref<2x8x1000000xf32, #tpu.memory_space<hbm>> -> memref<2x8x128xf32, #tpu.memory_space<hbm>>
      %dma_start3A_750 = arith.constant 0 : i32
      %dma_start3A_751 = arith.constant 0 : i32
      %dma_start3A_752 = arith.constant 0 : i32
      %dma_start3A_753 = tpu.memref_slice %arg6[%dma_start3A_740, %dma_start3A_741, %dma_start3A_750, %dma_start3A_751, %dma_start3A_752] : memref<2x16x2x8x128xf32, #tpu.memory_space<vmem>> -> memref<1x1x2x8x128xf32, #tpu.memory_space<vmem>>
      %dma_start3A_754 = tpu.memref_squeeze %dma_start3A_753 : memref<1x1x2x8x128xf32, #tpu.memory_space<vmem>> -> memref<2x8x128xf32, #tpu.memory_space<vmem>>
      %dma_start3A_755 = arith.constant 0 : i32
      %dma_start3A_756 = arith.constant 0 : i32
      %dma_start3A_757 = tpu.memref_slice %arg3[%dma_start3A_755, %dma_start3A_756, %mul3A_739] : memref<2x8x1000000xf32, #tpu.memory_space<hbm>> -> memref<2x8x128xf32, #tpu.memory_space<hbm>>
      tpu.enqueue_dma source(%dma_start3A_757 : memref<2x8x128xf32, #tpu.memory_space<hbm>>) target(%dma_start3A_754 : memref<2x8x128xf32, #tpu.memory_space<vmem>>) target_semaphore(%arg9 : memref<!tpu.dma_semaphore, #tpu.memory_space<semaphore_mem>>)
      %slice3A_758 = vector.extract_strided_slice %get3A_397 {offsets = [15], sizes = [1], strides = [1]} : vector<16xi32> to vector<1xi32>
      %squeeze3A_759 = vector.extract %slice3A_758[0] : i32 from vector<1xi32>
      %shift_right_arithmetic3A_760 = arith.constant 7 : i32
      %shift_right_arithmetic3A_761 = arith.shrsi %squeeze3A_759, %shift_right_arithmetic3A_760 : i32
      %mul3A_762 = arith.constant 128 : i32
      %mul3A_763 = arith.muli %shift_right_arithmetic3A_761, %mul3A_762 : i32
      %dma_start3A_764 = arith.constant 1 : i32
      %dma_start3A_765 = arith.constant 15 : i32
      %dma_start3A_766 = arith.constant 0 : i32
      %dma_start3A_767 = arith.constant 0 : i32
      %dma_start3A_768 = arith.constant 0 : i32
      %dma_start3A_769 = tpu.memref_slice %arg6[%dma_start3A_764, %dma_start3A_765, %dma_start3A_766, %dma_start3A_767, %dma_start3A_768] : memref<2x16x2x8x128xf32, #tpu.memory_space<vmem>> -> memref<1x1x2x8x128xf32, #tpu.memory_space<vmem>>
      %dma_start3A_770 = tpu.memref_squeeze %dma_start3A_769 : memref<1x1x2x8x128xf32, #tpu.memory_space<vmem>> -> memref<2x8x128xf32, #tpu.memory_space<vmem>>
      %dma_start3A_771 = arith.constant 0 : i32
      %dma_start3A_772 = arith.constant 0 : i32
      %dma_start3A_773 = tpu.memref_slice %arg3[%dma_start3A_771, %dma_start3A_772, %mul3A_763] : memref<2x8x1000000xf32, #tpu.memory_space<hbm>> -> memref<2x8x128xf32, #tpu.memory_space<hbm>>
      %dma_start3A_774 = arith.constant 0 : i32
      %dma_start3A_775 = arith.constant 0 : i32
      %dma_start3A_776 = arith.constant 0 : i32
      %dma_start3A_777 = tpu.memref_slice %arg6[%dma_start3A_764, %dma_start3A_765, %dma_start3A_774, %dma_start3A_775, %dma_start3A_776] : memref<2x16x2x8x128xf32, #tpu.memory_space<vmem>> -> memref<1x1x2x8x128xf32, #tpu.memory_space<vmem>>
      %dma_start3A_778 = tpu.memref_squeeze %dma_start3A_777 : memref<1x1x2x8x128xf32, #tpu.memory_space<vmem>> -> memref<2x8x128xf32, #tpu.memory_space<vmem>>
      %dma_start3A_779 = arith.constant 0 : i32
      %dma_start3A_780 = arith.constant 0 : i32
      %dma_start3A_781 = tpu.memref_slice %arg3[%dma_start3A_779, %dma_start3A_780, %mul3A_763] : memref<2x8x1000000xf32, #tpu.memory_space<hbm>> -> memref<2x8x128xf32, #tpu.memory_space<hbm>>
      tpu.enqueue_dma source(%dma_start3A_781 : memref<2x8x128xf32, #tpu.memory_space<hbm>>) target(%dma_start3A_778 : memref<2x8x128xf32, #tpu.memory_space<vmem>>) target_semaphore(%arg9 : memref<!tpu.dma_semaphore, #tpu.memory_space<semaphore_mem>>)
      %dma_wait3A = arith.constant 0 : i32
      %dma_wait3A_782 = arith.constant 0 : i32
      %dma_wait3A_783 = arith.constant 0 : i32
      %dma_wait3A_784 = arith.constant 0 : i32
      %dma_wait3A_785 = arith.constant 0 : i32
      %dma_wait3A_786 = tpu.memref_slice %arg6[%dma_wait3A, %dma_wait3A_782, %dma_wait3A_783, %dma_wait3A_784, %dma_wait3A_785] : memref<2x16x2x8x128xf32, #tpu.memory_space<vmem>> -> memref<1x1x2x8x128xf32, #tpu.memory_space<vmem>>
      %dma_wait3A_787 = tpu.memref_squeeze %dma_wait3A_786 : memref<1x1x2x8x128xf32, #tpu.memory_space<vmem>> -> memref<2x8x128xf32, #tpu.memory_space<vmem>>
      %dma_wait3A_788 = arith.constant 0 : i32
      %dma_wait3A_789 = arith.constant 0 : i32
      %dma_wait3A_790 = arith.constant 0 : i32
      %dma_wait3A_791 = tpu.memref_slice %arg3[%dma_wait3A_788, %dma_wait3A_789, %dma_wait3A_790] : memref<2x8x1000000xf32, #tpu.memory_space<hbm>> -> memref<2x8x128xf32, #tpu.memory_space<hbm>>
      %dma_wait3A_792 = arith.constant 0 : i32
      %dma_wait3A_793 = arith.constant 0 : i32
      %dma_wait3A_794 = arith.constant 0 : i32
      %dma_wait3A_795 = tpu.memref_slice %arg6[%dma_wait3A, %dma_wait3A_782, %dma_wait3A_792, %dma_wait3A_793, %dma_wait3A_794] : memref<2x16x2x8x128xf32, #tpu.memory_space<vmem>> -> memref<1x1x2x8x128xf32, #tpu.memory_space<vmem>>
      %dma_wait3A_796 = tpu.memref_squeeze %dma_wait3A_795 : memref<1x1x2x8x128xf32, #tpu.memory_space<vmem>> -> memref<2x8x128xf32, #tpu.memory_space<vmem>>
      %dma_wait3A_797 = arith.constant 0 : i32
      %dma_wait3A_798 = arith.constant 0 : i32
      %dma_wait3A_799 = arith.constant 0 : i32
      %dma_wait3A_800 = tpu.memref_slice %arg3[%dma_wait3A_797, %dma_wait3A_798, %dma_wait3A_799] : memref<2x8x1000000xf32, #tpu.memory_space<hbm>> -> memref<2x8x128xf32, #tpu.memory_space<hbm>>
      tpu.wait_dma2 semaphore(%arg8 : memref<!tpu.dma_semaphore, #tpu.memory_space<semaphore_mem>>) src(%dma_wait3A_800 : memref<2x8x128xf32, #tpu.memory_space<hbm>>) dst(%dma_wait3A_796 : memref<2x8x128xf32, #tpu.memory_space<vmem>>)
      %dma_wait3A_801 = arith.constant 0 : i32
      %dma_wait3A_802 = arith.constant 1 : i32
      %dma_wait3A_803 = arith.constant 0 : i32
      %dma_wait3A_804 = arith.constant 0 : i32
      %dma_wait3A_805 = arith.constant 0 : i32
      %dma_wait3A_806 = tpu.memref_slice %arg6[%dma_wait3A_801, %dma_wait3A_802, %dma_wait3A_803, %dma_wait3A_804, %dma_wait3A_805] : memref<2x16x2x8x128xf32, #tpu.memory_space<vmem>> -> memref<1x1x2x8x128xf32, #tpu.memory_space<vmem>>
      %dma_wait3A_807 = tpu.memref_squeeze %dma_wait3A_806 : memref<1x1x2x8x128xf32, #tpu.memory_space<vmem>> -> memref<2x8x128xf32, #tpu.memory_space<vmem>>
      %dma_wait3A_808 = arith.constant 0 : i32
      %dma_wait3A_809 = arith.constant 0 : i32
      %dma_wait3A_810 = arith.constant 0 : i32
      %dma_wait3A_811 = tpu.memref_slice %arg3[%dma_wait3A_808, %dma_wait3A_809, %dma_wait3A_810] : memref<2x8x1000000xf32, #tpu.memory_space<hbm>> -> memref<2x8x128xf32, #tpu.memory_space<hbm>>
      %dma_wait3A_812 = arith.constant 0 : i32
      %dma_wait3A_813 = arith.constant 0 : i32
      %dma_wait3A_814 = arith.constant 0 : i32
      %dma_wait3A_815 = tpu.memref_slice %arg6[%dma_wait3A_801, %dma_wait3A_802, %dma_wait3A_812, %dma_wait3A_813, %dma_wait3A_814] : memref<2x16x2x8x128xf32, #tpu.memory_space<vmem>> -> memref<1x1x2x8x128xf32, #tpu.memory_space<vmem>>
      %dma_wait3A_816 = tpu.memref_squeeze %dma_wait3A_815 : memref<1x1x2x8x128xf32, #tpu.memory_space<vmem>> -> memref<2x8x128xf32, #tpu.memory_space<vmem>>
      %dma_wait3A_817 = arith.constant 0 : i32
      %dma_wait3A_818 = arith.constant 0 : i32
      %dma_wait3A_819 = arith.constant 0 : i32
      %dma_wait3A_820 = tpu.memref_slice %arg3[%dma_wait3A_817, %dma_wait3A_818, %dma_wait3A_819] : memref<2x8x1000000xf32, #tpu.memory_space<hbm>> -> memref<2x8x128xf32, #tpu.memory_space<hbm>>
      tpu.wait_dma2 semaphore(%arg8 : memref<!tpu.dma_semaphore, #tpu.memory_space<semaphore_mem>>) src(%dma_wait3A_820 : memref<2x8x128xf32, #tpu.memory_space<hbm>>) dst(%dma_wait3A_816 : memref<2x8x128xf32, #tpu.memory_space<vmem>>)
      %dma_wait3A_821 = arith.constant 0 : i32
      %dma_wait3A_822 = arith.constant 2 : i32
      %dma_wait3A_823 = arith.constant 0 : i32
      %dma_wait3A_824 = arith.constant 0 : i32
      %dma_wait3A_825 = arith.constant 0 : i32
      %dma_wait3A_826 = tpu.memref_slice %arg6[%dma_wait3A_821, %dma_wait3A_822, %dma_wait3A_823, %dma_wait3A_824, %dma_wait3A_825] : memref<2x16x2x8x128xf32, #tpu.memory_space<vmem>> -> memref<1x1x2x8x128xf32, #tpu.memory_space<vmem>>
      %dma_wait3A_827 = tpu.memref_squeeze %dma_wait3A_826 : memref<1x1x2x8x128xf32, #tpu.memory_space<vmem>> -> memref<2x8x128xf32, #tpu.memory_space<vmem>>
      %dma_wait3A_828 = arith.constant 0 : i32
      %dma_wait3A_829 = arith.constant 0 : i32
      %dma_wait3A_830 = arith.constant 0 : i32
      %dma_wait3A_831 = tpu.memref_slice %arg3[%dma_wait3A_828, %dma_wait3A_829, %dma_wait3A_830] : memref<2x8x1000000xf32, #tpu.memory_space<hbm>> -> memref<2x8x128xf32, #tpu.memory_space<hbm>>
      %dma_wait3A_832 = arith.constant 0 : i32
      %dma_wait3A_833 = arith.constant 0 : i32
      %dma_wait3A_834 = arith.constant 0 : i32
      %dma_wait3A_835 = tpu.memref_slice %arg6[%dma_wait3A_821, %dma_wait3A_822, %dma_wait3A_832, %dma_wait3A_833, %dma_wait3A_834] : memref<2x16x2x8x128xf32, #tpu.memory_space<vmem>> -> memref<1x1x2x8x128xf32, #tpu.memory_space<vmem>>
      %dma_wait3A_836 = tpu.memref_squeeze %dma_wait3A_835 : memref<1x1x2x8x128xf32, #tpu.memory_space<vmem>> -> memref<2x8x128xf32, #tpu.memory_space<vmem>>
      %dma_wait3A_837 = arith.constant 0 : i32
      %dma_wait3A_838 = arith.constant 0 : i32
      %dma_wait3A_839 = arith.constant 0 : i32
      %dma_wait3A_840 = tpu.memref_slice %arg3[%dma_wait3A_837, %dma_wait3A_838, %dma_wait3A_839] : memref<2x8x1000000xf32, #tpu.memory_space<hbm>> -> memref<2x8x128xf32, #tpu.memory_space<hbm>>
      tpu.wait_dma2 semaphore(%arg8 : memref<!tpu.dma_semaphore, #tpu.memory_space<semaphore_mem>>) src(%dma_wait3A_840 : memref<2x8x128xf32, #tpu.memory_space<hbm>>) dst(%dma_wait3A_836 : memref<2x8x128xf32, #tpu.memory_space<vmem>>)
      %dma_wait3A_841 = arith.constant 0 : i32
      %dma_wait3A_842 = arith.constant 3 : i32
      %dma_wait3A_843 = arith.constant 0 : i32
      %dma_wait3A_844 = arith.constant 0 : i32
      %dma_wait3A_845 = arith.constant 0 : i32
      %dma_wait3A_846 = tpu.memref_slice %arg6[%dma_wait3A_841, %dma_wait3A_842, %dma_wait3A_843, %dma_wait3A_844, %dma_wait3A_845] : memref<2x16x2x8x128xf32, #tpu.memory_space<vmem>> -> memref<1x1x2x8x128xf32, #tpu.memory_space<vmem>>
      %dma_wait3A_847 = tpu.memref_squeeze %dma_wait3A_846 : memref<1x1x2x8x128xf32, #tpu.memory_space<vmem>> -> memref<2x8x128xf32, #tpu.memory_space<vmem>>
      %dma_wait3A_848 = arith.constant 0 : i32
      %dma_wait3A_849 = arith.constant 0 : i32
      %dma_wait3A_850 = arith.constant 0 : i32
      %dma_wait3A_851 = tpu.memref_slice %arg3[%dma_wait3A_848, %dma_wait3A_849, %dma_wait3A_850] : memref<2x8x1000000xf32, #tpu.memory_space<hbm>> -> memref<2x8x128xf32, #tpu.memory_space<hbm>>
      %dma_wait3A_852 = arith.constant 0 : i32
      %dma_wait3A_853 = arith.constant 0 : i32
      %dma_wait3A_854 = arith.constant 0 : i32
      %dma_wait3A_855 = tpu.memref_slice %arg6[%dma_wait3A_841, %dma_wait3A_842, %dma_wait3A_852, %dma_wait3A_853, %dma_wait3A_854] : memref<2x16x2x8x128xf32, #tpu.memory_space<vmem>> -> memref<1x1x2x8x128xf32, #tpu.memory_space<vmem>>
      %dma_wait3A_856 = tpu.memref_squeeze %dma_wait3A_855 : memref<1x1x2x8x128xf32, #tpu.memory_space<vmem>> -> memref<2x8x128xf32, #tpu.memory_space<vmem>>
      %dma_wait3A_857 = arith.constant 0 : i32
      %dma_wait3A_858 = arith.constant 0 : i32
      %dma_wait3A_859 = arith.constant 0 : i32
      %dma_wait3A_860 = tpu.memref_slice %arg3[%dma_wait3A_857, %dma_wait3A_858, %dma_wait3A_859] : memref<2x8x1000000xf32, #tpu.memory_space<hbm>> -> memref<2x8x128xf32, #tpu.memory_space<hbm>>
      tpu.wait_dma2 semaphore(%arg8 : memref<!tpu.dma_semaphore, #tpu.memory_space<semaphore_mem>>) src(%dma_wait3A_860 : memref<2x8x128xf32, #tpu.memory_space<hbm>>) dst(%dma_wait3A_856 : memref<2x8x128xf32, #tpu.memory_space<vmem>>)
      %dma_wait3A_861 = arith.constant 0 : i32
      %dma_wait3A_862 = arith.constant 4 : i32
      %dma_wait3A_863 = arith.constant 0 : i32
      %dma_wait3A_864 = arith.constant 0 : i32
      %dma_wait3A_865 = arith.constant 0 : i32
      %dma_wait3A_866 = tpu.memref_slice %arg6[%dma_wait3A_861, %dma_wait3A_862, %dma_wait3A_863, %dma_wait3A_864, %dma_wait3A_865] : memref<2x16x2x8x128xf32, #tpu.memory_space<vmem>> -> memref<1x1x2x8x128xf32, #tpu.memory_space<vmem>>
      %dma_wait3A_867 = tpu.memref_squeeze %dma_wait3A_866 : memref<1x1x2x8x128xf32, #tpu.memory_space<vmem>> -> memref<2x8x128xf32, #tpu.memory_space<vmem>>
      %dma_wait3A_868 = arith.constant 0 : i32
      %dma_wait3A_869 = arith.constant 0 : i32
      %dma_wait3A_870 = arith.constant 0 : i32
      %dma_wait3A_871 = tpu.memref_slice %arg3[%dma_wait3A_868, %dma_wait3A_869, %dma_wait3A_870] : memref<2x8x1000000xf32, #tpu.memory_space<hbm>> -> memref<2x8x128xf32, #tpu.memory_space<hbm>>
      %dma_wait3A_872 = arith.constant 0 : i32
      %dma_wait3A_873 = arith.constant 0 : i32
      %dma_wait3A_874 = arith.constant 0 : i32
      %dma_wait3A_875 = tpu.memref_slice %arg6[%dma_wait3A_861, %dma_wait3A_862, %dma_wait3A_872, %dma_wait3A_873, %dma_wait3A_874] : memref<2x16x2x8x128xf32, #tpu.memory_space<vmem>> -> memref<1x1x2x8x128xf32, #tpu.memory_space<vmem>>
      %dma_wait3A_876 = tpu.memref_squeeze %dma_wait3A_875 : memref<1x1x2x8x128xf32, #tpu.memory_space<vmem>> -> memref<2x8x128xf32, #tpu.memory_space<vmem>>
      %dma_wait3A_877 = arith.constant 0 : i32
      %dma_wait3A_878 = arith.constant 0 : i32
      %dma_wait3A_879 = arith.constant 0 : i32
      %dma_wait3A_880 = tpu.memref_slice %arg3[%dma_wait3A_877, %dma_wait3A_878, %dma_wait3A_879] : memref<2x8x1000000xf32, #tpu.memory_space<hbm>> -> memref<2x8x128xf32, #tpu.memory_space<hbm>>
      tpu.wait_dma2 semaphore(%arg8 : memref<!tpu.dma_semaphore, #tpu.memory_space<semaphore_mem>>) src(%dma_wait3A_880 : memref<2x8x128xf32, #tpu.memory_space<hbm>>) dst(%dma_wait3A_876 : memref<2x8x128xf32, #tpu.memory_space<vmem>>)
      %dma_wait3A_881 = arith.constant 0 : i32
      %dma_wait3A_882 = arith.constant 5 : i32
      %dma_wait3A_883 = arith.constant 0 : i32
      %dma_wait3A_884 = arith.constant 0 : i32
      %dma_wait3A_885 = arith.constant 0 : i32
      %dma_wait3A_886 = tpu.memref_slice %arg6[%dma_wait3A_881, %dma_wait3A_882, %dma_wait3A_883, %dma_wait3A_884, %dma_wait3A_885] : memref<2x16x2x8x128xf32, #tpu.memory_space<vmem>> -> memref<1x1x2x8x128xf32, #tpu.memory_space<vmem>>
      %dma_wait3A_887 = tpu.memref_squeeze %dma_wait3A_886 : memref<1x1x2x8x128xf32, #tpu.memory_space<vmem>> -> memref<2x8x128xf32, #tpu.memory_space<vmem>>
      %dma_wait3A_888 = arith.constant 0 : i32
      %dma_wait3A_889 = arith.constant 0 : i32
      %dma_wait3A_890 = arith.constant 0 : i32
      %dma_wait3A_891 = tpu.memref_slice %arg3[%dma_wait3A_888, %dma_wait3A_889, %dma_wait3A_890] : memref<2x8x1000000xf32, #tpu.memory_space<hbm>> -> memref<2x8x128xf32, #tpu.memory_space<hbm>>
      %dma_wait3A_892 = arith.constant 0 : i32
      %dma_wait3A_893 = arith.constant 0 : i32
      %dma_wait3A_894 = arith.constant 0 : i32
      %dma_wait3A_895 = tpu.memref_slice %arg6[%dma_wait3A_881, %dma_wait3A_882, %dma_wait3A_892, %dma_wait3A_893, %dma_wait3A_894] : memref<2x16x2x8x128xf32, #tpu.memory_space<vmem>> -> memref<1x1x2x8x128xf32, #tpu.memory_space<vmem>>
      %dma_wait3A_896 = tpu.memref_squeeze %dma_wait3A_895 : memref<1x1x2x8x128xf32, #tpu.memory_space<vmem>> -> memref<2x8x128xf32, #tpu.memory_space<vmem>>
      %dma_wait3A_897 = arith.constant 0 : i32
      %dma_wait3A_898 = arith.constant 0 : i32
      %dma_wait3A_899 = arith.constant 0 : i32
      %dma_wait3A_900 = tpu.memref_slice %arg3[%dma_wait3A_897, %dma_wait3A_898, %dma_wait3A_899] : memref<2x8x1000000xf32, #tpu.memory_space<hbm>> -> memref<2x8x128xf32, #tpu.memory_space<hbm>>
      tpu.wait_dma2 semaphore(%arg8 : memref<!tpu.dma_semaphore, #tpu.memory_space<semaphore_mem>>) src(%dma_wait3A_900 : memref<2x8x128xf32, #tpu.memory_space<hbm>>) dst(%dma_wait3A_896 : memref<2x8x128xf32, #tpu.memory_space<vmem>>)
      %dma_wait3A_901 = arith.constant 0 : i32
      %dma_wait3A_902 = arith.constant 6 : i32
      %dma_wait3A_903 = arith.constant 0 : i32
      %dma_wait3A_904 = arith.constant 0 : i32
      %dma_wait3A_905 = arith.constant 0 : i32
      %dma_wait3A_906 = tpu.memref_slice %arg6[%dma_wait3A_901, %dma_wait3A_902, %dma_wait3A_903, %dma_wait3A_904, %dma_wait3A_905] : memref<2x16x2x8x128xf32, #tpu.memory_space<vmem>> -> memref<1x1x2x8x128xf32, #tpu.memory_space<vmem>>
      %dma_wait3A_907 = tpu.memref_squeeze %dma_wait3A_906 : memref<1x1x2x8x128xf32, #tpu.memory_space<vmem>> -> memref<2x8x128xf32, #tpu.memory_space<vmem>>
      %dma_wait3A_908 = arith.constant 0 : i32
      %dma_wait3A_909 = arith.constant 0 : i32
      %dma_wait3A_910 = arith.constant 0 : i32
      %dma_wait3A_911 = tpu.memref_slice %arg3[%dma_wait3A_908, %dma_wait3A_909, %dma_wait3A_910] : memref<2x8x1000000xf32, #tpu.memory_space<hbm>> -> memref<2x8x128xf32, #tpu.memory_space<hbm>>
      %dma_wait3A_912 = arith.constant 0 : i32
      %dma_wait3A_913 = arith.constant 0 : i32
      %dma_wait3A_914 = arith.constant 0 : i32
      %dma_wait3A_915 = tpu.memref_slice %arg6[%dma_wait3A_901, %dma_wait3A_902, %dma_wait3A_912, %dma_wait3A_913, %dma_wait3A_914] : memref<2x16x2x8x128xf32, #tpu.memory_space<vmem>> -> memref<1x1x2x8x128xf32, #tpu.memory_space<vmem>>
      %dma_wait3A_916 = tpu.memref_squeeze %dma_wait3A_915 : memref<1x1x2x8x128xf32, #tpu.memory_space<vmem>> -> memref<2x8x128xf32, #tpu.memory_space<vmem>>
      %dma_wait3A_917 = arith.constant 0 : i32
      %dma_wait3A_918 = arith.constant 0 : i32
      %dma_wait3A_919 = arith.constant 0 : i32
      %dma_wait3A_920 = tpu.memref_slice %arg3[%dma_wait3A_917, %dma_wait3A_918, %dma_wait3A_919] : memref<2x8x1000000xf32, #tpu.memory_space<hbm>> -> memref<2x8x128xf32, #tpu.memory_space<hbm>>
      tpu.wait_dma2 semaphore(%arg8 : memref<!tpu.dma_semaphore, #tpu.memory_space<semaphore_mem>>) src(%dma_wait3A_920 : memref<2x8x128xf32, #tpu.memory_space<hbm>>) dst(%dma_wait3A_916 : memref<2x8x128xf32, #tpu.memory_space<vmem>>)
      %dma_wait3A_921 = arith.constant 0 : i32
      %dma_wait3A_922 = arith.constant 7 : i32
      %dma_wait3A_923 = arith.constant 0 : i32
      %dma_wait3A_924 = arith.constant 0 : i32
      %dma_wait3A_925 = arith.constant 0 : i32
      %dma_wait3A_926 = tpu.memref_slice %arg6[%dma_wait3A_921, %dma_wait3A_922, %dma_wait3A_923, %dma_wait3A_924, %dma_wait3A_925] : memref<2x16x2x8x128xf32, #tpu.memory_space<vmem>> -> memref<1x1x2x8x128xf32, #tpu.memory_space<vmem>>
      %dma_wait3A_927 = tpu.memref_squeeze %dma_wait3A_926 : memref<1x1x2x8x128xf32, #tpu.memory_space<vmem>> -> memref<2x8x128xf32, #tpu.memory_space<vmem>>
      %dma_wait3A_928 = arith.constant 0 : i32
      %dma_wait3A_929 = arith.constant 0 : i32
      %dma_wait3A_930 = arith.constant 0 : i32
      %dma_wait3A_931 = tpu.memref_slice %arg3[%dma_wait3A_928, %dma_wait3A_929, %dma_wait3A_930] : memref<2x8x1000000xf32, #tpu.memory_space<hbm>> -> memref<2x8x128xf32, #tpu.memory_space<hbm>>
      %dma_wait3A_932 = arith.constant 0 : i32
      %dma_wait3A_933 = arith.constant 0 : i32
      %dma_wait3A_934 = arith.constant 0 : i32
      %dma_wait3A_935 = tpu.memref_slice %arg6[%dma_wait3A_921, %dma_wait3A_922, %dma_wait3A_932, %dma_wait3A_933, %dma_wait3A_934] : memref<2x16x2x8x128xf32, #tpu.memory_space<vmem>> -> memref<1x1x2x8x128xf32, #tpu.memory_space<vmem>>
      %dma_wait3A_936 = tpu.memref_squeeze %dma_wait3A_935 : memref<1x1x2x8x128xf32, #tpu.memory_space<vmem>> -> memref<2x8x128xf32, #tpu.memory_space<vmem>>
      %dma_wait3A_937 = arith.constant 0 : i32
      %dma_wait3A_938 = arith.constant 0 : i32
      %dma_wait3A_939 = arith.constant 0 : i32
      %dma_wait3A_940 = tpu.memref_slice %arg3[%dma_wait3A_937, %dma_wait3A_938, %dma_wait3A_939] : memref<2x8x1000000xf32, #tpu.memory_space<hbm>> -> memref<2x8x128xf32, #tpu.memory_space<hbm>>
      tpu.wait_dma2 semaphore(%arg8 : memref<!tpu.dma_semaphore, #tpu.memory_space<semaphore_mem>>) src(%dma_wait3A_940 : memref<2x8x128xf32, #tpu.memory_space<hbm>>) dst(%dma_wait3A_936 : memref<2x8x128xf32, #tpu.memory_space<vmem>>)
      %dma_wait3A_941 = arith.constant 0 : i32
      %dma_wait3A_942 = arith.constant 8 : i32
      %dma_wait3A_943 = arith.constant 0 : i32
      %dma_wait3A_944 = arith.constant 0 : i32
      %dma_wait3A_945 = arith.constant 0 : i32
      %dma_wait3A_946 = tpu.memref_slice %arg6[%dma_wait3A_941, %dma_wait3A_942, %dma_wait3A_943, %dma_wait3A_944, %dma_wait3A_945] : memref<2x16x2x8x128xf32, #tpu.memory_space<vmem>> -> memref<1x1x2x8x128xf32, #tpu.memory_space<vmem>>
      %dma_wait3A_947 = tpu.memref_squeeze %dma_wait3A_946 : memref<1x1x2x8x128xf32, #tpu.memory_space<vmem>> -> memref<2x8x128xf32, #tpu.memory_space<vmem>>
      %dma_wait3A_948 = arith.constant 0 : i32
      %dma_wait3A_949 = arith.constant 0 : i32
      %dma_wait3A_950 = arith.constant 0 : i32
      %dma_wait3A_951 = tpu.memref_slice %arg3[%dma_wait3A_948, %dma_wait3A_949, %dma_wait3A_950] : memref<2x8x1000000xf32, #tpu.memory_space<hbm>> -> memref<2x8x128xf32, #tpu.memory_space<hbm>>
      %dma_wait3A_952 = arith.constant 0 : i32
      %dma_wait3A_953 = arith.constant 0 : i32
      %dma_wait3A_954 = arith.constant 0 : i32
      %dma_wait3A_955 = tpu.memref_slice %arg6[%dma_wait3A_941, %dma_wait3A_942, %dma_wait3A_952, %dma_wait3A_953, %dma_wait3A_954] : memref<2x16x2x8x128xf32, #tpu.memory_space<vmem>> -> memref<1x1x2x8x128xf32, #tpu.memory_space<vmem>>
      %dma_wait3A_956 = tpu.memref_squeeze %dma_wait3A_955 : memref<1x1x2x8x128xf32, #tpu.memory_space<vmem>> -> memref<2x8x128xf32, #tpu.memory_space<vmem>>
      %dma_wait3A_957 = arith.constant 0 : i32
      %dma_wait3A_958 = arith.constant 0 : i32
      %dma_wait3A_959 = arith.constant 0 : i32
      %dma_wait3A_960 = tpu.memref_slice %arg3[%dma_wait3A_957, %dma_wait3A_958, %dma_wait3A_959] : memref<2x8x1000000xf32, #tpu.memory_space<hbm>> -> memref<2x8x128xf32, #tpu.memory_space<hbm>>
      tpu.wait_dma2 semaphore(%arg8 : memref<!tpu.dma_semaphore, #tpu.memory_space<semaphore_mem>>) src(%dma_wait3A_960 : memref<2x8x128xf32, #tpu.memory_space<hbm>>) dst(%dma_wait3A_956 : memref<2x8x128xf32, #tpu.memory_space<vmem>>)
      %dma_wait3A_961 = arith.constant 0 : i32
      %dma_wait3A_962 = arith.constant 9 : i32
      %dma_wait3A_963 = arith.constant 0 : i32
      %dma_wait3A_964 = arith.constant 0 : i32
      %dma_wait3A_965 = arith.constant 0 : i32
      %dma_wait3A_966 = tpu.memref_slice %arg6[%dma_wait3A_961, %dma_wait3A_962, %dma_wait3A_963, %dma_wait3A_964, %dma_wait3A_965] : memref<2x16x2x8x128xf32, #tpu.memory_space<vmem>> -> memref<1x1x2x8x128xf32, #tpu.memory_space<vmem>>
      %dma_wait3A_967 = tpu.memref_squeeze %dma_wait3A_966 : memref<1x1x2x8x128xf32, #tpu.memory_space<vmem>> -> memref<2x8x128xf32, #tpu.memory_space<vmem>>
      %dma_wait3A_968 = arith.constant 0 : i32
      %dma_wait3A_969 = arith.constant 0 : i32
      %dma_wait3A_970 = arith.constant 0 : i32
      %dma_wait3A_971 = tpu.memref_slice %arg3[%dma_wait3A_968, %dma_wait3A_969, %dma_wait3A_970] : memref<2x8x1000000xf32, #tpu.memory_space<hbm>> -> memref<2x8x128xf32, #tpu.memory_space<hbm>>
      %dma_wait3A_972 = arith.constant 0 : i32
      %dma_wait3A_973 = arith.constant 0 : i32
      %dma_wait3A_974 = arith.constant 0 : i32
      %dma_wait3A_975 = tpu.memref_slice %arg6[%dma_wait3A_961, %dma_wait3A_962, %dma_wait3A_972, %dma_wait3A_973, %dma_wait3A_974] : memref<2x16x2x8x128xf32, #tpu.memory_space<vmem>> -> memref<1x1x2x8x128xf32, #tpu.memory_space<vmem>>
      %dma_wait3A_976 = tpu.memref_squeeze %dma_wait3A_975 : memref<1x1x2x8x128xf32, #tpu.memory_space<vmem>> -> memref<2x8x128xf32, #tpu.memory_space<vmem>>
      %dma_wait3A_977 = arith.constant 0 : i32
      %dma_wait3A_978 = arith.constant 0 : i32
      %dma_wait3A_979 = arith.constant 0 : i32
      %dma_wait3A_980 = tpu.memref_slice %arg3[%dma_wait3A_977, %dma_wait3A_978, %dma_wait3A_979] : memref<2x8x1000000xf32, #tpu.memory_space<hbm>> -> memref<2x8x128xf32, #tpu.memory_space<hbm>>
      tpu.wait_dma2 semaphore(%arg8 : memref<!tpu.dma_semaphore, #tpu.memory_space<semaphore_mem>>) src(%dma_wait3A_980 : memref<2x8x128xf32, #tpu.memory_space<hbm>>) dst(%dma_wait3A_976 : memref<2x8x128xf32, #tpu.memory_space<vmem>>)
      %dma_wait3A_981 = arith.constant 0 : i32
      %dma_wait3A_982 = arith.constant 10 : i32
      %dma_wait3A_983 = arith.constant 0 : i32
      %dma_wait3A_984 = arith.constant 0 : i32
      %dma_wait3A_985 = arith.constant 0 : i32
      %dma_wait3A_986 = tpu.memref_slice %arg6[%dma_wait3A_981, %dma_wait3A_982, %dma_wait3A_983, %dma_wait3A_984, %dma_wait3A_985] : memref<2x16x2x8x128xf32, #tpu.memory_space<vmem>> -> memref<1x1x2x8x128xf32, #tpu.memory_space<vmem>>
      %dma_wait3A_987 = tpu.memref_squeeze %dma_wait3A_986 : memref<1x1x2x8x128xf32, #tpu.memory_space<vmem>> -> memref<2x8x128xf32, #tpu.memory_space<vmem>>
      %dma_wait3A_988 = arith.constant 0 : i32
      %dma_wait3A_989 = arith.constant 0 : i32
      %dma_wait3A_990 = arith.constant 0 : i32
      %dma_wait3A_991 = tpu.memref_slice %arg3[%dma_wait3A_988, %dma_wait3A_989, %dma_wait3A_990] : memref<2x8x1000000xf32, #tpu.memory_space<hbm>> -> memref<2x8x128xf32, #tpu.memory_space<hbm>>
      %dma_wait3A_992 = arith.constant 0 : i32
      %dma_wait3A_993 = arith.constant 0 : i32
      %dma_wait3A_994 = arith.constant 0 : i32
      %dma_wait3A_995 = tpu.memref_slice %arg6[%dma_wait3A_981, %dma_wait3A_982, %dma_wait3A_992, %dma_wait3A_993, %dma_wait3A_994] : memref<2x16x2x8x128xf32, #tpu.memory_space<vmem>> -> memref<1x1x2x8x128xf32, #tpu.memory_space<vmem>>
      %dma_wait3A_996 = tpu.memref_squeeze %dma_wait3A_995 : memref<1x1x2x8x128xf32, #tpu.memory_space<vmem>> -> memref<2x8x128xf32, #tpu.memory_space<vmem>>
      %dma_wait3A_997 = arith.constant 0 : i32
      %dma_wait3A_998 = arith.constant 0 : i32
      %dma_wait3A_999 = arith.constant 0 : i32
      %dma_wait3A_1000 = tpu.memref_slice %arg3[%dma_wait3A_997, %dma_wait3A_998, %dma_wait3A_999] : memref<2x8x1000000xf32, #tpu.memory_space<hbm>> -> memref<2x8x128xf32, #tpu.memory_space<hbm>>
      tpu.wait_dma2 semaphore(%arg8 : memref<!tpu.dma_semaphore, #tpu.memory_space<semaphore_mem>>) src(%dma_wait3A_1000 : memref<2x8x128xf32, #tpu.memory_space<hbm>>) dst(%dma_wait3A_996 : memref<2x8x128xf32, #tpu.memory_space<vmem>>)
      %dma_wait3A_1001 = arith.constant 0 : i32
      %dma_wait3A_1002 = arith.constant 11 : i32
      %dma_wait3A_1003 = arith.constant 0 : i32
      %dma_wait3A_1004 = arith.constant 0 : i32
      %dma_wait3A_1005 = arith.constant 0 : i32
      %dma_wait3A_1006 = tpu.memref_slice %arg6[%dma_wait3A_1001, %dma_wait3A_1002, %dma_wait3A_1003, %dma_wait3A_1004, %dma_wait3A_1005] : memref<2x16x2x8x128xf32, #tpu.memory_space<vmem>> -> memref<1x1x2x8x128xf32, #tpu.memory_space<vmem>>
      %dma_wait3A_1007 = tpu.memref_squeeze %dma_wait3A_1006 : memref<1x1x2x8x128xf32, #tpu.memory_space<vmem>> -> memref<2x8x128xf32, #tpu.memory_space<vmem>>
      %dma_wait3A_1008 = arith.constant 0 : i32
      %dma_wait3A_1009 = arith.constant 0 : i32
      %dma_wait3A_1010 = arith.constant 0 : i32
      %dma_wait3A_1011 = tpu.memref_slice %arg3[%dma_wait3A_1008, %dma_wait3A_1009, %dma_wait3A_1010] : memref<2x8x1000000xf32, #tpu.memory_space<hbm>> -> memref<2x8x128xf32, #tpu.memory_space<hbm>>
      %dma_wait3A_1012 = arith.constant 0 : i32
      %dma_wait3A_1013 = arith.constant 0 : i32
      %dma_wait3A_1014 = arith.constant 0 : i32
      %dma_wait3A_1015 = tpu.memref_slice %arg6[%dma_wait3A_1001, %dma_wait3A_1002, %dma_wait3A_1012, %dma_wait3A_1013, %dma_wait3A_1014] : memref<2x16x2x8x128xf32, #tpu.memory_space<vmem>> -> memref<1x1x2x8x128xf32, #tpu.memory_space<vmem>>
      %dma_wait3A_1016 = tpu.memref_squeeze %dma_wait3A_1015 : memref<1x1x2x8x128xf32, #tpu.memory_space<vmem>> -> memref<2x8x128xf32, #tpu.memory_space<vmem>>
      %dma_wait3A_1017 = arith.constant 0 : i32
      %dma_wait3A_1018 = arith.constant 0 : i32
      %dma_wait3A_1019 = arith.constant 0 : i32
      %dma_wait3A_1020 = tpu.memref_slice %arg3[%dma_wait3A_1017, %dma_wait3A_1018, %dma_wait3A_1019] : memref<2x8x1000000xf32, #tpu.memory_space<hbm>> -> memref<2x8x128xf32, #tpu.memory_space<hbm>>
      tpu.wait_dma2 semaphore(%arg8 : memref<!tpu.dma_semaphore, #tpu.memory_space<semaphore_mem>>) src(%dma_wait3A_1020 : memref<2x8x128xf32, #tpu.memory_space<hbm>>) dst(%dma_wait3A_1016 : memref<2x8x128xf32, #tpu.memory_space<vmem>>)
      %dma_wait3A_1021 = arith.constant 0 : i32
      %dma_wait3A_1022 = arith.constant 12 : i32
      %dma_wait3A_1023 = arith.constant 0 : i32
      %dma_wait3A_1024 = arith.constant 0 : i32
      %dma_wait3A_1025 = arith.constant 0 : i32
      %dma_wait3A_1026 = tpu.memref_slice %arg6[%dma_wait3A_1021, %dma_wait3A_1022, %dma_wait3A_1023, %dma_wait3A_1024, %dma_wait3A_1025] : memref<2x16x2x8x128xf32, #tpu.memory_space<vmem>> -> memref<1x1x2x8x128xf32, #tpu.memory_space<vmem>>
      %dma_wait3A_1027 = tpu.memref_squeeze %dma_wait3A_1026 : memref<1x1x2x8x128xf32, #tpu.memory_space<vmem>> -> memref<2x8x128xf32, #tpu.memory_space<vmem>>
      %dma_wait3A_1028 = arith.constant 0 : i32
      %dma_wait3A_1029 = arith.constant 0 : i32
      %dma_wait3A_1030 = arith.constant 0 : i32
      %dma_wait3A_1031 = tpu.memref_slice %arg3[%dma_wait3A_1028, %dma_wait3A_1029, %dma_wait3A_1030] : memref<2x8x1000000xf32, #tpu.memory_space<hbm>> -> memref<2x8x128xf32, #tpu.memory_space<hbm>>
      %dma_wait3A_1032 = arith.constant 0 : i32
      %dma_wait3A_1033 = arith.constant 0 : i32
      %dma_wait3A_1034 = arith.constant 0 : i32
      %dma_wait3A_1035 = tpu.memref_slice %arg6[%dma_wait3A_1021, %dma_wait3A_1022, %dma_wait3A_1032, %dma_wait3A_1033, %dma_wait3A_1034] : memref<2x16x2x8x128xf32, #tpu.memory_space<vmem>> -> memref<1x1x2x8x128xf32, #tpu.memory_space<vmem>>
      %dma_wait3A_1036 = tpu.memref_squeeze %dma_wait3A_1035 : memref<1x1x2x8x128xf32, #tpu.memory_space<vmem>> -> memref<2x8x128xf32, #tpu.memory_space<vmem>>
      %dma_wait3A_1037 = arith.constant 0 : i32
      %dma_wait3A_1038 = arith.constant 0 : i32
      %dma_wait3A_1039 = arith.constant 0 : i32
      %dma_wait3A_1040 = tpu.memref_slice %arg3[%dma_wait3A_1037, %dma_wait3A_1038, %dma_wait3A_1039] : memref<2x8x1000000xf32, #tpu.memory_space<hbm>> -> memref<2x8x128xf32, #tpu.memory_space<hbm>>
      tpu.wait_dma2 semaphore(%arg8 : memref<!tpu.dma_semaphore, #tpu.memory_space<semaphore_mem>>) src(%dma_wait3A_1040 : memref<2x8x128xf32, #tpu.memory_space<hbm>>) dst(%dma_wait3A_1036 : memref<2x8x128xf32, #tpu.memory_space<vmem>>)
      %dma_wait3A_1041 = arith.constant 0 : i32
      %dma_wait3A_1042 = arith.constant 13 : i32
      %dma_wait3A_1043 = arith.constant 0 : i32
      %dma_wait3A_1044 = arith.constant 0 : i32
      %dma_wait3A_1045 = arith.constant 0 : i32
      %dma_wait3A_1046 = tpu.memref_slice %arg6[%dma_wait3A_1041, %dma_wait3A_1042, %dma_wait3A_1043, %dma_wait3A_1044, %dma_wait3A_1045] : memref<2x16x2x8x128xf32, #tpu.memory_space<vmem>> -> memref<1x1x2x8x128xf32, #tpu.memory_space<vmem>>
      %dma_wait3A_1047 = tpu.memref_squeeze %dma_wait3A_1046 : memref<1x1x2x8x128xf32, #tpu.memory_space<vmem>> -> memref<2x8x128xf32, #tpu.memory_space<vmem>>
      %dma_wait3A_1048 = arith.constant 0 : i32
      %dma_wait3A_1049 = arith.constant 0 : i32
      %dma_wait3A_1050 = arith.constant 0 : i32
      %dma_wait3A_1051 = tpu.memref_slice %arg3[%dma_wait3A_1048, %dma_wait3A_1049, %dma_wait3A_1050] : memref<2x8x1000000xf32, #tpu.memory_space<hbm>> -> memref<2x8x128xf32, #tpu.memory_space<hbm>>
      %dma_wait3A_1052 = arith.constant 0 : i32
      %dma_wait3A_1053 = arith.constant 0 : i32
      %dma_wait3A_1054 = arith.constant 0 : i32
      %dma_wait3A_1055 = tpu.memref_slice %arg6[%dma_wait3A_1041, %dma_wait3A_1042, %dma_wait3A_1052, %dma_wait3A_1053, %dma_wait3A_1054] : memref<2x16x2x8x128xf32, #tpu.memory_space<vmem>> -> memref<1x1x2x8x128xf32, #tpu.memory_space<vmem>>
      %dma_wait3A_1056 = tpu.memref_squeeze %dma_wait3A_1055 : memref<1x1x2x8x128xf32, #tpu.memory_space<vmem>> -> memref<2x8x128xf32, #tpu.memory_space<vmem>>
      %dma_wait3A_1057 = arith.constant 0 : i32
      %dma_wait3A_1058 = arith.constant 0 : i32
      %dma_wait3A_1059 = arith.constant 0 : i32
      %dma_wait3A_1060 = tpu.memref_slice %arg3[%dma_wait3A_1057, %dma_wait3A_1058, %dma_wait3A_1059] : memref<2x8x1000000xf32, #tpu.memory_space<hbm>> -> memref<2x8x128xf32, #tpu.memory_space<hbm>>
      tpu.wait_dma2 semaphore(%arg8 : memref<!tpu.dma_semaphore, #tpu.memory_space<semaphore_mem>>) src(%dma_wait3A_1060 : memref<2x8x128xf32, #tpu.memory_space<hbm>>) dst(%dma_wait3A_1056 : memref<2x8x128xf32, #tpu.memory_space<vmem>>)
      %dma_wait3A_1061 = arith.constant 0 : i32
      %dma_wait3A_1062 = arith.constant 14 : i32
      %dma_wait3A_1063 = arith.constant 0 : i32
      %dma_wait3A_1064 = arith.constant 0 : i32
      %dma_wait3A_1065 = arith.constant 0 : i32
      %dma_wait3A_1066 = tpu.memref_slice %arg6[%dma_wait3A_1061, %dma_wait3A_1062, %dma_wait3A_1063, %dma_wait3A_1064, %dma_wait3A_1065] : memref<2x16x2x8x128xf32, #tpu.memory_space<vmem>> -> memref<1x1x2x8x128xf32, #tpu.memory_space<vmem>>
      %dma_wait3A_1067 = tpu.memref_squeeze %dma_wait3A_1066 : memref<1x1x2x8x128xf32, #tpu.memory_space<vmem>> -> memref<2x8x128xf32, #tpu.memory_space<vmem>>
      %dma_wait3A_1068 = arith.constant 0 : i32
      %dma_wait3A_1069 = arith.constant 0 : i32
      %dma_wait3A_1070 = arith.constant 0 : i32
      %dma_wait3A_1071 = tpu.memref_slice %arg3[%dma_wait3A_1068, %dma_wait3A_1069, %dma_wait3A_1070] : memref<2x8x1000000xf32, #tpu.memory_space<hbm>> -> memref<2x8x128xf32, #tpu.memory_space<hbm>>
      %dma_wait3A_1072 = arith.constant 0 : i32
      %dma_wait3A_1073 = arith.constant 0 : i32
      %dma_wait3A_1074 = arith.constant 0 : i32
      %dma_wait3A_1075 = tpu.memref_slice %arg6[%dma_wait3A_1061, %dma_wait3A_1062, %dma_wait3A_1072, %dma_wait3A_1073, %dma_wait3A_1074] : memref<2x16x2x8x128xf32, #tpu.memory_space<vmem>> -> memref<1x1x2x8x128xf32, #tpu.memory_space<vmem>>
      %dma_wait3A_1076 = tpu.memref_squeeze %dma_wait3A_1075 : memref<1x1x2x8x128xf32, #tpu.memory_space<vmem>> -> memref<2x8x128xf32, #tpu.memory_space<vmem>>
      %dma_wait3A_1077 = arith.constant 0 : i32
      %dma_wait3A_1078 = arith.constant 0 : i32
      %dma_wait3A_1079 = arith.constant 0 : i32
      %dma_wait3A_1080 = tpu.memref_slice %arg3[%dma_wait3A_1077, %dma_wait3A_1078, %dma_wait3A_1079] : memref<2x8x1000000xf32, #tpu.memory_space<hbm>> -> memref<2x8x128xf32, #tpu.memory_space<hbm>>
      tpu.wait_dma2 semaphore(%arg8 : memref<!tpu.dma_semaphore, #tpu.memory_space<semaphore_mem>>) src(%dma_wait3A_1080 : memref<2x8x128xf32, #tpu.memory_space<hbm>>) dst(%dma_wait3A_1076 : memref<2x8x128xf32, #tpu.memory_space<vmem>>)
      %dma_wait3A_1081 = arith.constant 0 : i32
      %dma_wait3A_1082 = arith.constant 15 : i32
      %dma_wait3A_1083 = arith.constant 0 : i32
      %dma_wait3A_1084 = arith.constant 0 : i32
      %dma_wait3A_1085 = arith.constant 0 : i32
      %dma_wait3A_1086 = tpu.memref_slice %arg6[%dma_wait3A_1081, %dma_wait3A_1082, %dma_wait3A_1083, %dma_wait3A_1084, %dma_wait3A_1085] : memref<2x16x2x8x128xf32, #tpu.memory_space<vmem>> -> memref<1x1x2x8x128xf32, #tpu.memory_space<vmem>>
      %dma_wait3A_1087 = tpu.memref_squeeze %dma_wait3A_1086 : memref<1x1x2x8x128xf32, #tpu.memory_space<vmem>> -> memref<2x8x128xf32, #tpu.memory_space<vmem>>
      %dma_wait3A_1088 = arith.constant 0 : i32
      %dma_wait3A_1089 = arith.constant 0 : i32
      %dma_wait3A_1090 = arith.constant 0 : i32
      %dma_wait3A_1091 = tpu.memref_slice %arg3[%dma_wait3A_1088, %dma_wait3A_1089, %dma_wait3A_1090] : memref<2x8x1000000xf32, #tpu.memory_space<hbm>> -> memref<2x8x128xf32, #tpu.memory_space<hbm>>
      %dma_wait3A_1092 = arith.constant 0 : i32
      %dma_wait3A_1093 = arith.constant 0 : i32
      %dma_wait3A_1094 = arith.constant 0 : i32
      %dma_wait3A_1095 = tpu.memref_slice %arg6[%dma_wait3A_1081, %dma_wait3A_1082, %dma_wait3A_1092, %dma_wait3A_1093, %dma_wait3A_1094] : memref<2x16x2x8x128xf32, #tpu.memory_space<vmem>> -> memref<1x1x2x8x128xf32, #tpu.memory_space<vmem>>
      %dma_wait3A_1096 = tpu.memref_squeeze %dma_wait3A_1095 : memref<1x1x2x8x128xf32, #tpu.memory_space<vmem>> -> memref<2x8x128xf32, #tpu.memory_space<vmem>>
      %dma_wait3A_1097 = arith.constant 0 : i32
      %dma_wait3A_1098 = arith.constant 0 : i32
      %dma_wait3A_1099 = arith.constant 0 : i32
      %dma_wait3A_1100 = tpu.memref_slice %arg3[%dma_wait3A_1097, %dma_wait3A_1098, %dma_wait3A_1099] : memref<2x8x1000000xf32, #tpu.memory_space<hbm>> -> memref<2x8x128xf32, #tpu.memory_space<hbm>>
      tpu.wait_dma2 semaphore(%arg8 : memref<!tpu.dma_semaphore, #tpu.memory_space<semaphore_mem>>) src(%dma_wait3A_1100 : memref<2x8x128xf32, #tpu.memory_space<hbm>>) dst(%dma_wait3A_1096 : memref<2x8x128xf32, #tpu.memory_space<vmem>>)
      %mul3A_1101 = arith.constant 16 : i32
      %mul3A_1102 = arith.muli %mul3A_391, %mul3A_1101 : i32
      %get3A_1103 = arith.index_cast %mul3A_1102 : i32 to index
      %get3A_1104 = tpu.vector_load %arg5[%get3A_1103] {strides = array<i32>} : memref<512xi32, #tpu.memory_space<vmem>>, vector<16xi32>,
      %and3A = arith.constant 127 : i32
      %and3A_1105 = vector.broadcast %and3A : i32 to vector<16xi32>
      %and3A_1106 = arith.andi %get3A_1104, %and3A_1105 : vector<16xi32>
      %iota3A = tpu.iota {dimensions = array<i32: 0>} : vector<16xi32>
      %broadcast_in_dim3A = arith.constant 0 : i32
      %broadcast_in_dim3A_1107 = vector.broadcast %broadcast_in_dim3A : i32 to vector<16xi32>
      %broadcast_in_dim3A_1108 = arith.constant 0 : i32
      %broadcast_in_dim3A_1109 = vector.broadcast %broadcast_in_dim3A_1108 : i32 to vector<16xi32>
      %gather3A = arith.constant 0 : i32
      %gather3A_1110 = arith.constant 0 : i32
      %gather3A_1111 = arith.constant 0 : i32
      %gather3A_1112 = arith.constant 0 : i32
      %gather3A_1113 = arith.constant 0 : i32
      %gather3A_1114 = tpu.memref_slice %arg6[%gather3A, %gather3A_1110, %gather3A_1111, %gather3A_1112, %gather3A_1113] : memref<2x16x2x8x128xf32, #tpu.memory_space<vmem>> -> memref<1x16x2x8x128xf32, #tpu.memory_space<vmem>>
      %gather3A_1115 = tpu.memref_squeeze %gather3A_1114 : memref<1x16x2x8x128xf32, #tpu.memory_space<vmem>> -> memref<16x2x8x128xf32, #tpu.memory_space<vmem>>
      %gather3A_1116 = tpu.vector_load_idx %gather3A_1115[%iota3A, %broadcast_in_dim3A_1107, %broadcast_in_dim3A_1109, %and3A_1106] : memref<16x2x8x128xf32, #tpu.memory_space<vmem>>[vector<16xi32>, vector<16xi32>, vector<16xi32>, vector<16xi32>], vector<16xf32>,
      %mul3A_1117 = arith.constant 16 : i32
      %mul3A_1118 = arith.muli %mul3A_391, %mul3A_1117 : i32
      %swap3A = arith.constant 0 : i32
      %swap3A_1119 = arith.index_cast %swap3A : i32 to index
      %swap3A_1120 = arith.index_cast %mul3A_1118 : i32 to index
      %swap3A_1121 = tpu.vector_load %arg7[%swap3A_1119, %swap3A_1120] {strides = array<i32>} : memref<16x512xf32, #tpu.memory_space<vmem>>, vector<16xf32>,
      tpu.vector_store %arg7[%swap3A_1119, %swap3A_1120], %gather3A_1116 {strides = array<i32>} : memref<16x512xf32, #tpu.memory_space<vmem>>, vector<16xf32>,
      %broadcast_in_dim3A_1122 = arith.constant 0 : i32
      %broadcast_in_dim3A_1123 = vector.broadcast %broadcast_in_dim3A_1122 : i32 to vector<16xi32>
      %broadcast_in_dim3A_1124 = arith.constant 1 : i32
      %broadcast_in_dim3A_1125 = vector.broadcast %broadcast_in_dim3A_1124 : i32 to vector<16xi32>
      %gather3A_1126 = arith.constant 0 : i32
      %gather3A_1127 = arith.constant 0 : i32
      %gather3A_1128 = arith.constant 0 : i32
      %gather3A_1129 = arith.constant 0 : i32
      %gather3A_1130 = arith.constant 0 : i32
      %gather3A_1131 = tpu.memref_slice %arg6[%gather3A_1126, %gather3A_1127, %gather3A_1128, %gather3A_1129, %gather3A_1130] : memref<2x16x2x8x128xf32, #tpu.memory_space<vmem>> -> memref<1x16x2x8x128xf32, #tpu.memory_space<vmem>>
      %gather3A_1132 = tpu.memref_squeeze %gather3A_1131 : memref<1x16x2x8x128xf32, #tpu.memory_space<vmem>> -> memref<16x2x8x128xf32, #tpu.memory_space<vmem>>
      %gather3A_1133 = tpu.vector_load_idx %gather3A_1132[%iota3A, %broadcast_in_dim3A_1123, %broadcast_in_dim3A_1125, %and3A_1106] : memref<16x2x8x128xf32, #tpu.memory_space<vmem>>[vector<16xi32>, vector<16xi32>, vector<16xi32>, vector<16xi32>], vector<16xf32>,
      %mul3A_1134 = arith.constant 16 : i32
      %mul3A_1135 = arith.muli %mul3A_391, %mul3A_1134 : i32
      %swap3A_1136 = arith.constant 1 : i32
      %swap3A_1137 = arith.index_cast %swap3A_1136 : i32 to index
      %swap3A_1138 = arith.index_cast %mul3A_1135 : i32 to index
      %swap3A_1139 = tpu.vector_load %arg7[%swap3A_1137, %swap3A_1138] {strides = array<i32>} : memref<16x512xf32, #tpu.memory_space<vmem>>, vector<16xf32>,
      tpu.vector_store %arg7[%swap3A_1137, %swap3A_1138], %gather3A_1133 {strides = array<i32>} : memref<16x512xf32, #tpu.memory_space<vmem>>, vector<16xf32>,
      %broadcast_in_dim3A_1140 = arith.constant 0 : i32
      %broadcast_in_dim3A_1141 = vector.broadcast %broadcast_in_dim3A_1140 : i32 to vector<16xi32>
      %broadcast_in_dim3A_1142 = arith.constant 2 : i32
      %broadcast_in_dim3A_1143 = vector.broadcast %broadcast_in_dim3A_1142 : i32 to vector<16xi32>
      %gather3A_1144 = arith.constant 0 : i32
      %gather3A_1145 = arith.constant 0 : i32
      %gather3A_1146 = arith.constant 0 : i32
      %gather3A_1147 = arith.constant 0 : i32
      %gather3A_1148 = arith.constant 0 : i32
      %gather3A_1149 = tpu.memref_slice %arg6[%gather3A_1144, %gather3A_1145, %gather3A_1146, %gather3A_1147, %gather3A_1148] : memref<2x16x2x8x128xf32, #tpu.memory_space<vmem>> -> memref<1x16x2x8x128xf32, #tpu.memory_space<vmem>>
      %gather3A_1150 = tpu.memref_squeeze %gather3A_1149 : memref<1x16x2x8x128xf32, #tpu.memory_space<vmem>> -> memref<16x2x8x128xf32, #tpu.memory_space<vmem>>
      %gather3A_1151 = tpu.vector_load_idx %gather3A_1150[%iota3A, %broadcast_in_dim3A_1141, %broadcast_in_dim3A_1143, %and3A_1106] : memref<16x2x8x128xf32, #tpu.memory_space<vmem>>[vector<16xi32>, vector<16xi32>, vector<16xi32>, vector<16xi32>], vector<16xf32>,
      %mul3A_1152 = arith.constant 16 : i32
      %mul3A_1153 = arith.muli %mul3A_391, %mul3A_1152 : i32
      %swap3A_1154 = arith.constant 2 : i32
      %swap3A_1155 = arith.index_cast %swap3A_1154 : i32 to index
      %swap3A_1156 = arith.index_cast %mul3A_1153 : i32 to index
      %swap3A_1157 = tpu.vector_load %arg7[%swap3A_1155, %swap3A_1156] {strides = array<i32>} : memref<16x512xf32, #tpu.memory_space<vmem>>, vector<16xf32>,
      tpu.vector_store %arg7[%swap3A_1155, %swap3A_1156], %gather3A_1151 {strides = array<i32>} : memref<16x512xf32, #tpu.memory_space<vmem>>, vector<16xf32>,
      %broadcast_in_dim3A_1158 = arith.constant 0 : i32
      %broadcast_in_dim3A_1159 = vector.broadcast %broadcast_in_dim3A_1158 : i32 to vector<16xi32>
      %broadcast_in_dim3A_1160 = arith.constant 3 : i32
      %broadcast_in_dim3A_1161 = vector.broadcast %broadcast_in_dim3A_1160 : i32 to vector<16xi32>
      %gather3A_1162 = arith.constant 0 : i32
      %gather3A_1163 = arith.constant 0 : i32
      %gather3A_1164 = arith.constant 0 : i32
      %gather3A_1165 = arith.constant 0 : i32
      %gather3A_1166 = arith.constant 0 : i32
      %gather3A_1167 = tpu.memref_slice %arg6[%gather3A_1162, %gather3A_1163, %gather3A_1164, %gather3A_1165, %gather3A_1166] : memref<2x16x2x8x128xf32, #tpu.memory_space<vmem>> -> memref<1x16x2x8x128xf32, #tpu.memory_space<vmem>>
      %gather3A_1168 = tpu.memref_squeeze %gather3A_1167 : memref<1x16x2x8x128xf32, #tpu.memory_space<vmem>> -> memref<16x2x8x128xf32, #tpu.memory_space<vmem>>
      %gather3A_1169 = tpu.vector_load_idx %gather3A_1168[%iota3A, %broadcast_in_dim3A_1159, %broadcast_in_dim3A_1161, %and3A_1106] : memref<16x2x8x128xf32, #tpu.memory_space<vmem>>[vector<16xi32>, vector<16xi32>, vector<16xi32>, vector<16xi32>], vector<16xf32>,
      %mul3A_1170 = arith.constant 16 : i32
      %mul3A_1171 = arith.muli %mul3A_391, %mul3A_1170 : i32
      %swap3A_1172 = arith.constant 3 : i32
      %swap3A_1173 = arith.index_cast %swap3A_1172 : i32 to index
      %swap3A_1174 = arith.index_cast %mul3A_1171 : i32 to index
      %swap3A_1175 = tpu.vector_load %arg7[%swap3A_1173, %swap3A_1174] {strides = array<i32>} : memref<16x512xf32, #tpu.memory_space<vmem>>, vector<16xf32>,
      tpu.vector_store %arg7[%swap3A_1173, %swap3A_1174], %gather3A_1169 {strides = array<i32>} : memref<16x512xf32, #tpu.memory_space<vmem>>, vector<16xf32>,
      %broadcast_in_dim3A_1176 = arith.constant 0 : i32
      %broadcast_in_dim3A_1177 = vector.broadcast %broadcast_in_dim3A_1176 : i32 to vector<16xi32>
      %broadcast_in_dim3A_1178 = arith.constant 4 : i32
      %broadcast_in_dim3A_1179 = vector.broadcast %broadcast_in_dim3A_1178 : i32 to vector<16xi32>
      %gather3A_1180 = arith.constant 0 : i32
      %gather3A_1181 = arith.constant 0 : i32
      %gather3A_1182 = arith.constant 0 : i32
      %gather3A_1183 = arith.constant 0 : i32
      %gather3A_1184 = arith.constant 0 : i32
      %gather3A_1185 = tpu.memref_slice %arg6[%gather3A_1180, %gather3A_1181, %gather3A_1182, %gather3A_1183, %gather3A_1184] : memref<2x16x2x8x128xf32, #tpu.memory_space<vmem>> -> memref<1x16x2x8x128xf32, #tpu.memory_space<vmem>>
      %gather3A_1186 = tpu.memref_squeeze %gather3A_1185 : memref<1x16x2x8x128xf32, #tpu.memory_space<vmem>> -> memref<16x2x8x128xf32, #tpu.memory_space<vmem>>
      %gather3A_1187 = tpu.vector_load_idx %gather3A_1186[%iota3A, %broadcast_in_dim3A_1177, %broadcast_in_dim3A_1179, %and3A_1106] : memref<16x2x8x128xf32, #tpu.memory_space<vmem>>[vector<16xi32>, vector<16xi32>, vector<16xi32>, vector<16xi32>], vector<16xf32>,
      %mul3A_1188 = arith.constant 16 : i32
      %mul3A_1189 = arith.muli %mul3A_391, %mul3A_1188 : i32
      %swap3A_1190 = arith.constant 4 : i32
      %swap3A_1191 = arith.index_cast %swap3A_1190 : i32 to index
      %swap3A_1192 = arith.index_cast %mul3A_1189 : i32 to index
      %swap3A_1193 = tpu.vector_load %arg7[%swap3A_1191, %swap3A_1192] {strides = array<i32>} : memref<16x512xf32, #tpu.memory_space<vmem>>, vector<16xf32>,
      tpu.vector_store %arg7[%swap3A_1191, %swap3A_1192], %gather3A_1187 {strides = array<i32>} : memref<16x512xf32, #tpu.memory_space<vmem>>, vector<16xf32>,
      %broadcast_in_dim3A_1194 = arith.constant 0 : i32
      %broadcast_in_dim3A_1195 = vector.broadcast %broadcast_in_dim3A_1194 : i32 to vector<16xi32>
      %broadcast_in_dim3A_1196 = arith.constant 5 : i32
      %broadcast_in_dim3A_1197 = vector.broadcast %broadcast_in_dim3A_1196 : i32 to vector<16xi32>
      %gather3A_1198 = arith.constant 0 : i32
      %gather3A_1199 = arith.constant 0 : i32
      %gather3A_1200 = arith.constant 0 : i32
      %gather3A_1201 = arith.constant 0 : i32
      %gather3A_1202 = arith.constant 0 : i32
      %gather3A_1203 = tpu.memref_slice %arg6[%gather3A_1198, %gather3A_1199, %gather3A_1200, %gather3A_1201, %gather3A_1202] : memref<2x16x2x8x128xf32, #tpu.memory_space<vmem>> -> memref<1x16x2x8x128xf32, #tpu.memory_space<vmem>>
      %gather3A_1204 = tpu.memref_squeeze %gather3A_1203 : memref<1x16x2x8x128xf32, #tpu.memory_space<vmem>> -> memref<16x2x8x128xf32, #tpu.memory_space<vmem>>
      %gather3A_1205 = tpu.vector_load_idx %gather3A_1204[%iota3A, %broadcast_in_dim3A_1195, %broadcast_in_dim3A_1197, %and3A_1106] : memref<16x2x8x128xf32, #tpu.memory_space<vmem>>[vector<16xi32>, vector<16xi32>, vector<16xi32>, vector<16xi32>], vector<16xf32>,
      %mul3A_1206 = arith.constant 16 : i32
      %mul3A_1207 = arith.muli %mul3A_391, %mul3A_1206 : i32
      %swap3A_1208 = arith.constant 5 : i32
      %swap3A_1209 = arith.index_cast %swap3A_1208 : i32 to index
      %swap3A_1210 = arith.index_cast %mul3A_1207 : i32 to index
      %swap3A_1211 = tpu.vector_load %arg7[%swap3A_1209, %swap3A_1210] {strides = array<i32>} : memref<16x512xf32, #tpu.memory_space<vmem>>, vector<16xf32>,
      tpu.vector_store %arg7[%swap3A_1209, %swap3A_1210], %gather3A_1205 {strides = array<i32>} : memref<16x512xf32, #tpu.memory_space<vmem>>, vector<16xf32>,
      %broadcast_in_dim3A_1212 = arith.constant 0 : i32
      %broadcast_in_dim3A_1213 = vector.broadcast %broadcast_in_dim3A_1212 : i32 to vector<16xi32>
      %broadcast_in_dim3A_1214 = arith.constant 6 : i32
      %broadcast_in_dim3A_1215 = vector.broadcast %broadcast_in_dim3A_1214 : i32 to vector<16xi32>
      %gather3A_1216 = arith.constant 0 : i32
      %gather3A_1217 = arith.constant 0 : i32
      %gather3A_1218 = arith.constant 0 : i32
      %gather3A_1219 = arith.constant 0 : i32
      %gather3A_1220 = arith.constant 0 : i32
      %gather3A_1221 = tpu.memref_slice %arg6[%gather3A_1216, %gather3A_1217, %gather3A_1218, %gather3A_1219, %gather3A_1220] : memref<2x16x2x8x128xf32, #tpu.memory_space<vmem>> -> memref<1x16x2x8x128xf32, #tpu.memory_space<vmem>>
      %gather3A_1222 = tpu.memref_squeeze %gather3A_1221 : memref<1x16x2x8x128xf32, #tpu.memory_space<vmem>> -> memref<16x2x8x128xf32, #tpu.memory_space<vmem>>
      %gather3A_1223 = tpu.vector_load_idx %gather3A_1222[%iota3A, %broadcast_in_dim3A_1213, %broadcast_in_dim3A_1215, %and3A_1106] : memref<16x2x8x128xf32, #tpu.memory_space<vmem>>[vector<16xi32>, vector<16xi32>, vector<16xi32>, vector<16xi32>], vector<16xf32>,
      %mul3A_1224 = arith.constant 16 : i32
      %mul3A_1225 = arith.muli %mul3A_391, %mul3A_1224 : i32
      %swap3A_1226 = arith.constant 6 : i32
      %swap3A_1227 = arith.index_cast %swap3A_1226 : i32 to index
      %swap3A_1228 = arith.index_cast %mul3A_1225 : i32 to index
      %swap3A_1229 = tpu.vector_load %arg7[%swap3A_1227, %swap3A_1228] {strides = array<i32>} : memref<16x512xf32, #tpu.memory_space<vmem>>, vector<16xf32>,
      tpu.vector_store %arg7[%swap3A_1227, %swap3A_1228], %gather3A_1223 {strides = array<i32>} : memref<16x512xf32, #tpu.memory_space<vmem>>, vector<16xf32>,
      %broadcast_in_dim3A_1230 = arith.constant 0 : i32
      %broadcast_in_dim3A_1231 = vector.broadcast %broadcast_in_dim3A_1230 : i32 to vector<16xi32>
      %broadcast_in_dim3A_1232 = arith.constant 7 : i32
      %broadcast_in_dim3A_1233 = vector.broadcast %broadcast_in_dim3A_1232 : i32 to vector<16xi32>
      %gather3A_1234 = arith.constant 0 : i32
      %gather3A_1235 = arith.constant 0 : i32
      %gather3A_1236 = arith.constant 0 : i32
      %gather3A_1237 = arith.constant 0 : i32
      %gather3A_1238 = arith.constant 0 : i32
      %gather3A_1239 = tpu.memref_slice %arg6[%gather3A_1234, %gather3A_1235, %gather3A_1236, %gather3A_1237, %gather3A_1238] : memref<2x16x2x8x128xf32, #tpu.memory_space<vmem>> -> memref<1x16x2x8x128xf32, #tpu.memory_space<vmem>>
      %gather3A_1240 = tpu.memref_squeeze %gather3A_1239 : memref<1x16x2x8x128xf32, #tpu.memory_space<vmem>> -> memref<16x2x8x128xf32, #tpu.memory_space<vmem>>
      %gather3A_1241 = tpu.vector_load_idx %gather3A_1240[%iota3A, %broadcast_in_dim3A_1231, %broadcast_in_dim3A_1233, %and3A_1106] : memref<16x2x8x128xf32, #tpu.memory_space<vmem>>[vector<16xi32>, vector<16xi32>, vector<16xi32>, vector<16xi32>], vector<16xf32>,
      %mul3A_1242 = arith.constant 16 : i32
      %mul3A_1243 = arith.muli %mul3A_391, %mul3A_1242 : i32
      %swap3A_1244 = arith.constant 7 : i32
      %swap3A_1245 = arith.index_cast %swap3A_1244 : i32 to index
      %swap3A_1246 = arith.index_cast %mul3A_1243 : i32 to index
      %swap3A_1247 = tpu.vector_load %arg7[%swap3A_1245, %swap3A_1246] {strides = array<i32>} : memref<16x512xf32, #tpu.memory_space<vmem>>, vector<16xf32>,
      tpu.vector_store %arg7[%swap3A_1245, %swap3A_1246], %gather3A_1241 {strides = array<i32>} : memref<16x512xf32, #tpu.memory_space<vmem>>, vector<16xf32>,
      %broadcast_in_dim3A_1248 = arith.constant 1 : i32
      %broadcast_in_dim3A_1249 = vector.broadcast %broadcast_in_dim3A_1248 : i32 to vector<16xi32>
      %broadcast_in_dim3A_1250 = arith.constant 0 : i32
      %broadcast_in_dim3A_1251 = vector.broadcast %broadcast_in_dim3A_1250 : i32 to vector<16xi32>
      %gather3A_1252 = arith.constant 0 : i32
      %gather3A_1253 = arith.constant 0 : i32
      %gather3A_1254 = arith.constant 0 : i32
      %gather3A_1255 = arith.constant 0 : i32
      %gather3A_1256 = arith.constant 0 : i32
      %gather3A_1257 = tpu.memref_slice %arg6[%gather3A_1252, %gather3A_1253, %gather3A_1254, %gather3A_1255, %gather3A_1256] : memref<2x16x2x8x128xf32, #tpu.memory_space<vmem>> -> memref<1x16x2x8x128xf32, #tpu.memory_space<vmem>>
      %gather3A_1258 = tpu.memref_squeeze %gather3A_1257 : memref<1x16x2x8x128xf32, #tpu.memory_space<vmem>> -> memref<16x2x8x128xf32, #tpu.memory_space<vmem>>
      %gather3A_1259 = tpu.vector_load_idx %gather3A_1258[%iota3A, %broadcast_in_dim3A_1249, %broadcast_in_dim3A_1251, %and3A_1106] : memref<16x2x8x128xf32, #tpu.memory_space<vmem>>[vector<16xi32>, vector<16xi32>, vector<16xi32>, vector<16xi32>], vector<16xf32>,
      %mul3A_1260 = arith.constant 16 : i32
      %mul3A_1261 = arith.muli %mul3A_391, %mul3A_1260 : i32
      %swap3A_1262 = arith.constant 8 : i32
      %swap3A_1263 = arith.index_cast %swap3A_1262 : i32 to index
      %swap3A_1264 = arith.index_cast %mul3A_1261 : i32 to index
      %swap3A_1265 = tpu.vector_load %arg7[%swap3A_1263, %swap3A_1264] {strides = array<i32>} : memref<16x512xf32, #tpu.memory_space<vmem>>, vector<16xf32>,
      tpu.vector_store %arg7[%swap3A_1263, %swap3A_1264], %gather3A_1259 {strides = array<i32>} : memref<16x512xf32, #tpu.memory_space<vmem>>, vector<16xf32>,
      %broadcast_in_dim3A_1266 = arith.constant 1 : i32
      %broadcast_in_dim3A_1267 = vector.broadcast %broadcast_in_dim3A_1266 : i32 to vector<16xi32>
      %broadcast_in_dim3A_1268 = arith.constant 1 : i32
      %broadcast_in_dim3A_1269 = vector.broadcast %broadcast_in_dim3A_1268 : i32 to vector<16xi32>
      %gather3A_1270 = arith.constant 0 : i32
      %gather3A_1271 = arith.constant 0 : i32
      %gather3A_1272 = arith.constant 0 : i32
      %gather3A_1273 = arith.constant 0 : i32
      %gather3A_1274 = arith.constant 0 : i32
      %gather3A_1275 = tpu.memref_slice %arg6[%gather3A_1270, %gather3A_1271, %gather3A_1272, %gather3A_1273, %gather3A_1274] : memref<2x16x2x8x128xf32, #tpu.memory_space<vmem>> -> memref<1x16x2x8x128xf32, #tpu.memory_space<vmem>>
      %gather3A_1276 = tpu.memref_squeeze %gather3A_1275 : memref<1x16x2x8x128xf32, #tpu.memory_space<vmem>> -> memref<16x2x8x128xf32, #tpu.memory_space<vmem>>
      %gather3A_1277 = tpu.vector_load_idx %gather3A_1276[%iota3A, %broadcast_in_dim3A_1267, %broadcast_in_dim3A_1269, %and3A_1106] : memref<16x2x8x128xf32, #tpu.memory_space<vmem>>[vector<16xi32>, vector<16xi32>, vector<16xi32>, vector<16xi32>], vector<16xf32>,
      %mul3A_1278 = arith.constant 16 : i32
      %mul3A_1279 = arith.muli %mul3A_391, %mul3A_1278 : i32
      %swap3A_1280 = arith.constant 9 : i32
      %swap3A_1281 = arith.index_cast %swap3A_1280 : i32 to index
      %swap3A_1282 = arith.index_cast %mul3A_1279 : i32 to index
      %swap3A_1283 = tpu.vector_load %arg7[%swap3A_1281, %swap3A_1282] {strides = array<i32>} : memref<16x512xf32, #tpu.memory_space<vmem>>, vector<16xf32>,
      tpu.vector_store %arg7[%swap3A_1281, %swap3A_1282], %gather3A_1277 {strides = array<i32>} : memref<16x512xf32, #tpu.memory_space<vmem>>, vector<16xf32>,
      %broadcast_in_dim3A_1284 = arith.constant 1 : i32
      %broadcast_in_dim3A_1285 = vector.broadcast %broadcast_in_dim3A_1284 : i32 to vector<16xi32>
      %broadcast_in_dim3A_1286 = arith.constant 2 : i32
      %broadcast_in_dim3A_1287 = vector.broadcast %broadcast_in_dim3A_1286 : i32 to vector<16xi32>
      %gather3A_1288 = arith.constant 0 : i32
      %gather3A_1289 = arith.constant 0 : i32
      %gather3A_1290 = arith.constant 0 : i32
      %gather3A_1291 = arith.constant 0 : i32
      %gather3A_1292 = arith.constant 0 : i32
      %gather3A_1293 = tpu.memref_slice %arg6[%gather3A_1288, %gather3A_1289, %gather3A_1290, %gather3A_1291, %gather3A_1292] : memref<2x16x2x8x128xf32, #tpu.memory_space<vmem>> -> memref<1x16x2x8x128xf32, #tpu.memory_space<vmem>>
      %gather3A_1294 = tpu.memref_squeeze %gather3A_1293 : memref<1x16x2x8x128xf32, #tpu.memory_space<vmem>> -> memref<16x2x8x128xf32, #tpu.memory_space<vmem>>
      %gather3A_1295 = tpu.vector_load_idx %gather3A_1294[%iota3A, %broadcast_in_dim3A_1285, %broadcast_in_dim3A_1287, %and3A_1106] : memref<16x2x8x128xf32, #tpu.memory_space<vmem>>[vector<16xi32>, vector<16xi32>, vector<16xi32>, vector<16xi32>], vector<16xf32>,
      %mul3A_1296 = arith.constant 16 : i32
      %mul3A_1297 = arith.muli %mul3A_391, %mul3A_1296 : i32
      %swap3A_1298 = arith.constant 10 : i32
      %swap3A_1299 = arith.index_cast %swap3A_1298 : i32 to index
      %swap3A_1300 = arith.index_cast %mul3A_1297 : i32 to index
      %swap3A_1301 = tpu.vector_load %arg7[%swap3A_1299, %swap3A_1300] {strides = array<i32>} : memref<16x512xf32, #tpu.memory_space<vmem>>, vector<16xf32>,
      tpu.vector_store %arg7[%swap3A_1299, %swap3A_1300], %gather3A_1295 {strides = array<i32>} : memref<16x512xf32, #tpu.memory_space<vmem>>, vector<16xf32>,
      %broadcast_in_dim3A_1302 = arith.constant 1 : i32
      %broadcast_in_dim3A_1303 = vector.broadcast %broadcast_in_dim3A_1302 : i32 to vector<16xi32>
      %broadcast_in_dim3A_1304 = arith.constant 3 : i32
      %broadcast_in_dim3A_1305 = vector.broadcast %broadcast_in_dim3A_1304 : i32 to vector<16xi32>
      %gather3A_1306 = arith.constant 0 : i32
      %gather3A_1307 = arith.constant 0 : i32
      %gather3A_1308 = arith.constant 0 : i32
      %gather3A_1309 = arith.constant 0 : i32
      %gather3A_1310 = arith.constant 0 : i32
      %gather3A_1311 = tpu.memref_slice %arg6[%gather3A_1306, %gather3A_1307, %gather3A_1308, %gather3A_1309, %gather3A_1310] : memref<2x16x2x8x128xf32, #tpu.memory_space<vmem>> -> memref<1x16x2x8x128xf32, #tpu.memory_space<vmem>>
      %gather3A_1312 = tpu.memref_squeeze %gather3A_1311 : memref<1x16x2x8x128xf32, #tpu.memory_space<vmem>> -> memref<16x2x8x128xf32, #tpu.memory_space<vmem>>
      %gather3A_1313 = tpu.vector_load_idx %gather3A_1312[%iota3A, %broadcast_in_dim3A_1303, %broadcast_in_dim3A_1305, %and3A_1106] : memref<16x2x8x128xf32, #tpu.memory_space<vmem>>[vector<16xi32>, vector<16xi32>, vector<16xi32>, vector<16xi32>], vector<16xf32>,
      %mul3A_1314 = arith.constant 16 : i32
      %mul3A_1315 = arith.muli %mul3A_391, %mul3A_1314 : i32
      %swap3A_1316 = arith.constant 11 : i32
      %swap3A_1317 = arith.index_cast %swap3A_1316 : i32 to index
      %swap3A_1318 = arith.index_cast %mul3A_1315 : i32 to index
      %swap3A_1319 = tpu.vector_load %arg7[%swap3A_1317, %swap3A_1318] {strides = array<i32>} : memref<16x512xf32, #tpu.memory_space<vmem>>, vector<16xf32>,
      tpu.vector_store %arg7[%swap3A_1317, %swap3A_1318], %gather3A_1313 {strides = array<i32>} : memref<16x512xf32, #tpu.memory_space<vmem>>, vector<16xf32>,
      %broadcast_in_dim3A_1320 = arith.constant 1 : i32
      %broadcast_in_dim3A_1321 = vector.broadcast %broadcast_in_dim3A_1320 : i32 to vector<16xi32>
      %broadcast_in_dim3A_1322 = arith.constant 4 : i32
      %broadcast_in_dim3A_1323 = vector.broadcast %broadcast_in_dim3A_1322 : i32 to vector<16xi32>
      %gather3A_1324 = arith.constant 0 : i32
      %gather3A_1325 = arith.constant 0 : i32
      %gather3A_1326 = arith.constant 0 : i32
      %gather3A_1327 = arith.constant 0 : i32
      %gather3A_1328 = arith.constant 0 : i32
      %gather3A_1329 = tpu.memref_slice %arg6[%gather3A_1324, %gather3A_1325, %gather3A_1326, %gather3A_1327, %gather3A_1328] : memref<2x16x2x8x128xf32, #tpu.memory_space<vmem>> -> memref<1x16x2x8x128xf32, #tpu.memory_space<vmem>>
      %gather3A_1330 = tpu.memref_squeeze %gather3A_1329 : memref<1x16x2x8x128xf32, #tpu.memory_space<vmem>> -> memref<16x2x8x128xf32, #tpu.memory_space<vmem>>
      %gather3A_1331 = tpu.vector_load_idx %gather3A_1330[%iota3A, %broadcast_in_dim3A_1321, %broadcast_in_dim3A_1323, %and3A_1106] : memref<16x2x8x128xf32, #tpu.memory_space<vmem>>[vector<16xi32>, vector<16xi32>, vector<16xi32>, vector<16xi32>], vector<16xf32>,
      %mul3A_1332 = arith.constant 16 : i32
      %mul3A_1333 = arith.muli %mul3A_391, %mul3A_1332 : i32
      %swap3A_1334 = arith.constant 12 : i32
      %swap3A_1335 = arith.index_cast %swap3A_1334 : i32 to index
      %swap3A_1336 = arith.index_cast %mul3A_1333 : i32 to index
      %swap3A_1337 = tpu.vector_load %arg7[%swap3A_1335, %swap3A_1336] {strides = array<i32>} : memref<16x512xf32, #tpu.memory_space<vmem>>, vector<16xf32>,
      tpu.vector_store %arg7[%swap3A_1335, %swap3A_1336], %gather3A_1331 {strides = array<i32>} : memref<16x512xf32, #tpu.memory_space<vmem>>, vector<16xf32>,
      %broadcast_in_dim3A_1338 = arith.constant 1 : i32
      %broadcast_in_dim3A_1339 = vector.broadcast %broadcast_in_dim3A_1338 : i32 to vector<16xi32>
      %broadcast_in_dim3A_1340 = arith.constant 5 : i32
      %broadcast_in_dim3A_1341 = vector.broadcast %broadcast_in_dim3A_1340 : i32 to vector<16xi32>
      %gather3A_1342 = arith.constant 0 : i32
      %gather3A_1343 = arith.constant 0 : i32
      %gather3A_1344 = arith.constant 0 : i32
      %gather3A_1345 = arith.constant 0 : i32
      %gather3A_1346 = arith.constant 0 : i32
      %gather3A_1347 = tpu.memref_slice %arg6[%gather3A_1342, %gather3A_1343, %gather3A_1344, %gather3A_1345, %gather3A_1346] : memref<2x16x2x8x128xf32, #tpu.memory_space<vmem>> -> memref<1x16x2x8x128xf32, #tpu.memory_space<vmem>>
      %gather3A_1348 = tpu.memref_squeeze %gather3A_1347 : memref<1x16x2x8x128xf32, #tpu.memory_space<vmem>> -> memref<16x2x8x128xf32, #tpu.memory_space<vmem>>
      %gather3A_1349 = tpu.vector_load_idx %gather3A_1348[%iota3A, %broadcast_in_dim3A_1339, %broadcast_in_dim3A_1341, %and3A_1106] : memref<16x2x8x128xf32, #tpu.memory_space<vmem>>[vector<16xi32>, vector<16xi32>, vector<16xi32>, vector<16xi32>], vector<16xf32>,
      %mul3A_1350 = arith.constant 16 : i32
      %mul3A_1351 = arith.muli %mul3A_391, %mul3A_1350 : i32
      %swap3A_1352 = arith.constant 13 : i32
      %swap3A_1353 = arith.index_cast %swap3A_1352 : i32 to index
      %swap3A_1354 = arith.index_cast %mul3A_1351 : i32 to index
      %swap3A_1355 = tpu.vector_load %arg7[%swap3A_1353, %swap3A_1354] {strides = array<i32>} : memref<16x512xf32, #tpu.memory_space<vmem>>, vector<16xf32>,
      tpu.vector_store %arg7[%swap3A_1353, %swap3A_1354], %gather3A_1349 {strides = array<i32>} : memref<16x512xf32, #tpu.memory_space<vmem>>, vector<16xf32>,
      %broadcast_in_dim3A_1356 = arith.constant 1 : i32
      %broadcast_in_dim3A_1357 = vector.broadcast %broadcast_in_dim3A_1356 : i32 to vector<16xi32>
      %broadcast_in_dim3A_1358 = arith.constant 6 : i32
      %broadcast_in_dim3A_1359 = vector.broadcast %broadcast_in_dim3A_1358 : i32 to vector<16xi32>
      %gather3A_1360 = arith.constant 0 : i32
      %gather3A_1361 = arith.constant 0 : i32
      %gather3A_1362 = arith.constant 0 : i32
      %gather3A_1363 = arith.constant 0 : i32
      %gather3A_1364 = arith.constant 0 : i32
      %gather3A_1365 = tpu.memref_slice %arg6[%gather3A_1360, %gather3A_1361, %gather3A_1362, %gather3A_1363, %gather3A_1364] : memref<2x16x2x8x128xf32, #tpu.memory_space<vmem>> -> memref<1x16x2x8x128xf32, #tpu.memory_space<vmem>>
      %gather3A_1366 = tpu.memref_squeeze %gather3A_1365 : memref<1x16x2x8x128xf32, #tpu.memory_space<vmem>> -> memref<16x2x8x128xf32, #tpu.memory_space<vmem>>
      %gather3A_1367 = tpu.vector_load_idx %gather3A_1366[%iota3A, %broadcast_in_dim3A_1357, %broadcast_in_dim3A_1359, %and3A_1106] : memref<16x2x8x128xf32, #tpu.memory_space<vmem>>[vector<16xi32>, vector<16xi32>, vector<16xi32>, vector<16xi32>], vector<16xf32>,
      %mul3A_1368 = arith.constant 16 : i32
      %mul3A_1369 = arith.muli %mul3A_391, %mul3A_1368 : i32
      %swap3A_1370 = arith.constant 14 : i32
      %swap3A_1371 = arith.index_cast %swap3A_1370 : i32 to index
      %swap3A_1372 = arith.index_cast %mul3A_1369 : i32 to index
      %swap3A_1373 = tpu.vector_load %arg7[%swap3A_1371, %swap3A_1372] {strides = array<i32>} : memref<16x512xf32, #tpu.memory_space<vmem>>, vector<16xf32>,
      tpu.vector_store %arg7[%swap3A_1371, %swap3A_1372], %gather3A_1367 {strides = array<i32>} : memref<16x512xf32, #tpu.memory_space<vmem>>, vector<16xf32>,
      %broadcast_in_dim3A_1374 = arith.constant 1 : i32
      %broadcast_in_dim3A_1375 = vector.broadcast %broadcast_in_dim3A_1374 : i32 to vector<16xi32>
      %broadcast_in_dim3A_1376 = arith.constant 7 : i32
      %broadcast_in_dim3A_1377 = vector.broadcast %broadcast_in_dim3A_1376 : i32 to vector<16xi32>
      %gather3A_1378 = arith.constant 0 : i32
      %gather3A_1379 = arith.constant 0 : i32
      %gather3A_1380 = arith.constant 0 : i32
      %gather3A_1381 = arith.constant 0 : i32
      %gather3A_1382 = arith.constant 0 : i32
      %gather3A_1383 = tpu.memref_slice %arg6[%gather3A_1378, %gather3A_1379, %gather3A_1380, %gather3A_1381, %gather3A_1382] : memref<2x16x2x8x128xf32, #tpu.memory_space<vmem>> -> memref<1x16x2x8x128xf32, #tpu.memory_space<vmem>>
      %gather3A_1384 = tpu.memref_squeeze %gather3A_1383 : memref<1x16x2x8x128xf32, #tpu.memory_space<vmem>> -> memref<16x2x8x128xf32, #tpu.memory_space<vmem>>
      %gather3A_1385 = tpu.vector_load_idx %gather3A_1384[%iota3A, %broadcast_in_dim3A_1375, %broadcast_in_dim3A_1377, %and3A_1106] : memref<16x2x8x128xf32, #tpu.memory_space<vmem>>[vector<16xi32>, vector<16xi32>, vector<16xi32>, vector<16xi32>], vector<16xf32>,
      %mul3A_1386 = arith.constant 16 : i32
      %mul3A_1387 = arith.muli %mul3A_391, %mul3A_1386 : i32
      %swap3A_1388 = arith.constant 15 : i32
      %swap3A_1389 = arith.index_cast %swap3A_1388 : i32 to index
      %swap3A_1390 = arith.index_cast %mul3A_1387 : i32 to index
      %swap3A_1391 = tpu.vector_load %arg7[%swap3A_1389, %swap3A_1390] {strides = array<i32>} : memref<16x512xf32, #tpu.memory_space<vmem>>, vector<16xf32>,
      tpu.vector_store %arg7[%swap3A_1389, %swap3A_1390], %gather3A_1385 {strides = array<i32>} : memref<16x512xf32, #tpu.memory_space<vmem>>, vector<16xf32>,
      %add3A_1392 = arith.constant 2 : i32
      %add3A_1393 = arith.addi %mul3A_391, %add3A_1392 : i32
      %lt3A = arith.constant 32 : i32
      %lt3A_1394 = arith.cmpi slt, %add3A_1393, %lt3A : i32
      %convert_element_type3A = arith.extui %lt3A_1394 : i1 to i32
      %cond3A = arith.constant 0 : i32
      %cond3A_1395 = arith.cmpi ne, %convert_element_type3A, %cond3A : i32
      scf.if %cond3A_1395 {
        %add3A_2014 = arith.constant 2 : i32
        %add3A_2015 = arith.addi %mul3A_391, %add3A_2014 : i32
        %mul3A_2016 = arith.constant 16 : i32
        %mul3A_2017 = arith.muli %add3A_2015, %mul3A_2016 : i32
        %get3A_2018 = arith.index_cast %mul3A_2017 : i32 to index
        %get3A_2019 = tpu.vector_load %arg5[%get3A_2018] {strides = array<i32>} : memref<512xi32, #tpu.memory_space<vmem>>, vector<16xi32>,
        %slice3A_2020 = vector.extract_strided_slice %get3A_2019 {offsets = [0], sizes = [1], strides = [1]} : vector<16xi32> to vector<1xi32>
        %squeeze3A_2021 = vector.extract %slice3A_2020[0] : i32 from vector<1xi32>
        %shift_right_arithmetic3A_2022 = arith.constant 7 : i32
        %shift_right_arithmetic3A_2023 = arith.shrsi %squeeze3A_2021, %shift_right_arithmetic3A_2022 : i32
        %mul3A_2024 = arith.constant 128 : i32
        %mul3A_2025 = arith.muli %shift_right_arithmetic3A_2023, %mul3A_2024 : i32
        %dma_start3A_2026 = arith.constant 0 : i32
        %dma_start3A_2027 = arith.constant 0 : i32
        %dma_start3A_2028 = arith.constant 0 : i32
        %dma_start3A_2029 = arith.constant 0 : i32
        %dma_start3A_2030 = arith.constant 0 : i32
        %dma_start3A_2031 = tpu.memref_slice %arg6[%dma_start3A_2026, %dma_start3A_2027, %dma_start3A_2028, %dma_start3A_2029, %dma_start3A_2030] : memref<2x16x2x8x128xf32, #tpu.memory_space<vmem>> -> memref<1x1x2x8x128xf32, #tpu.memory_space<vmem>>
        %dma_start3A_2032 = tpu.memref_squeeze %dma_start3A_2031 : memref<1x1x2x8x128xf32, #tpu.memory_space<vmem>> -> memref<2x8x128xf32, #tpu.memory_space<vmem>>
        %dma_start3A_2033 = arith.constant 0 : i32
        %dma_start3A_2034 = arith.constant 0 : i32
        %dma_start3A_2035 = tpu.memref_slice %arg3[%dma_start3A_2033, %dma_start3A_2034, %mul3A_2025] : memref<2x8x1000000xf32, #tpu.memory_space<hbm>> -> memref<2x8x128xf32, #tpu.memory_space<hbm>>
        %dma_start3A_2036 = arith.constant 0 : i32
        %dma_start3A_2037 = arith.constant 0 : i32
        %dma_start3A_2038 = arith.constant 0 : i32
        %dma_start3A_2039 = tpu.memref_slice %arg6[%dma_start3A_2026, %dma_start3A_2027, %dma_start3A_2036, %dma_start3A_2037, %dma_start3A_2038] : memref<2x16x2x8x128xf32, #tpu.memory_space<vmem>> -> memref<1x1x2x8x128xf32, #tpu.memory_space<vmem>>
        %dma_start3A_2040 = tpu.memref_squeeze %dma_start3A_2039 : memref<1x1x2x8x128xf32, #tpu.memory_space<vmem>> -> memref<2x8x128xf32, #tpu.memory_space<vmem>>
        %dma_start3A_2041 = arith.constant 0 : i32
        %dma_start3A_2042 = arith.constant 0 : i32
        %dma_start3A_2043 = tpu.memref_slice %arg3[%dma_start3A_2041, %dma_start3A_2042, %mul3A_2025] : memref<2x8x1000000xf32, #tpu.memory_space<hbm>> -> memref<2x8x128xf32, #tpu.memory_space<hbm>>
        tpu.enqueue_dma source(%dma_start3A_2043 : memref<2x8x128xf32, #tpu.memory_space<hbm>>) target(%dma_start3A_2040 : memref<2x8x128xf32, #tpu.memory_space<vmem>>) target_semaphore(%arg8 : memref<!tpu.dma_semaphore, #tpu.memory_space<semaphore_mem>>)
        %slice3A_2044 = vector.extract_strided_slice %get3A_2019 {offsets = [1], sizes = [1], strides = [1]} : vector<16xi32> to vector<1xi32>
        %squeeze3A_2045 = vector.extract %slice3A_2044[0] : i32 from vector<1xi32>
        %shift_right_arithmetic3A_2046 = arith.constant 7 : i32
        %shift_right_arithmetic3A_2047 = arith.shrsi %squeeze3A_2045, %shift_right_arithmetic3A_2046 : i32
        %mul3A_2048 = arith.constant 128 : i32
        %mul3A_2049 = arith.muli %shift_right_arithmetic3A_2047, %mul3A_2048 : i32
        %dma_start3A_2050 = arith.constant 0 : i32
        %dma_start3A_2051 = arith.constant 1 : i32
        %dma_start3A_2052 = arith.constant 0 : i32
        %dma_start3A_2053 = arith.constant 0 : i32
        %dma_start3A_2054 = arith.constant 0 : i32
        %dma_start3A_2055 = tpu.memref_slice %arg6[%dma_start3A_2050, %dma_start3A_2051, %dma_start3A_2052, %dma_start3A_2053, %dma_start3A_2054] : memref<2x16x2x8x128xf32, #tpu.memory_space<vmem>> -> memref<1x1x2x8x128xf32, #tpu.memory_space<vmem>>
        %dma_start3A_2056 = tpu.memref_squeeze %dma_start3A_2055 : memref<1x1x2x8x128xf32, #tpu.memory_space<vmem>> -> memref<2x8x128xf32, #tpu.memory_space<vmem>>
        %dma_start3A_2057 = arith.constant 0 : i32
        %dma_start3A_2058 = arith.constant 0 : i32
        %dma_start3A_2059 = tpu.memref_slice %arg3[%dma_start3A_2057, %dma_start3A_2058, %mul3A_2049] : memref<2x8x1000000xf32, #tpu.memory_space<hbm>> -> memref<2x8x128xf32, #tpu.memory_space<hbm>>
        %dma_start3A_2060 = arith.constant 0 : i32
        %dma_start3A_2061 = arith.constant 0 : i32
        %dma_start3A_2062 = arith.constant 0 : i32
        %dma_start3A_2063 = tpu.memref_slice %arg6[%dma_start3A_2050, %dma_start3A_2051, %dma_start3A_2060, %dma_start3A_2061, %dma_start3A_2062] : memref<2x16x2x8x128xf32, #tpu.memory_space<vmem>> -> memref<1x1x2x8x128xf32, #tpu.memory_space<vmem>>
        %dma_start3A_2064 = tpu.memref_squeeze %dma_start3A_2063 : memref<1x1x2x8x128xf32, #tpu.memory_space<vmem>> -> memref<2x8x128xf32, #tpu.memory_space<vmem>>
        %dma_start3A_2065 = arith.constant 0 : i32
        %dma_start3A_2066 = arith.constant 0 : i32
        %dma_start3A_2067 = tpu.memref_slice %arg3[%dma_start3A_2065, %dma_start3A_2066, %mul3A_2049] : memref<2x8x1000000xf32, #tpu.memory_space<hbm>> -> memref<2x8x128xf32, #tpu.memory_space<hbm>>
        tpu.enqueue_dma source(%dma_start3A_2067 : memref<2x8x128xf32, #tpu.memory_space<hbm>>) target(%dma_start3A_2064 : memref<2x8x128xf32, #tpu.memory_space<vmem>>) target_semaphore(%arg8 : memref<!tpu.dma_semaphore, #tpu.memory_space<semaphore_mem>>)
        %slice3A_2068 = vector.extract_strided_slice %get3A_2019 {offsets = [2], sizes = [1], strides = [1]} : vector<16xi32> to vector<1xi32>
        %squeeze3A_2069 = vector.extract %slice3A_2068[0] : i32 from vector<1xi32>
        %shift_right_arithmetic3A_2070 = arith.constant 7 : i32
        %shift_right_arithmetic3A_2071 = arith.shrsi %squeeze3A_2069, %shift_right_arithmetic3A_2070 : i32
        %mul3A_2072 = arith.constant 128 : i32
        %mul3A_2073 = arith.muli %shift_right_arithmetic3A_2071, %mul3A_2072 : i32
        %dma_start3A_2074 = arith.constant 0 : i32
        %dma_start3A_2075 = arith.constant 2 : i32
        %dma_start3A_2076 = arith.constant 0 : i32
        %dma_start3A_2077 = arith.constant 0 : i32
        %dma_start3A_2078 = arith.constant 0 : i32
        %dma_start3A_2079 = tpu.memref_slice %arg6[%dma_start3A_2074, %dma_start3A_2075, %dma_start3A_2076, %dma_start3A_2077, %dma_start3A_2078] : memref<2x16x2x8x128xf32, #tpu.memory_space<vmem>> -> memref<1x1x2x8x128xf32, #tpu.memory_space<vmem>>
        %dma_start3A_2080 = tpu.memref_squeeze %dma_start3A_2079 : memref<1x1x2x8x128xf32, #tpu.memory_space<vmem>> -> memref<2x8x128xf32, #tpu.memory_space<vmem>>
        %dma_start3A_2081 = arith.constant 0 : i32
        %dma_start3A_2082 = arith.constant 0 : i32
        %dma_start3A_2083 = tpu.memref_slice %arg3[%dma_start3A_2081, %dma_start3A_2082, %mul3A_2073] : memref<2x8x1000000xf32, #tpu.memory_space<hbm>> -> memref<2x8x128xf32, #tpu.memory_space<hbm>>
        %dma_start3A_2084 = arith.constant 0 : i32
        %dma_start3A_2085 = arith.constant 0 : i32
        %dma_start3A_2086 = arith.constant 0 : i32
        %dma_start3A_2087 = tpu.memref_slice %arg6[%dma_start3A_2074, %dma_start3A_2075, %dma_start3A_2084, %dma_start3A_2085, %dma_start3A_2086] : memref<2x16x2x8x128xf32, #tpu.memory_space<vmem>> -> memref<1x1x2x8x128xf32, #tpu.memory_space<vmem>>
        %dma_start3A_2088 = tpu.memref_squeeze %dma_start3A_2087 : memref<1x1x2x8x128xf32, #tpu.memory_space<vmem>> -> memref<2x8x128xf32, #tpu.memory_space<vmem>>
        %dma_start3A_2089 = arith.constant 0 : i32
        %dma_start3A_2090 = arith.constant 0 : i32
        %dma_start3A_2091 = tpu.memref_slice %arg3[%dma_start3A_2089, %dma_start3A_2090, %mul3A_2073] : memref<2x8x1000000xf32, #tpu.memory_space<hbm>> -> memref<2x8x128xf32, #tpu.memory_space<hbm>>
        tpu.enqueue_dma source(%dma_start3A_2091 : memref<2x8x128xf32, #tpu.memory_space<hbm>>) target(%dma_start3A_2088 : memref<2x8x128xf32, #tpu.memory_space<vmem>>) target_semaphore(%arg8 : memref<!tpu.dma_semaphore, #tpu.memory_space<semaphore_mem>>)
        %slice3A_2092 = vector.extract_strided_slice %get3A_2019 {offsets = [3], sizes = [1], strides = [1]} : vector<16xi32> to vector<1xi32>
        %squeeze3A_2093 = vector.extract %slice3A_2092[0] : i32 from vector<1xi32>
        %shift_right_arithmetic3A_2094 = arith.constant 7 : i32
        %shift_right_arithmetic3A_2095 = arith.shrsi %squeeze3A_2093, %shift_right_arithmetic3A_2094 : i32
        %mul3A_2096 = arith.constant 128 : i32
        %mul3A_2097 = arith.muli %shift_right_arithmetic3A_2095, %mul3A_2096 : i32
        %dma_start3A_2098 = arith.constant 0 : i32
        %dma_start3A_2099 = arith.constant 3 : i32
        %dma_start3A_2100 = arith.constant 0 : i32
        %dma_start3A_2101 = arith.constant 0 : i32
        %dma_start3A_2102 = arith.constant 0 : i32
        %dma_start3A_2103 = tpu.memref_slice %arg6[%dma_start3A_2098, %dma_start3A_2099, %dma_start3A_2100, %dma_start3A_2101, %dma_start3A_2102] : memref<2x16x2x8x128xf32, #tpu.memory_space<vmem>> -> memref<1x1x2x8x128xf32, #tpu.memory_space<vmem>>
        %dma_start3A_2104 = tpu.memref_squeeze %dma_start3A_2103 : memref<1x1x2x8x128xf32, #tpu.memory_space<vmem>> -> memref<2x8x128xf32, #tpu.memory_space<vmem>>
        %dma_start3A_2105 = arith.constant 0 : i32
        %dma_start3A_2106 = arith.constant 0 : i32
        %dma_start3A_2107 = tpu.memref_slice %arg3[%dma_start3A_2105, %dma_start3A_2106, %mul3A_2097] : memref<2x8x1000000xf32, #tpu.memory_space<hbm>> -> memref<2x8x128xf32, #tpu.memory_space<hbm>>
        %dma_start3A_2108 = arith.constant 0 : i32
        %dma_start3A_2109 = arith.constant 0 : i32
        %dma_start3A_2110 = arith.constant 0 : i32
        %dma_start3A_2111 = tpu.memref_slice %arg6[%dma_start3A_2098, %dma_start3A_2099, %dma_start3A_2108, %dma_start3A_2109, %dma_start3A_2110] : memref<2x16x2x8x128xf32, #tpu.memory_space<vmem>> -> memref<1x1x2x8x128xf32, #tpu.memory_space<vmem>>
        %dma_start3A_2112 = tpu.memref_squeeze %dma_start3A_2111 : memref<1x1x2x8x128xf32, #tpu.memory_space<vmem>> -> memref<2x8x128xf32, #tpu.memory_space<vmem>>
        %dma_start3A_2113 = arith.constant 0 : i32
        %dma_start3A_2114 = arith.constant 0 : i32
        %dma_start3A_2115 = tpu.memref_slice %arg3[%dma_start3A_2113, %dma_start3A_2114, %mul3A_2097] : memref<2x8x1000000xf32, #tpu.memory_space<hbm>> -> memref<2x8x128xf32, #tpu.memory_space<hbm>>
        tpu.enqueue_dma source(%dma_start3A_2115 : memref<2x8x128xf32, #tpu.memory_space<hbm>>) target(%dma_start3A_2112 : memref<2x8x128xf32, #tpu.memory_space<vmem>>) target_semaphore(%arg8 : memref<!tpu.dma_semaphore, #tpu.memory_space<semaphore_mem>>)
        %slice3A_2116 = vector.extract_strided_slice %get3A_2019 {offsets = [4], sizes = [1], strides = [1]} : vector<16xi32> to vector<1xi32>
        %squeeze3A_2117 = vector.extract %slice3A_2116[0] : i32 from vector<1xi32>
        %shift_right_arithmetic3A_2118 = arith.constant 7 : i32
        %shift_right_arithmetic3A_2119 = arith.shrsi %squeeze3A_2117, %shift_right_arithmetic3A_2118 : i32
        %mul3A_2120 = arith.constant 128 : i32
        %mul3A_2121 = arith.muli %shift_right_arithmetic3A_2119, %mul3A_2120 : i32
        %dma_start3A_2122 = arith.constant 0 : i32
        %dma_start3A_2123 = arith.constant 4 : i32
        %dma_start3A_2124 = arith.constant 0 : i32
        %dma_start3A_2125 = arith.constant 0 : i32
        %dma_start3A_2126 = arith.constant 0 : i32
        %dma_start3A_2127 = tpu.memref_slice %arg6[%dma_start3A_2122, %dma_start3A_2123, %dma_start3A_2124, %dma_start3A_2125, %dma_start3A_2126] : memref<2x16x2x8x128xf32, #tpu.memory_space<vmem>> -> memref<1x1x2x8x128xf32, #tpu.memory_space<vmem>>
        %dma_start3A_2128 = tpu.memref_squeeze %dma_start3A_2127 : memref<1x1x2x8x128xf32, #tpu.memory_space<vmem>> -> memref<2x8x128xf32, #tpu.memory_space<vmem>>
        %dma_start3A_2129 = arith.constant 0 : i32
        %dma_start3A_2130 = arith.constant 0 : i32
        %dma_start3A_2131 = tpu.memref_slice %arg3[%dma_start3A_2129, %dma_start3A_2130, %mul3A_2121] : memref<2x8x1000000xf32, #tpu.memory_space<hbm>> -> memref<2x8x128xf32, #tpu.memory_space<hbm>>
        %dma_start3A_2132 = arith.constant 0 : i32
        %dma_start3A_2133 = arith.constant 0 : i32
        %dma_start3A_2134 = arith.constant 0 : i32
        %dma_start3A_2135 = tpu.memref_slice %arg6[%dma_start3A_2122, %dma_start3A_2123, %dma_start3A_2132, %dma_start3A_2133, %dma_start3A_2134] : memref<2x16x2x8x128xf32, #tpu.memory_space<vmem>> -> memref<1x1x2x8x128xf32, #tpu.memory_space<vmem>>
        %dma_start3A_2136 = tpu.memref_squeeze %dma_start3A_2135 : memref<1x1x2x8x128xf32, #tpu.memory_space<vmem>> -> memref<2x8x128xf32, #tpu.memory_space<vmem>>
        %dma_start3A_2137 = arith.constant 0 : i32
        %dma_start3A_2138 = arith.constant 0 : i32
        %dma_start3A_2139 = tpu.memref_slice %arg3[%dma_start3A_2137, %dma_start3A_2138, %mul3A_2121] : memref<2x8x1000000xf32, #tpu.memory_space<hbm>> -> memref<2x8x128xf32, #tpu.memory_space<hbm>>
        tpu.enqueue_dma source(%dma_start3A_2139 : memref<2x8x128xf32, #tpu.memory_space<hbm>>) target(%dma_start3A_2136 : memref<2x8x128xf32, #tpu.memory_space<vmem>>) target_semaphore(%arg8 : memref<!tpu.dma_semaphore, #tpu.memory_space<semaphore_mem>>)
        %slice3A_2140 = vector.extract_strided_slice %get3A_2019 {offsets = [5], sizes = [1], strides = [1]} : vector<16xi32> to vector<1xi32>
        %squeeze3A_2141 = vector.extract %slice3A_2140[0] : i32 from vector<1xi32>
        %shift_right_arithmetic3A_2142 = arith.constant 7 : i32
        %shift_right_arithmetic3A_2143 = arith.shrsi %squeeze3A_2141, %shift_right_arithmetic3A_2142 : i32
        %mul3A_2144 = arith.constant 128 : i32
        %mul3A_2145 = arith.muli %shift_right_arithmetic3A_2143, %mul3A_2144 : i32
        %dma_start3A_2146 = arith.constant 0 : i32
        %dma_start3A_2147 = arith.constant 5 : i32
        %dma_start3A_2148 = arith.constant 0 : i32
        %dma_start3A_2149 = arith.constant 0 : i32
        %dma_start3A_2150 = arith.constant 0 : i32
        %dma_start3A_2151 = tpu.memref_slice %arg6[%dma_start3A_2146, %dma_start3A_2147, %dma_start3A_2148, %dma_start3A_2149, %dma_start3A_2150] : memref<2x16x2x8x128xf32, #tpu.memory_space<vmem>> -> memref<1x1x2x8x128xf32, #tpu.memory_space<vmem>>
        %dma_start3A_2152 = tpu.memref_squeeze %dma_start3A_2151 : memref<1x1x2x8x128xf32, #tpu.memory_space<vmem>> -> memref<2x8x128xf32, #tpu.memory_space<vmem>>
        %dma_start3A_2153 = arith.constant 0 : i32
        %dma_start3A_2154 = arith.constant 0 : i32
        %dma_start3A_2155 = tpu.memref_slice %arg3[%dma_start3A_2153, %dma_start3A_2154, %mul3A_2145] : memref<2x8x1000000xf32, #tpu.memory_space<hbm>> -> memref<2x8x128xf32, #tpu.memory_space<hbm>>
        %dma_start3A_2156 = arith.constant 0 : i32
        %dma_start3A_2157 = arith.constant 0 : i32
        %dma_start3A_2158 = arith.constant 0 : i32
        %dma_start3A_2159 = tpu.memref_slice %arg6[%dma_start3A_2146, %dma_start3A_2147, %dma_start3A_2156, %dma_start3A_2157, %dma_start3A_2158] : memref<2x16x2x8x128xf32, #tpu.memory_space<vmem>> -> memref<1x1x2x8x128xf32, #tpu.memory_space<vmem>>
        %dma_start3A_2160 = tpu.memref_squeeze %dma_start3A_2159 : memref<1x1x2x8x128xf32, #tpu.memory_space<vmem>> -> memref<2x8x128xf32, #tpu.memory_space<vmem>>
        %dma_start3A_2161 = arith.constant 0 : i32
        %dma_start3A_2162 = arith.constant 0 : i32
        %dma_start3A_2163 = tpu.memref_slice %arg3[%dma_start3A_2161, %dma_start3A_2162, %mul3A_2145] : memref<2x8x1000000xf32, #tpu.memory_space<hbm>> -> memref<2x8x128xf32, #tpu.memory_space<hbm>>
        tpu.enqueue_dma source(%dma_start3A_2163 : memref<2x8x128xf32, #tpu.memory_space<hbm>>) target(%dma_start3A_2160 : memref<2x8x128xf32, #tpu.memory_space<vmem>>) target_semaphore(%arg8 : memref<!tpu.dma_semaphore, #tpu.memory_space<semaphore_mem>>)
        %slice3A_2164 = vector.extract_strided_slice %get3A_2019 {offsets = [6], sizes = [1], strides = [1]} : vector<16xi32> to vector<1xi32>
        %squeeze3A_2165 = vector.extract %slice3A_2164[0] : i32 from vector<1xi32>
        %shift_right_arithmetic3A_2166 = arith.constant 7 : i32
        %shift_right_arithmetic3A_2167 = arith.shrsi %squeeze3A_2165, %shift_right_arithmetic3A_2166 : i32
        %mul3A_2168 = arith.constant 128 : i32
        %mul3A_2169 = arith.muli %shift_right_arithmetic3A_2167, %mul3A_2168 : i32
        %dma_start3A_2170 = arith.constant 0 : i32
        %dma_start3A_2171 = arith.constant 6 : i32
        %dma_start3A_2172 = arith.constant 0 : i32
        %dma_start3A_2173 = arith.constant 0 : i32
        %dma_start3A_2174 = arith.constant 0 : i32
        %dma_start3A_2175 = tpu.memref_slice %arg6[%dma_start3A_2170, %dma_start3A_2171, %dma_start3A_2172, %dma_start3A_2173, %dma_start3A_2174] : memref<2x16x2x8x128xf32, #tpu.memory_space<vmem>> -> memref<1x1x2x8x128xf32, #tpu.memory_space<vmem>>
        %dma_start3A_2176 = tpu.memref_squeeze %dma_start3A_2175 : memref<1x1x2x8x128xf32, #tpu.memory_space<vmem>> -> memref<2x8x128xf32, #tpu.memory_space<vmem>>
        %dma_start3A_2177 = arith.constant 0 : i32
        %dma_start3A_2178 = arith.constant 0 : i32
        %dma_start3A_2179 = tpu.memref_slice %arg3[%dma_start3A_2177, %dma_start3A_2178, %mul3A_2169] : memref<2x8x1000000xf32, #tpu.memory_space<hbm>> -> memref<2x8x128xf32, #tpu.memory_space<hbm>>
        %dma_start3A_2180 = arith.constant 0 : i32
        %dma_start3A_2181 = arith.constant 0 : i32
        %dma_start3A_2182 = arith.constant 0 : i32
        %dma_start3A_2183 = tpu.memref_slice %arg6[%dma_start3A_2170, %dma_start3A_2171, %dma_start3A_2180, %dma_start3A_2181, %dma_start3A_2182] : memref<2x16x2x8x128xf32, #tpu.memory_space<vmem>> -> memref<1x1x2x8x128xf32, #tpu.memory_space<vmem>>
        %dma_start3A_2184 = tpu.memref_squeeze %dma_start3A_2183 : memref<1x1x2x8x128xf32, #tpu.memory_space<vmem>> -> memref<2x8x128xf32, #tpu.memory_space<vmem>>
        %dma_start3A_2185 = arith.constant 0 : i32
        %dma_start3A_2186 = arith.constant 0 : i32
        %dma_start3A_2187 = tpu.memref_slice %arg3[%dma_start3A_2185, %dma_start3A_2186, %mul3A_2169] : memref<2x8x1000000xf32, #tpu.memory_space<hbm>> -> memref<2x8x128xf32, #tpu.memory_space<hbm>>
        tpu.enqueue_dma source(%dma_start3A_2187 : memref<2x8x128xf32, #tpu.memory_space<hbm>>) target(%dma_start3A_2184 : memref<2x8x128xf32, #tpu.memory_space<vmem>>) target_semaphore(%arg8 : memref<!tpu.dma_semaphore, #tpu.memory_space<semaphore_mem>>)
        %slice3A_2188 = vector.extract_strided_slice %get3A_2019 {offsets = [7], sizes = [1], strides = [1]} : vector<16xi32> to vector<1xi32>
        %squeeze3A_2189 = vector.extract %slice3A_2188[0] : i32 from vector<1xi32>
        %shift_right_arithmetic3A_2190 = arith.constant 7 : i32
        %shift_right_arithmetic3A_2191 = arith.shrsi %squeeze3A_2189, %shift_right_arithmetic3A_2190 : i32
        %mul3A_2192 = arith.constant 128 : i32
        %mul3A_2193 = arith.muli %shift_right_arithmetic3A_2191, %mul3A_2192 : i32
        %dma_start3A_2194 = arith.constant 0 : i32
        %dma_start3A_2195 = arith.constant 7 : i32
        %dma_start3A_2196 = arith.constant 0 : i32
        %dma_start3A_2197 = arith.constant 0 : i32
        %dma_start3A_2198 = arith.constant 0 : i32
        %dma_start3A_2199 = tpu.memref_slice %arg6[%dma_start3A_2194, %dma_start3A_2195, %dma_start3A_2196, %dma_start3A_2197, %dma_start3A_2198] : memref<2x16x2x8x128xf32, #tpu.memory_space<vmem>> -> memref<1x1x2x8x128xf32, #tpu.memory_space<vmem>>
        %dma_start3A_2200 = tpu.memref_squeeze %dma_start3A_2199 : memref<1x1x2x8x128xf32, #tpu.memory_space<vmem>> -> memref<2x8x128xf32, #tpu.memory_space<vmem>>
        %dma_start3A_2201 = arith.constant 0 : i32
        %dma_start3A_2202 = arith.constant 0 : i32
        %dma_start3A_2203 = tpu.memref_slice %arg3[%dma_start3A_2201, %dma_start3A_2202, %mul3A_2193] : memref<2x8x1000000xf32, #tpu.memory_space<hbm>> -> memref<2x8x128xf32, #tpu.memory_space<hbm>>
        %dma_start3A_2204 = arith.constant 0 : i32
        %dma_start3A_2205 = arith.constant 0 : i32
        %dma_start3A_2206 = arith.constant 0 : i32
        %dma_start3A_2207 = tpu.memref_slice %arg6[%dma_start3A_2194, %dma_start3A_2195, %dma_start3A_2204, %dma_start3A_2205, %dma_start3A_2206] : memref<2x16x2x8x128xf32, #tpu.memory_space<vmem>> -> memref<1x1x2x8x128xf32, #tpu.memory_space<vmem>>
        %dma_start3A_2208 = tpu.memref_squeeze %dma_start3A_2207 : memref<1x1x2x8x128xf32, #tpu.memory_space<vmem>> -> memref<2x8x128xf32, #tpu.memory_space<vmem>>
        %dma_start3A_2209 = arith.constant 0 : i32
        %dma_start3A_2210 = arith.constant 0 : i32
        %dma_start3A_2211 = tpu.memref_slice %arg3[%dma_start3A_2209, %dma_start3A_2210, %mul3A_2193] : memref<2x8x1000000xf32, #tpu.memory_space<hbm>> -> memref<2x8x128xf32, #tpu.memory_space<hbm>>
        tpu.enqueue_dma source(%dma_start3A_2211 : memref<2x8x128xf32, #tpu.memory_space<hbm>>) target(%dma_start3A_2208 : memref<2x8x128xf32, #tpu.memory_space<vmem>>) target_semaphore(%arg8 : memref<!tpu.dma_semaphore, #tpu.memory_space<semaphore_mem>>)
        %slice3A_2212 = vector.extract_strided_slice %get3A_2019 {offsets = [8], sizes = [1], strides = [1]} : vector<16xi32> to vector<1xi32>
        %squeeze3A_2213 = vector.extract %slice3A_2212[0] : i32 from vector<1xi32>
        %shift_right_arithmetic3A_2214 = arith.constant 7 : i32
        %shift_right_arithmetic3A_2215 = arith.shrsi %squeeze3A_2213, %shift_right_arithmetic3A_2214 : i32
        %mul3A_2216 = arith.constant 128 : i32
        %mul3A_2217 = arith.muli %shift_right_arithmetic3A_2215, %mul3A_2216 : i32
        %dma_start3A_2218 = arith.constant 0 : i32
        %dma_start3A_2219 = arith.constant 8 : i32
        %dma_start3A_2220 = arith.constant 0 : i32
        %dma_start3A_2221 = arith.constant 0 : i32
        %dma_start3A_2222 = arith.constant 0 : i32
        %dma_start3A_2223 = tpu.memref_slice %arg6[%dma_start3A_2218, %dma_start3A_2219, %dma_start3A_2220, %dma_start3A_2221, %dma_start3A_2222] : memref<2x16x2x8x128xf32, #tpu.memory_space<vmem>> -> memref<1x1x2x8x128xf32, #tpu.memory_space<vmem>>
        %dma_start3A_2224 = tpu.memref_squeeze %dma_start3A_2223 : memref<1x1x2x8x128xf32, #tpu.memory_space<vmem>> -> memref<2x8x128xf32, #tpu.memory_space<vmem>>
        %dma_start3A_2225 = arith.constant 0 : i32
        %dma_start3A_2226 = arith.constant 0 : i32
        %dma_start3A_2227 = tpu.memref_slice %arg3[%dma_start3A_2225, %dma_start3A_2226, %mul3A_2217] : memref<2x8x1000000xf32, #tpu.memory_space<hbm>> -> memref<2x8x128xf32, #tpu.memory_space<hbm>>
        %dma_start3A_2228 = arith.constant 0 : i32
        %dma_start3A_2229 = arith.constant 0 : i32
        %dma_start3A_2230 = arith.constant 0 : i32
        %dma_start3A_2231 = tpu.memref_slice %arg6[%dma_start3A_2218, %dma_start3A_2219, %dma_start3A_2228, %dma_start3A_2229, %dma_start3A_2230] : memref<2x16x2x8x128xf32, #tpu.memory_space<vmem>> -> memref<1x1x2x8x128xf32, #tpu.memory_space<vmem>>
        %dma_start3A_2232 = tpu.memref_squeeze %dma_start3A_2231 : memref<1x1x2x8x128xf32, #tpu.memory_space<vmem>> -> memref<2x8x128xf32, #tpu.memory_space<vmem>>
        %dma_start3A_2233 = arith.constant 0 : i32
        %dma_start3A_2234 = arith.constant 0 : i32
        %dma_start3A_2235 = tpu.memref_slice %arg3[%dma_start3A_2233, %dma_start3A_2234, %mul3A_2217] : memref<2x8x1000000xf32, #tpu.memory_space<hbm>> -> memref<2x8x128xf32, #tpu.memory_space<hbm>>
        tpu.enqueue_dma source(%dma_start3A_2235 : memref<2x8x128xf32, #tpu.memory_space<hbm>>) target(%dma_start3A_2232 : memref<2x8x128xf32, #tpu.memory_space<vmem>>) target_semaphore(%arg8 : memref<!tpu.dma_semaphore, #tpu.memory_space<semaphore_mem>>)
        %slice3A_2236 = vector.extract_strided_slice %get3A_2019 {offsets = [9], sizes = [1], strides = [1]} : vector<16xi32> to vector<1xi32>
        %squeeze3A_2237 = vector.extract %slice3A_2236[0] : i32 from vector<1xi32>
        %shift_right_arithmetic3A_2238 = arith.constant 7 : i32
        %shift_right_arithmetic3A_2239 = arith.shrsi %squeeze3A_2237, %shift_right_arithmetic3A_2238 : i32
        %mul3A_2240 = arith.constant 128 : i32
        %mul3A_2241 = arith.muli %shift_right_arithmetic3A_2239, %mul3A_2240 : i32
        %dma_start3A_2242 = arith.constant 0 : i32
        %dma_start3A_2243 = arith.constant 9 : i32
        %dma_start3A_2244 = arith.constant 0 : i32
        %dma_start3A_2245 = arith.constant 0 : i32
        %dma_start3A_2246 = arith.constant 0 : i32
        %dma_start3A_2247 = tpu.memref_slice %arg6[%dma_start3A_2242, %dma_start3A_2243, %dma_start3A_2244, %dma_start3A_2245, %dma_start3A_2246] : memref<2x16x2x8x128xf32, #tpu.memory_space<vmem>> -> memref<1x1x2x8x128xf32, #tpu.memory_space<vmem>>
        %dma_start3A_2248 = tpu.memref_squeeze %dma_start3A_2247 : memref<1x1x2x8x128xf32, #tpu.memory_space<vmem>> -> memref<2x8x128xf32, #tpu.memory_space<vmem>>
        %dma_start3A_2249 = arith.constant 0 : i32
        %dma_start3A_2250 = arith.constant 0 : i32
        %dma_start3A_2251 = tpu.memref_slice %arg3[%dma_start3A_2249, %dma_start3A_2250, %mul3A_2241] : memref<2x8x1000000xf32, #tpu.memory_space<hbm>> -> memref<2x8x128xf32, #tpu.memory_space<hbm>>
        %dma_start3A_2252 = arith.constant 0 : i32
        %dma_start3A_2253 = arith.constant 0 : i32
        %dma_start3A_2254 = arith.constant 0 : i32
        %dma_start3A_2255 = tpu.memref_slice %arg6[%dma_start3A_2242, %dma_start3A_2243, %dma_start3A_2252, %dma_start3A_2253, %dma_start3A_2254] : memref<2x16x2x8x128xf32, #tpu.memory_space<vmem>> -> memref<1x1x2x8x128xf32, #tpu.memory_space<vmem>>
        %dma_start3A_2256 = tpu.memref_squeeze %dma_start3A_2255 : memref<1x1x2x8x128xf32, #tpu.memory_space<vmem>> -> memref<2x8x128xf32, #tpu.memory_space<vmem>>
        %dma_start3A_2257 = arith.constant 0 : i32
        %dma_start3A_2258 = arith.constant 0 : i32
        %dma_start3A_2259 = tpu.memref_slice %arg3[%dma_start3A_2257, %dma_start3A_2258, %mul3A_2241] : memref<2x8x1000000xf32, #tpu.memory_space<hbm>> -> memref<2x8x128xf32, #tpu.memory_space<hbm>>
        tpu.enqueue_dma source(%dma_start3A_2259 : memref<2x8x128xf32, #tpu.memory_space<hbm>>) target(%dma_start3A_2256 : memref<2x8x128xf32, #tpu.memory_space<vmem>>) target_semaphore(%arg8 : memref<!tpu.dma_semaphore, #tpu.memory_space<semaphore_mem>>)
        %slice3A_2260 = vector.extract_strided_slice %get3A_2019 {offsets = [10], sizes = [1], strides = [1]} : vector<16xi32> to vector<1xi32>
        %squeeze3A_2261 = vector.extract %slice3A_2260[0] : i32 from vector<1xi32>
        %shift_right_arithmetic3A_2262 = arith.constant 7 : i32
        %shift_right_arithmetic3A_2263 = arith.shrsi %squeeze3A_2261, %shift_right_arithmetic3A_2262 : i32
        %mul3A_2264 = arith.constant 128 : i32
        %mul3A_2265 = arith.muli %shift_right_arithmetic3A_2263, %mul3A_2264 : i32
        %dma_start3A_2266 = arith.constant 0 : i32
        %dma_start3A_2267 = arith.constant 10 : i32
        %dma_start3A_2268 = arith.constant 0 : i32
        %dma_start3A_2269 = arith.constant 0 : i32
        %dma_start3A_2270 = arith.constant 0 : i32
        %dma_start3A_2271 = tpu.memref_slice %arg6[%dma_start3A_2266, %dma_start3A_2267, %dma_start3A_2268, %dma_start3A_2269, %dma_start3A_2270] : memref<2x16x2x8x128xf32, #tpu.memory_space<vmem>> -> memref<1x1x2x8x128xf32, #tpu.memory_space<vmem>>
        %dma_start3A_2272 = tpu.memref_squeeze %dma_start3A_2271 : memref<1x1x2x8x128xf32, #tpu.memory_space<vmem>> -> memref<2x8x128xf32, #tpu.memory_space<vmem>>
        %dma_start3A_2273 = arith.constant 0 : i32
        %dma_start3A_2274 = arith.constant 0 : i32
        %dma_start3A_2275 = tpu.memref_slice %arg3[%dma_start3A_2273, %dma_start3A_2274, %mul3A_2265] : memref<2x8x1000000xf32, #tpu.memory_space<hbm>> -> memref<2x8x128xf32, #tpu.memory_space<hbm>>
        %dma_start3A_2276 = arith.constant 0 : i32
        %dma_start3A_2277 = arith.constant 0 : i32
        %dma_start3A_2278 = arith.constant 0 : i32
        %dma_start3A_2279 = tpu.memref_slice %arg6[%dma_start3A_2266, %dma_start3A_2267, %dma_start3A_2276, %dma_start3A_2277, %dma_start3A_2278] : memref<2x16x2x8x128xf32, #tpu.memory_space<vmem>> -> memref<1x1x2x8x128xf32, #tpu.memory_space<vmem>>
        %dma_start3A_2280 = tpu.memref_squeeze %dma_start3A_2279 : memref<1x1x2x8x128xf32, #tpu.memory_space<vmem>> -> memref<2x8x128xf32, #tpu.memory_space<vmem>>
        %dma_start3A_2281 = arith.constant 0 : i32
        %dma_start3A_2282 = arith.constant 0 : i32
        %dma_start3A_2283 = tpu.memref_slice %arg3[%dma_start3A_2281, %dma_start3A_2282, %mul3A_2265] : memref<2x8x1000000xf32, #tpu.memory_space<hbm>> -> memref<2x8x128xf32, #tpu.memory_space<hbm>>
        tpu.enqueue_dma source(%dma_start3A_2283 : memref<2x8x128xf32, #tpu.memory_space<hbm>>) target(%dma_start3A_2280 : memref<2x8x128xf32, #tpu.memory_space<vmem>>) target_semaphore(%arg8 : memref<!tpu.dma_semaphore, #tpu.memory_space<semaphore_mem>>)
        %slice3A_2284 = vector.extract_strided_slice %get3A_2019 {offsets = [11], sizes = [1], strides = [1]} : vector<16xi32> to vector<1xi32>
        %squeeze3A_2285 = vector.extract %slice3A_2284[0] : i32 from vector<1xi32>
        %shift_right_arithmetic3A_2286 = arith.constant 7 : i32
        %shift_right_arithmetic3A_2287 = arith.shrsi %squeeze3A_2285, %shift_right_arithmetic3A_2286 : i32
        %mul3A_2288 = arith.constant 128 : i32
        %mul3A_2289 = arith.muli %shift_right_arithmetic3A_2287, %mul3A_2288 : i32
        %dma_start3A_2290 = arith.constant 0 : i32
        %dma_start3A_2291 = arith.constant 11 : i32
        %dma_start3A_2292 = arith.constant 0 : i32
        %dma_start3A_2293 = arith.constant 0 : i32
        %dma_start3A_2294 = arith.constant 0 : i32
        %dma_start3A_2295 = tpu.memref_slice %arg6[%dma_start3A_2290, %dma_start3A_2291, %dma_start3A_2292, %dma_start3A_2293, %dma_start3A_2294] : memref<2x16x2x8x128xf32, #tpu.memory_space<vmem>> -> memref<1x1x2x8x128xf32, #tpu.memory_space<vmem>>
        %dma_start3A_2296 = tpu.memref_squeeze %dma_start3A_2295 : memref<1x1x2x8x128xf32, #tpu.memory_space<vmem>> -> memref<2x8x128xf32, #tpu.memory_space<vmem>>
        %dma_start3A_2297 = arith.constant 0 : i32
        %dma_start3A_2298 = arith.constant 0 : i32
        %dma_start3A_2299 = tpu.memref_slice %arg3[%dma_start3A_2297, %dma_start3A_2298, %mul3A_2289] : memref<2x8x1000000xf32, #tpu.memory_space<hbm>> -> memref<2x8x128xf32, #tpu.memory_space<hbm>>
        %dma_start3A_2300 = arith.constant 0 : i32
        %dma_start3A_2301 = arith.constant 0 : i32
        %dma_start3A_2302 = arith.constant 0 : i32
        %dma_start3A_2303 = tpu.memref_slice %arg6[%dma_start3A_2290, %dma_start3A_2291, %dma_start3A_2300, %dma_start3A_2301, %dma_start3A_2302] : memref<2x16x2x8x128xf32, #tpu.memory_space<vmem>> -> memref<1x1x2x8x128xf32, #tpu.memory_space<vmem>>
        %dma_start3A_2304 = tpu.memref_squeeze %dma_start3A_2303 : memref<1x1x2x8x128xf32, #tpu.memory_space<vmem>> -> memref<2x8x128xf32, #tpu.memory_space<vmem>>
        %dma_start3A_2305 = arith.constant 0 : i32
        %dma_start3A_2306 = arith.constant 0 : i32
        %dma_start3A_2307 = tpu.memref_slice %arg3[%dma_start3A_2305, %dma_start3A_2306, %mul3A_2289] : memref<2x8x1000000xf32, #tpu.memory_space<hbm>> -> memref<2x8x128xf32, #tpu.memory_space<hbm>>
        tpu.enqueue_dma source(%dma_start3A_2307 : memref<2x8x128xf32, #tpu.memory_space<hbm>>) target(%dma_start3A_2304 : memref<2x8x128xf32, #tpu.memory_space<vmem>>) target_semaphore(%arg8 : memref<!tpu.dma_semaphore, #tpu.memory_space<semaphore_mem>>)
        %slice3A_2308 = vector.extract_strided_slice %get3A_2019 {offsets = [12], sizes = [1], strides = [1]} : vector<16xi32> to vector<1xi32>
        %squeeze3A_2309 = vector.extract %slice3A_2308[0] : i32 from vector<1xi32>
        %shift_right_arithmetic3A_2310 = arith.constant 7 : i32
        %shift_right_arithmetic3A_2311 = arith.shrsi %squeeze3A_2309, %shift_right_arithmetic3A_2310 : i32
        %mul3A_2312 = arith.constant 128 : i32
        %mul3A_2313 = arith.muli %shift_right_arithmetic3A_2311, %mul3A_2312 : i32
        %dma_start3A_2314 = arith.constant 0 : i32
        %dma_start3A_2315 = arith.constant 12 : i32
        %dma_start3A_2316 = arith.constant 0 : i32
        %dma_start3A_2317 = arith.constant 0 : i32
        %dma_start3A_2318 = arith.constant 0 : i32
        %dma_start3A_2319 = tpu.memref_slice %arg6[%dma_start3A_2314, %dma_start3A_2315, %dma_start3A_2316, %dma_start3A_2317, %dma_start3A_2318] : memref<2x16x2x8x128xf32, #tpu.memory_space<vmem>> -> memref<1x1x2x8x128xf32, #tpu.memory_space<vmem>>
        %dma_start3A_2320 = tpu.memref_squeeze %dma_start3A_2319 : memref<1x1x2x8x128xf32, #tpu.memory_space<vmem>> -> memref<2x8x128xf32, #tpu.memory_space<vmem>>
        %dma_start3A_2321 = arith.constant 0 : i32
        %dma_start3A_2322 = arith.constant 0 : i32
        %dma_start3A_2323 = tpu.memref_slice %arg3[%dma_start3A_2321, %dma_start3A_2322, %mul3A_2313] : memref<2x8x1000000xf32, #tpu.memory_space<hbm>> -> memref<2x8x128xf32, #tpu.memory_space<hbm>>
        %dma_start3A_2324 = arith.constant 0 : i32
        %dma_start3A_2325 = arith.constant 0 : i32
        %dma_start3A_2326 = arith.constant 0 : i32
        %dma_start3A_2327 = tpu.memref_slice %arg6[%dma_start3A_2314, %dma_start3A_2315, %dma_start3A_2324, %dma_start3A_2325, %dma_start3A_2326] : memref<2x16x2x8x128xf32, #tpu.memory_space<vmem>> -> memref<1x1x2x8x128xf32, #tpu.memory_space<vmem>>
        %dma_start3A_2328 = tpu.memref_squeeze %dma_start3A_2327 : memref<1x1x2x8x128xf32, #tpu.memory_space<vmem>> -> memref<2x8x128xf32, #tpu.memory_space<vmem>>
        %dma_start3A_2329 = arith.constant 0 : i32
        %dma_start3A_2330 = arith.constant 0 : i32
        %dma_start3A_2331 = tpu.memref_slice %arg3[%dma_start3A_2329, %dma_start3A_2330, %mul3A_2313] : memref<2x8x1000000xf32, #tpu.memory_space<hbm>> -> memref<2x8x128xf32, #tpu.memory_space<hbm>>
        tpu.enqueue_dma source(%dma_start3A_2331 : memref<2x8x128xf32, #tpu.memory_space<hbm>>) target(%dma_start3A_2328 : memref<2x8x128xf32, #tpu.memory_space<vmem>>) target_semaphore(%arg8 : memref<!tpu.dma_semaphore, #tpu.memory_space<semaphore_mem>>)
        %slice3A_2332 = vector.extract_strided_slice %get3A_2019 {offsets = [13], sizes = [1], strides = [1]} : vector<16xi32> to vector<1xi32>
        %squeeze3A_2333 = vector.extract %slice3A_2332[0] : i32 from vector<1xi32>
        %shift_right_arithmetic3A_2334 = arith.constant 7 : i32
        %shift_right_arithmetic3A_2335 = arith.shrsi %squeeze3A_2333, %shift_right_arithmetic3A_2334 : i32
        %mul3A_2336 = arith.constant 128 : i32
        %mul3A_2337 = arith.muli %shift_right_arithmetic3A_2335, %mul3A_2336 : i32
        %dma_start3A_2338 = arith.constant 0 : i32
        %dma_start3A_2339 = arith.constant 13 : i32
        %dma_start3A_2340 = arith.constant 0 : i32
        %dma_start3A_2341 = arith.constant 0 : i32
        %dma_start3A_2342 = arith.constant 0 : i32
        %dma_start3A_2343 = tpu.memref_slice %arg6[%dma_start3A_2338, %dma_start3A_2339, %dma_start3A_2340, %dma_start3A_2341, %dma_start3A_2342] : memref<2x16x2x8x128xf32, #tpu.memory_space<vmem>> -> memref<1x1x2x8x128xf32, #tpu.memory_space<vmem>>
        %dma_start3A_2344 = tpu.memref_squeeze %dma_start3A_2343 : memref<1x1x2x8x128xf32, #tpu.memory_space<vmem>> -> memref<2x8x128xf32, #tpu.memory_space<vmem>>
        %dma_start3A_2345 = arith.constant 0 : i32
        %dma_start3A_2346 = arith.constant 0 : i32
        %dma_start3A_2347 = tpu.memref_slice %arg3[%dma_start3A_2345, %dma_start3A_2346, %mul3A_2337] : memref<2x8x1000000xf32, #tpu.memory_space<hbm>> -> memref<2x8x128xf32, #tpu.memory_space<hbm>>
        %dma_start3A_2348 = arith.constant 0 : i32
        %dma_start3A_2349 = arith.constant 0 : i32
        %dma_start3A_2350 = arith.constant 0 : i32
        %dma_start3A_2351 = tpu.memref_slice %arg6[%dma_start3A_2338, %dma_start3A_2339, %dma_start3A_2348, %dma_start3A_2349, %dma_start3A_2350] : memref<2x16x2x8x128xf32, #tpu.memory_space<vmem>> -> memref<1x1x2x8x128xf32, #tpu.memory_space<vmem>>
        %dma_start3A_2352 = tpu.memref_squeeze %dma_start3A_2351 : memref<1x1x2x8x128xf32, #tpu.memory_space<vmem>> -> memref<2x8x128xf32, #tpu.memory_space<vmem>>
        %dma_start3A_2353 = arith.constant 0 : i32
        %dma_start3A_2354 = arith.constant 0 : i32
        %dma_start3A_2355 = tpu.memref_slice %arg3[%dma_start3A_2353, %dma_start3A_2354, %mul3A_2337] : memref<2x8x1000000xf32, #tpu.memory_space<hbm>> -> memref<2x8x128xf32, #tpu.memory_space<hbm>>
        tpu.enqueue_dma source(%dma_start3A_2355 : memref<2x8x128xf32, #tpu.memory_space<hbm>>) target(%dma_start3A_2352 : memref<2x8x128xf32, #tpu.memory_space<vmem>>) target_semaphore(%arg8 : memref<!tpu.dma_semaphore, #tpu.memory_space<semaphore_mem>>)
        %slice3A_2356 = vector.extract_strided_slice %get3A_2019 {offsets = [14], sizes = [1], strides = [1]} : vector<16xi32> to vector<1xi32>
        %squeeze3A_2357 = vector.extract %slice3A_2356[0] : i32 from vector<1xi32>
        %shift_right_arithmetic3A_2358 = arith.constant 7 : i32
        %shift_right_arithmetic3A_2359 = arith.shrsi %squeeze3A_2357, %shift_right_arithmetic3A_2358 : i32
        %mul3A_2360 = arith.constant 128 : i32
        %mul3A_2361 = arith.muli %shift_right_arithmetic3A_2359, %mul3A_2360 : i32
        %dma_start3A_2362 = arith.constant 0 : i32
        %dma_start3A_2363 = arith.constant 14 : i32
        %dma_start3A_2364 = arith.constant 0 : i32
        %dma_start3A_2365 = arith.constant 0 : i32
        %dma_start3A_2366 = arith.constant 0 : i32
        %dma_start3A_2367 = tpu.memref_slice %arg6[%dma_start3A_2362, %dma_start3A_2363, %dma_start3A_2364, %dma_start3A_2365, %dma_start3A_2366] : memref<2x16x2x8x128xf32, #tpu.memory_space<vmem>> -> memref<1x1x2x8x128xf32, #tpu.memory_space<vmem>>
        %dma_start3A_2368 = tpu.memref_squeeze %dma_start3A_2367 : memref<1x1x2x8x128xf32, #tpu.memory_space<vmem>> -> memref<2x8x128xf32, #tpu.memory_space<vmem>>
        %dma_start3A_2369 = arith.constant 0 : i32
        %dma_start3A_2370 = arith.constant 0 : i32
        %dma_start3A_2371 = tpu.memref_slice %arg3[%dma_start3A_2369, %dma_start3A_2370, %mul3A_2361] : memref<2x8x1000000xf32, #tpu.memory_space<hbm>> -> memref<2x8x128xf32, #tpu.memory_space<hbm>>
        %dma_start3A_2372 = arith.constant 0 : i32
        %dma_start3A_2373 = arith.constant 0 : i32
        %dma_start3A_2374 = arith.constant 0 : i32
        %dma_start3A_2375 = tpu.memref_slice %arg6[%dma_start3A_2362, %dma_start3A_2363, %dma_start3A_2372, %dma_start3A_2373, %dma_start3A_2374] : memref<2x16x2x8x128xf32, #tpu.memory_space<vmem>> -> memref<1x1x2x8x128xf32, #tpu.memory_space<vmem>>
        %dma_start3A_2376 = tpu.memref_squeeze %dma_start3A_2375 : memref<1x1x2x8x128xf32, #tpu.memory_space<vmem>> -> memref<2x8x128xf32, #tpu.memory_space<vmem>>
        %dma_start3A_2377 = arith.constant 0 : i32
        %dma_start3A_2378 = arith.constant 0 : i32
        %dma_start3A_2379 = tpu.memref_slice %arg3[%dma_start3A_2377, %dma_start3A_2378, %mul3A_2361] : memref<2x8x1000000xf32, #tpu.memory_space<hbm>> -> memref<2x8x128xf32, #tpu.memory_space<hbm>>
        tpu.enqueue_dma source(%dma_start3A_2379 : memref<2x8x128xf32, #tpu.memory_space<hbm>>) target(%dma_start3A_2376 : memref<2x8x128xf32, #tpu.memory_space<vmem>>) target_semaphore(%arg8 : memref<!tpu.dma_semaphore, #tpu.memory_space<semaphore_mem>>)
        %slice3A_2380 = vector.extract_strided_slice %get3A_2019 {offsets = [15], sizes = [1], strides = [1]} : vector<16xi32> to vector<1xi32>
        %squeeze3A_2381 = vector.extract %slice3A_2380[0] : i32 from vector<1xi32>
        %shift_right_arithmetic3A_2382 = arith.constant 7 : i32
        %shift_right_arithmetic3A_2383 = arith.shrsi %squeeze3A_2381, %shift_right_arithmetic3A_2382 : i32
        %mul3A_2384 = arith.constant 128 : i32
        %mul3A_2385 = arith.muli %shift_right_arithmetic3A_2383, %mul3A_2384 : i32
        %dma_start3A_2386 = arith.constant 0 : i32
        %dma_start3A_2387 = arith.constant 15 : i32
        %dma_start3A_2388 = arith.constant 0 : i32
        %dma_start3A_2389 = arith.constant 0 : i32
        %dma_start3A_2390 = arith.constant 0 : i32
        %dma_start3A_2391 = tpu.memref_slice %arg6[%dma_start3A_2386, %dma_start3A_2387, %dma_start3A_2388, %dma_start3A_2389, %dma_start3A_2390] : memref<2x16x2x8x128xf32, #tpu.memory_space<vmem>> -> memref<1x1x2x8x128xf32, #tpu.memory_space<vmem>>
        %dma_start3A_2392 = tpu.memref_squeeze %dma_start3A_2391 : memref<1x1x2x8x128xf32, #tpu.memory_space<vmem>> -> memref<2x8x128xf32, #tpu.memory_space<vmem>>
        %dma_start3A_2393 = arith.constant 0 : i32
        %dma_start3A_2394 = arith.constant 0 : i32
        %dma_start3A_2395 = tpu.memref_slice %arg3[%dma_start3A_2393, %dma_start3A_2394, %mul3A_2385] : memref<2x8x1000000xf32, #tpu.memory_space<hbm>> -> memref<2x8x128xf32, #tpu.memory_space<hbm>>
        %dma_start3A_2396 = arith.constant 0 : i32
        %dma_start3A_2397 = arith.constant 0 : i32
        %dma_start3A_2398 = arith.constant 0 : i32
        %dma_start3A_2399 = tpu.memref_slice %arg6[%dma_start3A_2386, %dma_start3A_2387, %dma_start3A_2396, %dma_start3A_2397, %dma_start3A_2398] : memref<2x16x2x8x128xf32, #tpu.memory_space<vmem>> -> memref<1x1x2x8x128xf32, #tpu.memory_space<vmem>>
        %dma_start3A_2400 = tpu.memref_squeeze %dma_start3A_2399 : memref<1x1x2x8x128xf32, #tpu.memory_space<vmem>> -> memref<2x8x128xf32, #tpu.memory_space<vmem>>
        %dma_start3A_2401 = arith.constant 0 : i32
        %dma_start3A_2402 = arith.constant 0 : i32
        %dma_start3A_2403 = tpu.memref_slice %arg3[%dma_start3A_2401, %dma_start3A_2402, %mul3A_2385] : memref<2x8x1000000xf32, #tpu.memory_space<hbm>> -> memref<2x8x128xf32, #tpu.memory_space<hbm>>
        tpu.enqueue_dma source(%dma_start3A_2403 : memref<2x8x128xf32, #tpu.memory_space<hbm>>) target(%dma_start3A_2400 : memref<2x8x128xf32, #tpu.memory_space<vmem>>) target_semaphore(%arg8 : memref<!tpu.dma_semaphore, #tpu.memory_space<semaphore_mem>>)
      } else {
      }
      %dma_wait3A_1396 = arith.constant 1 : i32
      %dma_wait3A_1397 = arith.constant 0 : i32
      %dma_wait3A_1398 = arith.constant 0 : i32
      %dma_wait3A_1399 = arith.constant 0 : i32
      %dma_wait3A_1400 = arith.constant 0 : i32
      %dma_wait3A_1401 = tpu.memref_slice %arg6[%dma_wait3A_1396, %dma_wait3A_1397, %dma_wait3A_1398, %dma_wait3A_1399, %dma_wait3A_1400] : memref<2x16x2x8x128xf32, #tpu.memory_space<vmem>> -> memref<1x1x2x8x128xf32, #tpu.memory_space<vmem>>
      %dma_wait3A_1402 = tpu.memref_squeeze %dma_wait3A_1401 : memref<1x1x2x8x128xf32, #tpu.memory_space<vmem>> -> memref<2x8x128xf32, #tpu.memory_space<vmem>>
      %dma_wait3A_1403 = arith.constant 0 : i32
      %dma_wait3A_1404 = arith.constant 0 : i32
      %dma_wait3A_1405 = arith.constant 0 : i32
      %dma_wait3A_1406 = tpu.memref_slice %arg3[%dma_wait3A_1403, %dma_wait3A_1404, %dma_wait3A_1405] : memref<2x8x1000000xf32, #tpu.memory_space<hbm>> -> memref<2x8x128xf32, #tpu.memory_space<hbm>>
      %dma_wait3A_1407 = arith.constant 0 : i32
      %dma_wait3A_1408 = arith.constant 0 : i32
      %dma_wait3A_1409 = arith.constant 0 : i32
      %dma_wait3A_1410 = tpu.memref_slice %arg6[%dma_wait3A_1396, %dma_wait3A_1397, %dma_wait3A_1407, %dma_wait3A_1408, %dma_wait3A_1409] : memref<2x16x2x8x128xf32, #tpu.memory_space<vmem>> -> memref<1x1x2x8x128xf32, #tpu.memory_space<vmem>>
      %dma_wait3A_1411 = tpu.memref_squeeze %dma_wait3A_1410 : memref<1x1x2x8x128xf32, #tpu.memory_space<vmem>> -> memref<2x8x128xf32, #tpu.memory_space<vmem>>
      %dma_wait3A_1412 = arith.constant 0 : i32
      %dma_wait3A_1413 = arith.constant 0 : i32
      %dma_wait3A_1414 = arith.constant 0 : i32
      %dma_wait3A_1415 = tpu.memref_slice %arg3[%dma_wait3A_1412, %dma_wait3A_1413, %dma_wait3A_1414] : memref<2x8x1000000xf32, #tpu.memory_space<hbm>> -> memref<2x8x128xf32, #tpu.memory_space<hbm>>
      tpu.wait_dma2 semaphore(%arg9 : memref<!tpu.dma_semaphore, #tpu.memory_space<semaphore_mem>>) src(%dma_wait3A_1415 : memref<2x8x128xf32, #tpu.memory_space<hbm>>) dst(%dma_wait3A_1411 : memref<2x8x128xf32, #tpu.memory_space<vmem>>)
      %dma_wait3A_1416 = arith.constant 1 : i32
      %dma_wait3A_1417 = arith.constant 1 : i32
      %dma_wait3A_1418 = arith.constant 0 : i32
      %dma_wait3A_1419 = arith.constant 0 : i32
      %dma_wait3A_1420 = arith.constant 0 : i32
      %dma_wait3A_1421 = tpu.memref_slice %arg6[%dma_wait3A_1416, %dma_wait3A_1417, %dma_wait3A_1418, %dma_wait3A_1419, %dma_wait3A_1420] : memref<2x16x2x8x128xf32, #tpu.memory_space<vmem>> -> memref<1x1x2x8x128xf32, #tpu.memory_space<vmem>>
      %dma_wait3A_1422 = tpu.memref_squeeze %dma_wait3A_1421 : memref<1x1x2x8x128xf32, #tpu.memory_space<vmem>> -> memref<2x8x128xf32, #tpu.memory_space<vmem>>
      %dma_wait3A_1423 = arith.constant 0 : i32
      %dma_wait3A_1424 = arith.constant 0 : i32
      %dma_wait3A_1425 = arith.constant 0 : i32
      %dma_wait3A_1426 = tpu.memref_slice %arg3[%dma_wait3A_1423, %dma_wait3A_1424, %dma_wait3A_1425] : memref<2x8x1000000xf32, #tpu.memory_space<hbm>> -> memref<2x8x128xf32, #tpu.memory_space<hbm>>
      %dma_wait3A_1427 = arith.constant 0 : i32
      %dma_wait3A_1428 = arith.constant 0 : i32
      %dma_wait3A_1429 = arith.constant 0 : i32
      %dma_wait3A_1430 = tpu.memref_slice %arg6[%dma_wait3A_1416, %dma_wait3A_1417, %dma_wait3A_1427, %dma_wait3A_1428, %dma_wait3A_1429] : memref<2x16x2x8x128xf32, #tpu.memory_space<vmem>> -> memref<1x1x2x8x128xf32, #tpu.memory_space<vmem>>
      %dma_wait3A_1431 = tpu.memref_squeeze %dma_wait3A_1430 : memref<1x1x2x8x128xf32, #tpu.memory_space<vmem>> -> memref<2x8x128xf32, #tpu.memory_space<vmem>>
      %dma_wait3A_1432 = arith.constant 0 : i32
      %dma_wait3A_1433 = arith.constant 0 : i32
      %dma_wait3A_1434 = arith.constant 0 : i32
      %dma_wait3A_1435 = tpu.memref_slice %arg3[%dma_wait3A_1432, %dma_wait3A_1433, %dma_wait3A_1434] : memref<2x8x1000000xf32, #tpu.memory_space<hbm>> -> memref<2x8x128xf32, #tpu.memory_space<hbm>>
      tpu.wait_dma2 semaphore(%arg9 : memref<!tpu.dma_semaphore, #tpu.memory_space<semaphore_mem>>) src(%dma_wait3A_1435 : memref<2x8x128xf32, #tpu.memory_space<hbm>>) dst(%dma_wait3A_1431 : memref<2x8x128xf32, #tpu.memory_space<vmem>>)
      %dma_wait3A_1436 = arith.constant 1 : i32
      %dma_wait3A_1437 = arith.constant 2 : i32
      %dma_wait3A_1438 = arith.constant 0 : i32
      %dma_wait3A_1439 = arith.constant 0 : i32
      %dma_wait3A_1440 = arith.constant 0 : i32
      %dma_wait3A_1441 = tpu.memref_slice %arg6[%dma_wait3A_1436, %dma_wait3A_1437, %dma_wait3A_1438, %dma_wait3A_1439, %dma_wait3A_1440] : memref<2x16x2x8x128xf32, #tpu.memory_space<vmem>> -> memref<1x1x2x8x128xf32, #tpu.memory_space<vmem>>
      %dma_wait3A_1442 = tpu.memref_squeeze %dma_wait3A_1441 : memref<1x1x2x8x128xf32, #tpu.memory_space<vmem>> -> memref<2x8x128xf32, #tpu.memory_space<vmem>>
      %dma_wait3A_1443 = arith.constant 0 : i32
      %dma_wait3A_1444 = arith.constant 0 : i32
      %dma_wait3A_1445 = arith.constant 0 : i32
      %dma_wait3A_1446 = tpu.memref_slice %arg3[%dma_wait3A_1443, %dma_wait3A_1444, %dma_wait3A_1445] : memref<2x8x1000000xf32, #tpu.memory_space<hbm>> -> memref<2x8x128xf32, #tpu.memory_space<hbm>>
      %dma_wait3A_1447 = arith.constant 0 : i32
      %dma_wait3A_1448 = arith.constant 0 : i32
      %dma_wait3A_1449 = arith.constant 0 : i32
      %dma_wait3A_1450 = tpu.memref_slice %arg6[%dma_wait3A_1436, %dma_wait3A_1437, %dma_wait3A_1447, %dma_wait3A_1448, %dma_wait3A_1449] : memref<2x16x2x8x128xf32, #tpu.memory_space<vmem>> -> memref<1x1x2x8x128xf32, #tpu.memory_space<vmem>>
      %dma_wait3A_1451 = tpu.memref_squeeze %dma_wait3A_1450 : memref<1x1x2x8x128xf32, #tpu.memory_space<vmem>> -> memref<2x8x128xf32, #tpu.memory_space<vmem>>
      %dma_wait3A_1452 = arith.constant 0 : i32
      %dma_wait3A_1453 = arith.constant 0 : i32
      %dma_wait3A_1454 = arith.constant 0 : i32
      %dma_wait3A_1455 = tpu.memref_slice %arg3[%dma_wait3A_1452, %dma_wait3A_1453, %dma_wait3A_1454] : memref<2x8x1000000xf32, #tpu.memory_space<hbm>> -> memref<2x8x128xf32, #tpu.memory_space<hbm>>
      tpu.wait_dma2 semaphore(%arg9 : memref<!tpu.dma_semaphore, #tpu.memory_space<semaphore_mem>>) src(%dma_wait3A_1455 : memref<2x8x128xf32, #tpu.memory_space<hbm>>) dst(%dma_wait3A_1451 : memref<2x8x128xf32, #tpu.memory_space<vmem>>)
      %dma_wait3A_1456 = arith.constant 1 : i32
      %dma_wait3A_1457 = arith.constant 3 : i32
      %dma_wait3A_1458 = arith.constant 0 : i32
      %dma_wait3A_1459 = arith.constant 0 : i32
      %dma_wait3A_1460 = arith.constant 0 : i32
      %dma_wait3A_1461 = tpu.memref_slice %arg6[%dma_wait3A_1456, %dma_wait3A_1457, %dma_wait3A_1458, %dma_wait3A_1459, %dma_wait3A_1460] : memref<2x16x2x8x128xf32, #tpu.memory_space<vmem>> -> memref<1x1x2x8x128xf32, #tpu.memory_space<vmem>>
      %dma_wait3A_1462 = tpu.memref_squeeze %dma_wait3A_1461 : memref<1x1x2x8x128xf32, #tpu.memory_space<vmem>> -> memref<2x8x128xf32, #tpu.memory_space<vmem>>
      %dma_wait3A_1463 = arith.constant 0 : i32
      %dma_wait3A_1464 = arith.constant 0 : i32
      %dma_wait3A_1465 = arith.constant 0 : i32
      %dma_wait3A_1466 = tpu.memref_slice %arg3[%dma_wait3A_1463, %dma_wait3A_1464, %dma_wait3A_1465] : memref<2x8x1000000xf32, #tpu.memory_space<hbm>> -> memref<2x8x128xf32, #tpu.memory_space<hbm>>
      %dma_wait3A_1467 = arith.constant 0 : i32
      %dma_wait3A_1468 = arith.constant 0 : i32
      %dma_wait3A_1469 = arith.constant 0 : i32
      %dma_wait3A_1470 = tpu.memref_slice %arg6[%dma_wait3A_1456, %dma_wait3A_1457, %dma_wait3A_1467, %dma_wait3A_1468, %dma_wait3A_1469] : memref<2x16x2x8x128xf32, #tpu.memory_space<vmem>> -> memref<1x1x2x8x128xf32, #tpu.memory_space<vmem>>
      %dma_wait3A_1471 = tpu.memref_squeeze %dma_wait3A_1470 : memref<1x1x2x8x128xf32, #tpu.memory_space<vmem>> -> memref<2x8x128xf32, #tpu.memory_space<vmem>>
      %dma_wait3A_1472 = arith.constant 0 : i32
      %dma_wait3A_1473 = arith.constant 0 : i32
      %dma_wait3A_1474 = arith.constant 0 : i32
      %dma_wait3A_1475 = tpu.memref_slice %arg3[%dma_wait3A_1472, %dma_wait3A_1473, %dma_wait3A_1474] : memref<2x8x1000000xf32, #tpu.memory_space<hbm>> -> memref<2x8x128xf32, #tpu.memory_space<hbm>>
      tpu.wait_dma2 semaphore(%arg9 : memref<!tpu.dma_semaphore, #tpu.memory_space<semaphore_mem>>) src(%dma_wait3A_1475 : memref<2x8x128xf32, #tpu.memory_space<hbm>>) dst(%dma_wait3A_1471 : memref<2x8x128xf32, #tpu.memory_space<vmem>>)
      %dma_wait3A_1476 = arith.constant 1 : i32
      %dma_wait3A_1477 = arith.constant 4 : i32
      %dma_wait3A_1478 = arith.constant 0 : i32
      %dma_wait3A_1479 = arith.constant 0 : i32
      %dma_wait3A_1480 = arith.constant 0 : i32
      %dma_wait3A_1481 = tpu.memref_slice %arg6[%dma_wait3A_1476, %dma_wait3A_1477, %dma_wait3A_1478, %dma_wait3A_1479, %dma_wait3A_1480] : memref<2x16x2x8x128xf32, #tpu.memory_space<vmem>> -> memref<1x1x2x8x128xf32, #tpu.memory_space<vmem>>
      %dma_wait3A_1482 = tpu.memref_squeeze %dma_wait3A_1481 : memref<1x1x2x8x128xf32, #tpu.memory_space<vmem>> -> memref<2x8x128xf32, #tpu.memory_space<vmem>>
      %dma_wait3A_1483 = arith.constant 0 : i32
      %dma_wait3A_1484 = arith.constant 0 : i32
      %dma_wait3A_1485 = arith.constant 0 : i32
      %dma_wait3A_1486 = tpu.memref_slice %arg3[%dma_wait3A_1483, %dma_wait3A_1484, %dma_wait3A_1485] : memref<2x8x1000000xf32, #tpu.memory_space<hbm>> -> memref<2x8x128xf32, #tpu.memory_space<hbm>>
      %dma_wait3A_1487 = arith.constant 0 : i32
      %dma_wait3A_1488 = arith.constant 0 : i32
      %dma_wait3A_1489 = arith.constant 0 : i32
      %dma_wait3A_1490 = tpu.memref_slice %arg6[%dma_wait3A_1476, %dma_wait3A_1477, %dma_wait3A_1487, %dma_wait3A_1488, %dma_wait3A_1489] : memref<2x16x2x8x128xf32, #tpu.memory_space<vmem>> -> memref<1x1x2x8x128xf32, #tpu.memory_space<vmem>>
      %dma_wait3A_1491 = tpu.memref_squeeze %dma_wait3A_1490 : memref<1x1x2x8x128xf32, #tpu.memory_space<vmem>> -> memref<2x8x128xf32, #tpu.memory_space<vmem>>
      %dma_wait3A_1492 = arith.constant 0 : i32
      %dma_wait3A_1493 = arith.constant 0 : i32
      %dma_wait3A_1494 = arith.constant 0 : i32
      %dma_wait3A_1495 = tpu.memref_slice %arg3[%dma_wait3A_1492, %dma_wait3A_1493, %dma_wait3A_1494] : memref<2x8x1000000xf32, #tpu.memory_space<hbm>> -> memref<2x8x128xf32, #tpu.memory_space<hbm>>
      tpu.wait_dma2 semaphore(%arg9 : memref<!tpu.dma_semaphore, #tpu.memory_space<semaphore_mem>>) src(%dma_wait3A_1495 : memref<2x8x128xf32, #tpu.memory_space<hbm>>) dst(%dma_wait3A_1491 : memref<2x8x128xf32, #tpu.memory_space<vmem>>)
      %dma_wait3A_1496 = arith.constant 1 : i32
      %dma_wait3A_1497 = arith.constant 5 : i32
      %dma_wait3A_1498 = arith.constant 0 : i32
      %dma_wait3A_1499 = arith.constant 0 : i32
      %dma_wait3A_1500 = arith.constant 0 : i32
      %dma_wait3A_1501 = tpu.memref_slice %arg6[%dma_wait3A_1496, %dma_wait3A_1497, %dma_wait3A_1498, %dma_wait3A_1499, %dma_wait3A_1500] : memref<2x16x2x8x128xf32, #tpu.memory_space<vmem>> -> memref<1x1x2x8x128xf32, #tpu.memory_space<vmem>>
      %dma_wait3A_1502 = tpu.memref_squeeze %dma_wait3A_1501 : memref<1x1x2x8x128xf32, #tpu.memory_space<vmem>> -> memref<2x8x128xf32, #tpu.memory_space<vmem>>
      %dma_wait3A_1503 = arith.constant 0 : i32
      %dma_wait3A_1504 = arith.constant 0 : i32
      %dma_wait3A_1505 = arith.constant 0 : i32
      %dma_wait3A_1506 = tpu.memref_slice %arg3[%dma_wait3A_1503, %dma_wait3A_1504, %dma_wait3A_1505] : memref<2x8x1000000xf32, #tpu.memory_space<hbm>> -> memref<2x8x128xf32, #tpu.memory_space<hbm>>
      %dma_wait3A_1507 = arith.constant 0 : i32
      %dma_wait3A_1508 = arith.constant 0 : i32
      %dma_wait3A_1509 = arith.constant 0 : i32
      %dma_wait3A_1510 = tpu.memref_slice %arg6[%dma_wait3A_1496, %dma_wait3A_1497, %dma_wait3A_1507, %dma_wait3A_1508, %dma_wait3A_1509] : memref<2x16x2x8x128xf32, #tpu.memory_space<vmem>> -> memref<1x1x2x8x128xf32, #tpu.memory_space<vmem>>
      %dma_wait3A_1511 = tpu.memref_squeeze %dma_wait3A_1510 : memref<1x1x2x8x128xf32, #tpu.memory_space<vmem>> -> memref<2x8x128xf32, #tpu.memory_space<vmem>>
      %dma_wait3A_1512 = arith.constant 0 : i32
      %dma_wait3A_1513 = arith.constant 0 : i32
      %dma_wait3A_1514 = arith.constant 0 : i32
      %dma_wait3A_1515 = tpu.memref_slice %arg3[%dma_wait3A_1512, %dma_wait3A_1513, %dma_wait3A_1514] : memref<2x8x1000000xf32, #tpu.memory_space<hbm>> -> memref<2x8x128xf32, #tpu.memory_space<hbm>>
      tpu.wait_dma2 semaphore(%arg9 : memref<!tpu.dma_semaphore, #tpu.memory_space<semaphore_mem>>) src(%dma_wait3A_1515 : memref<2x8x128xf32, #tpu.memory_space<hbm>>) dst(%dma_wait3A_1511 : memref<2x8x128xf32, #tpu.memory_space<vmem>>)
      %dma_wait3A_1516 = arith.constant 1 : i32
      %dma_wait3A_1517 = arith.constant 6 : i32
      %dma_wait3A_1518 = arith.constant 0 : i32
      %dma_wait3A_1519 = arith.constant 0 : i32
      %dma_wait3A_1520 = arith.constant 0 : i32
      %dma_wait3A_1521 = tpu.memref_slice %arg6[%dma_wait3A_1516, %dma_wait3A_1517, %dma_wait3A_1518, %dma_wait3A_1519, %dma_wait3A_1520] : memref<2x16x2x8x128xf32, #tpu.memory_space<vmem>> -> memref<1x1x2x8x128xf32, #tpu.memory_space<vmem>>
      %dma_wait3A_1522 = tpu.memref_squeeze %dma_wait3A_1521 : memref<1x1x2x8x128xf32, #tpu.memory_space<vmem>> -> memref<2x8x128xf32, #tpu.memory_space<vmem>>
      %dma_wait3A_1523 = arith.constant 0 : i32
      %dma_wait3A_1524 = arith.constant 0 : i32
      %dma_wait3A_1525 = arith.constant 0 : i32
      %dma_wait3A_1526 = tpu.memref_slice %arg3[%dma_wait3A_1523, %dma_wait3A_1524, %dma_wait3A_1525] : memref<2x8x1000000xf32, #tpu.memory_space<hbm>> -> memref<2x8x128xf32, #tpu.memory_space<hbm>>
      %dma_wait3A_1527 = arith.constant 0 : i32
      %dma_wait3A_1528 = arith.constant 0 : i32
      %dma_wait3A_1529 = arith.constant 0 : i32
      %dma_wait3A_1530 = tpu.memref_slice %arg6[%dma_wait3A_1516, %dma_wait3A_1517, %dma_wait3A_1527, %dma_wait3A_1528, %dma_wait3A_1529] : memref<2x16x2x8x128xf32, #tpu.memory_space<vmem>> -> memref<1x1x2x8x128xf32, #tpu.memory_space<vmem>>
      %dma_wait3A_1531 = tpu.memref_squeeze %dma_wait3A_1530 : memref<1x1x2x8x128xf32, #tpu.memory_space<vmem>> -> memref<2x8x128xf32, #tpu.memory_space<vmem>>
      %dma_wait3A_1532 = arith.constant 0 : i32
      %dma_wait3A_1533 = arith.constant 0 : i32
      %dma_wait3A_1534 = arith.constant 0 : i32
      %dma_wait3A_1535 = tpu.memref_slice %arg3[%dma_wait3A_1532, %dma_wait3A_1533, %dma_wait3A_1534] : memref<2x8x1000000xf32, #tpu.memory_space<hbm>> -> memref<2x8x128xf32, #tpu.memory_space<hbm>>
      tpu.wait_dma2 semaphore(%arg9 : memref<!tpu.dma_semaphore, #tpu.memory_space<semaphore_mem>>) src(%dma_wait3A_1535 : memref<2x8x128xf32, #tpu.memory_space<hbm>>) dst(%dma_wait3A_1531 : memref<2x8x128xf32, #tpu.memory_space<vmem>>)
      %dma_wait3A_1536 = arith.constant 1 : i32
      %dma_wait3A_1537 = arith.constant 7 : i32
      %dma_wait3A_1538 = arith.constant 0 : i32
      %dma_wait3A_1539 = arith.constant 0 : i32
      %dma_wait3A_1540 = arith.constant 0 : i32
      %dma_wait3A_1541 = tpu.memref_slice %arg6[%dma_wait3A_1536, %dma_wait3A_1537, %dma_wait3A_1538, %dma_wait3A_1539, %dma_wait3A_1540] : memref<2x16x2x8x128xf32, #tpu.memory_space<vmem>> -> memref<1x1x2x8x128xf32, #tpu.memory_space<vmem>>
      %dma_wait3A_1542 = tpu.memref_squeeze %dma_wait3A_1541 : memref<1x1x2x8x128xf32, #tpu.memory_space<vmem>> -> memref<2x8x128xf32, #tpu.memory_space<vmem>>
      %dma_wait3A_1543 = arith.constant 0 : i32
      %dma_wait3A_1544 = arith.constant 0 : i32
      %dma_wait3A_1545 = arith.constant 0 : i32
      %dma_wait3A_1546 = tpu.memref_slice %arg3[%dma_wait3A_1543, %dma_wait3A_1544, %dma_wait3A_1545] : memref<2x8x1000000xf32, #tpu.memory_space<hbm>> -> memref<2x8x128xf32, #tpu.memory_space<hbm>>
      %dma_wait3A_1547 = arith.constant 0 : i32
      %dma_wait3A_1548 = arith.constant 0 : i32
      %dma_wait3A_1549 = arith.constant 0 : i32
      %dma_wait3A_1550 = tpu.memref_slice %arg6[%dma_wait3A_1536, %dma_wait3A_1537, %dma_wait3A_1547, %dma_wait3A_1548, %dma_wait3A_1549] : memref<2x16x2x8x128xf32, #tpu.memory_space<vmem>> -> memref<1x1x2x8x128xf32, #tpu.memory_space<vmem>>
      %dma_wait3A_1551 = tpu.memref_squeeze %dma_wait3A_1550 : memref<1x1x2x8x128xf32, #tpu.memory_space<vmem>> -> memref<2x8x128xf32, #tpu.memory_space<vmem>>
      %dma_wait3A_1552 = arith.constant 0 : i32
      %dma_wait3A_1553 = arith.constant 0 : i32
      %dma_wait3A_1554 = arith.constant 0 : i32
      %dma_wait3A_1555 = tpu.memref_slice %arg3[%dma_wait3A_1552, %dma_wait3A_1553, %dma_wait3A_1554] : memref<2x8x1000000xf32, #tpu.memory_space<hbm>> -> memref<2x8x128xf32, #tpu.memory_space<hbm>>
      tpu.wait_dma2 semaphore(%arg9 : memref<!tpu.dma_semaphore, #tpu.memory_space<semaphore_mem>>) src(%dma_wait3A_1555 : memref<2x8x128xf32, #tpu.memory_space<hbm>>) dst(%dma_wait3A_1551 : memref<2x8x128xf32, #tpu.memory_space<vmem>>)
      %dma_wait3A_1556 = arith.constant 1 : i32
      %dma_wait3A_1557 = arith.constant 8 : i32
      %dma_wait3A_1558 = arith.constant 0 : i32
      %dma_wait3A_1559 = arith.constant 0 : i32
      %dma_wait3A_1560 = arith.constant 0 : i32
      %dma_wait3A_1561 = tpu.memref_slice %arg6[%dma_wait3A_1556, %dma_wait3A_1557, %dma_wait3A_1558, %dma_wait3A_1559, %dma_wait3A_1560] : memref<2x16x2x8x128xf32, #tpu.memory_space<vmem>> -> memref<1x1x2x8x128xf32, #tpu.memory_space<vmem>>
      %dma_wait3A_1562 = tpu.memref_squeeze %dma_wait3A_1561 : memref<1x1x2x8x128xf32, #tpu.memory_space<vmem>> -> memref<2x8x128xf32, #tpu.memory_space<vmem>>
      %dma_wait3A_1563 = arith.constant 0 : i32
      %dma_wait3A_1564 = arith.constant 0 : i32
      %dma_wait3A_1565 = arith.constant 0 : i32
      %dma_wait3A_1566 = tpu.memref_slice %arg3[%dma_wait3A_1563, %dma_wait3A_1564, %dma_wait3A_1565] : memref<2x8x1000000xf32, #tpu.memory_space<hbm>> -> memref<2x8x128xf32, #tpu.memory_space<hbm>>
      %dma_wait3A_1567 = arith.constant 0 : i32
      %dma_wait3A_1568 = arith.constant 0 : i32
      %dma_wait3A_1569 = arith.constant 0 : i32
      %dma_wait3A_1570 = tpu.memref_slice %arg6[%dma_wait3A_1556, %dma_wait3A_1557, %dma_wait3A_1567, %dma_wait3A_1568, %dma_wait3A_1569] : memref<2x16x2x8x128xf32, #tpu.memory_space<vmem>> -> memref<1x1x2x8x128xf32, #tpu.memory_space<vmem>>
      %dma_wait3A_1571 = tpu.memref_squeeze %dma_wait3A_1570 : memref<1x1x2x8x128xf32, #tpu.memory_space<vmem>> -> memref<2x8x128xf32, #tpu.memory_space<vmem>>
      %dma_wait3A_1572 = arith.constant 0 : i32
      %dma_wait3A_1573 = arith.constant 0 : i32
      %dma_wait3A_1574 = arith.constant 0 : i32
      %dma_wait3A_1575 = tpu.memref_slice %arg3[%dma_wait3A_1572, %dma_wait3A_1573, %dma_wait3A_1574] : memref<2x8x1000000xf32, #tpu.memory_space<hbm>> -> memref<2x8x128xf32, #tpu.memory_space<hbm>>
      tpu.wait_dma2 semaphore(%arg9 : memref<!tpu.dma_semaphore, #tpu.memory_space<semaphore_mem>>) src(%dma_wait3A_1575 : memref<2x8x128xf32, #tpu.memory_space<hbm>>) dst(%dma_wait3A_1571 : memref<2x8x128xf32, #tpu.memory_space<vmem>>)
      %dma_wait3A_1576 = arith.constant 1 : i32
      %dma_wait3A_1577 = arith.constant 9 : i32
      %dma_wait3A_1578 = arith.constant 0 : i32
      %dma_wait3A_1579 = arith.constant 0 : i32
      %dma_wait3A_1580 = arith.constant 0 : i32
      %dma_wait3A_1581 = tpu.memref_slice %arg6[%dma_wait3A_1576, %dma_wait3A_1577, %dma_wait3A_1578, %dma_wait3A_1579, %dma_wait3A_1580] : memref<2x16x2x8x128xf32, #tpu.memory_space<vmem>> -> memref<1x1x2x8x128xf32, #tpu.memory_space<vmem>>
      %dma_wait3A_1582 = tpu.memref_squeeze %dma_wait3A_1581 : memref<1x1x2x8x128xf32, #tpu.memory_space<vmem>> -> memref<2x8x128xf32, #tpu.memory_space<vmem>>
      %dma_wait3A_1583 = arith.constant 0 : i32
      %dma_wait3A_1584 = arith.constant 0 : i32
      %dma_wait3A_1585 = arith.constant 0 : i32
      %dma_wait3A_1586 = tpu.memref_slice %arg3[%dma_wait3A_1583, %dma_wait3A_1584, %dma_wait3A_1585] : memref<2x8x1000000xf32, #tpu.memory_space<hbm>> -> memref<2x8x128xf32, #tpu.memory_space<hbm>>
      %dma_wait3A_1587 = arith.constant 0 : i32
      %dma_wait3A_1588 = arith.constant 0 : i32
      %dma_wait3A_1589 = arith.constant 0 : i32
      %dma_wait3A_1590 = tpu.memref_slice %arg6[%dma_wait3A_1576, %dma_wait3A_1577, %dma_wait3A_1587, %dma_wait3A_1588, %dma_wait3A_1589] : memref<2x16x2x8x128xf32, #tpu.memory_space<vmem>> -> memref<1x1x2x8x128xf32, #tpu.memory_space<vmem>>
      %dma_wait3A_1591 = tpu.memref_squeeze %dma_wait3A_1590 : memref<1x1x2x8x128xf32, #tpu.memory_space<vmem>> -> memref<2x8x128xf32, #tpu.memory_space<vmem>>
      %dma_wait3A_1592 = arith.constant 0 : i32
      %dma_wait3A_1593 = arith.constant 0 : i32
      %dma_wait3A_1594 = arith.constant 0 : i32
      %dma_wait3A_1595 = tpu.memref_slice %arg3[%dma_wait3A_1592, %dma_wait3A_1593, %dma_wait3A_1594] : memref<2x8x1000000xf32, #tpu.memory_space<hbm>> -> memref<2x8x128xf32, #tpu.memory_space<hbm>>
      tpu.wait_dma2 semaphore(%arg9 : memref<!tpu.dma_semaphore, #tpu.memory_space<semaphore_mem>>) src(%dma_wait3A_1595 : memref<2x8x128xf32, #tpu.memory_space<hbm>>) dst(%dma_wait3A_1591 : memref<2x8x128xf32, #tpu.memory_space<vmem>>)
      %dma_wait3A_1596 = arith.constant 1 : i32
      %dma_wait3A_1597 = arith.constant 10 : i32
      %dma_wait3A_1598 = arith.constant 0 : i32
      %dma_wait3A_1599 = arith.constant 0 : i32
      %dma_wait3A_1600 = arith.constant 0 : i32
      %dma_wait3A_1601 = tpu.memref_slice %arg6[%dma_wait3A_1596, %dma_wait3A_1597, %dma_wait3A_1598, %dma_wait3A_1599, %dma_wait3A_1600] : memref<2x16x2x8x128xf32, #tpu.memory_space<vmem>> -> memref<1x1x2x8x128xf32, #tpu.memory_space<vmem>>
      %dma_wait3A_1602 = tpu.memref_squeeze %dma_wait3A_1601 : memref<1x1x2x8x128xf32, #tpu.memory_space<vmem>> -> memref<2x8x128xf32, #tpu.memory_space<vmem>>
      %dma_wait3A_1603 = arith.constant 0 : i32
      %dma_wait3A_1604 = arith.constant 0 : i32
      %dma_wait3A_1605 = arith.constant 0 : i32
      %dma_wait3A_1606 = tpu.memref_slice %arg3[%dma_wait3A_1603, %dma_wait3A_1604, %dma_wait3A_1605] : memref<2x8x1000000xf32, #tpu.memory_space<hbm>> -> memref<2x8x128xf32, #tpu.memory_space<hbm>>
      %dma_wait3A_1607 = arith.constant 0 : i32
      %dma_wait3A_1608 = arith.constant 0 : i32
      %dma_wait3A_1609 = arith.constant 0 : i32
      %dma_wait3A_1610 = tpu.memref_slice %arg6[%dma_wait3A_1596, %dma_wait3A_1597, %dma_wait3A_1607, %dma_wait3A_1608, %dma_wait3A_1609] : memref<2x16x2x8x128xf32, #tpu.memory_space<vmem>> -> memref<1x1x2x8x128xf32, #tpu.memory_space<vmem>>
      %dma_wait3A_1611 = tpu.memref_squeeze %dma_wait3A_1610 : memref<1x1x2x8x128xf32, #tpu.memory_space<vmem>> -> memref<2x8x128xf32, #tpu.memory_space<vmem>>
      %dma_wait3A_1612 = arith.constant 0 : i32
      %dma_wait3A_1613 = arith.constant 0 : i32
      %dma_wait3A_1614 = arith.constant 0 : i32
      %dma_wait3A_1615 = tpu.memref_slice %arg3[%dma_wait3A_1612, %dma_wait3A_1613, %dma_wait3A_1614] : memref<2x8x1000000xf32, #tpu.memory_space<hbm>> -> memref<2x8x128xf32, #tpu.memory_space<hbm>>
      tpu.wait_dma2 semaphore(%arg9 : memref<!tpu.dma_semaphore, #tpu.memory_space<semaphore_mem>>) src(%dma_wait3A_1615 : memref<2x8x128xf32, #tpu.memory_space<hbm>>) dst(%dma_wait3A_1611 : memref<2x8x128xf32, #tpu.memory_space<vmem>>)
      %dma_wait3A_1616 = arith.constant 1 : i32
      %dma_wait3A_1617 = arith.constant 11 : i32
      %dma_wait3A_1618 = arith.constant 0 : i32
      %dma_wait3A_1619 = arith.constant 0 : i32
      %dma_wait3A_1620 = arith.constant 0 : i32
      %dma_wait3A_1621 = tpu.memref_slice %arg6[%dma_wait3A_1616, %dma_wait3A_1617, %dma_wait3A_1618, %dma_wait3A_1619, %dma_wait3A_1620] : memref<2x16x2x8x128xf32, #tpu.memory_space<vmem>> -> memref<1x1x2x8x128xf32, #tpu.memory_space<vmem>>
      %dma_wait3A_1622 = tpu.memref_squeeze %dma_wait3A_1621 : memref<1x1x2x8x128xf32, #tpu.memory_space<vmem>> -> memref<2x8x128xf32, #tpu.memory_space<vmem>>
      %dma_wait3A_1623 = arith.constant 0 : i32
      %dma_wait3A_1624 = arith.constant 0 : i32
      %dma_wait3A_1625 = arith.constant 0 : i32
      %dma_wait3A_1626 = tpu.memref_slice %arg3[%dma_wait3A_1623, %dma_wait3A_1624, %dma_wait3A_1625] : memref<2x8x1000000xf32, #tpu.memory_space<hbm>> -> memref<2x8x128xf32, #tpu.memory_space<hbm>>
      %dma_wait3A_1627 = arith.constant 0 : i32
      %dma_wait3A_1628 = arith.constant 0 : i32
      %dma_wait3A_1629 = arith.constant 0 : i32
      %dma_wait3A_1630 = tpu.memref_slice %arg6[%dma_wait3A_1616, %dma_wait3A_1617, %dma_wait3A_1627, %dma_wait3A_1628, %dma_wait3A_1629] : memref<2x16x2x8x128xf32, #tpu.memory_space<vmem>> -> memref<1x1x2x8x128xf32, #tpu.memory_space<vmem>>
      %dma_wait3A_1631 = tpu.memref_squeeze %dma_wait3A_1630 : memref<1x1x2x8x128xf32, #tpu.memory_space<vmem>> -> memref<2x8x128xf32, #tpu.memory_space<vmem>>
      %dma_wait3A_1632 = arith.constant 0 : i32
      %dma_wait3A_1633 = arith.constant 0 : i32
      %dma_wait3A_1634 = arith.constant 0 : i32
      %dma_wait3A_1635 = tpu.memref_slice %arg3[%dma_wait3A_1632, %dma_wait3A_1633, %dma_wait3A_1634] : memref<2x8x1000000xf32, #tpu.memory_space<hbm>> -> memref<2x8x128xf32, #tpu.memory_space<hbm>>
      tpu.wait_dma2 semaphore(%arg9 : memref<!tpu.dma_semaphore, #tpu.memory_space<semaphore_mem>>) src(%dma_wait3A_1635 : memref<2x8x128xf32, #tpu.memory_space<hbm>>) dst(%dma_wait3A_1631 : memref<2x8x128xf32, #tpu.memory_space<vmem>>)
      %dma_wait3A_1636 = arith.constant 1 : i32
      %dma_wait3A_1637 = arith.constant 12 : i32
      %dma_wait3A_1638 = arith.constant 0 : i32
      %dma_wait3A_1639 = arith.constant 0 : i32
      %dma_wait3A_1640 = arith.constant 0 : i32
      %dma_wait3A_1641 = tpu.memref_slice %arg6[%dma_wait3A_1636, %dma_wait3A_1637, %dma_wait3A_1638, %dma_wait3A_1639, %dma_wait3A_1640] : memref<2x16x2x8x128xf32, #tpu.memory_space<vmem>> -> memref<1x1x2x8x128xf32, #tpu.memory_space<vmem>>
      %dma_wait3A_1642 = tpu.memref_squeeze %dma_wait3A_1641 : memref<1x1x2x8x128xf32, #tpu.memory_space<vmem>> -> memref<2x8x128xf32, #tpu.memory_space<vmem>>
      %dma_wait3A_1643 = arith.constant 0 : i32
      %dma_wait3A_1644 = arith.constant 0 : i32
      %dma_wait3A_1645 = arith.constant 0 : i32
      %dma_wait3A_1646 = tpu.memref_slice %arg3[%dma_wait3A_1643, %dma_wait3A_1644, %dma_wait3A_1645] : memref<2x8x1000000xf32, #tpu.memory_space<hbm>> -> memref<2x8x128xf32, #tpu.memory_space<hbm>>
      %dma_wait3A_1647 = arith.constant 0 : i32
      %dma_wait3A_1648 = arith.constant 0 : i32
      %dma_wait3A_1649 = arith.constant 0 : i32
      %dma_wait3A_1650 = tpu.memref_slice %arg6[%dma_wait3A_1636, %dma_wait3A_1637, %dma_wait3A_1647, %dma_wait3A_1648, %dma_wait3A_1649] : memref<2x16x2x8x128xf32, #tpu.memory_space<vmem>> -> memref<1x1x2x8x128xf32, #tpu.memory_space<vmem>>
      %dma_wait3A_1651 = tpu.memref_squeeze %dma_wait3A_1650 : memref<1x1x2x8x128xf32, #tpu.memory_space<vmem>> -> memref<2x8x128xf32, #tpu.memory_space<vmem>>
      %dma_wait3A_1652 = arith.constant 0 : i32
      %dma_wait3A_1653 = arith.constant 0 : i32
      %dma_wait3A_1654 = arith.constant 0 : i32
      %dma_wait3A_1655 = tpu.memref_slice %arg3[%dma_wait3A_1652, %dma_wait3A_1653, %dma_wait3A_1654] : memref<2x8x1000000xf32, #tpu.memory_space<hbm>> -> memref<2x8x128xf32, #tpu.memory_space<hbm>>
      tpu.wait_dma2 semaphore(%arg9 : memref<!tpu.dma_semaphore, #tpu.memory_space<semaphore_mem>>) src(%dma_wait3A_1655 : memref<2x8x128xf32, #tpu.memory_space<hbm>>) dst(%dma_wait3A_1651 : memref<2x8x128xf32, #tpu.memory_space<vmem>>)
      %dma_wait3A_1656 = arith.constant 1 : i32
      %dma_wait3A_1657 = arith.constant 13 : i32
      %dma_wait3A_1658 = arith.constant 0 : i32
      %dma_wait3A_1659 = arith.constant 0 : i32
      %dma_wait3A_1660 = arith.constant 0 : i32
      %dma_wait3A_1661 = tpu.memref_slice %arg6[%dma_wait3A_1656, %dma_wait3A_1657, %dma_wait3A_1658, %dma_wait3A_1659, %dma_wait3A_1660] : memref<2x16x2x8x128xf32, #tpu.memory_space<vmem>> -> memref<1x1x2x8x128xf32, #tpu.memory_space<vmem>>
      %dma_wait3A_1662 = tpu.memref_squeeze %dma_wait3A_1661 : memref<1x1x2x8x128xf32, #tpu.memory_space<vmem>> -> memref<2x8x128xf32, #tpu.memory_space<vmem>>
      %dma_wait3A_1663 = arith.constant 0 : i32
      %dma_wait3A_1664 = arith.constant 0 : i32
      %dma_wait3A_1665 = arith.constant 0 : i32
      %dma_wait3A_1666 = tpu.memref_slice %arg3[%dma_wait3A_1663, %dma_wait3A_1664, %dma_wait3A_1665] : memref<2x8x1000000xf32, #tpu.memory_space<hbm>> -> memref<2x8x128xf32, #tpu.memory_space<hbm>>
      %dma_wait3A_1667 = arith.constant 0 : i32
      %dma_wait3A_1668 = arith.constant 0 : i32
      %dma_wait3A_1669 = arith.constant 0 : i32
      %dma_wait3A_1670 = tpu.memref_slice %arg6[%dma_wait3A_1656, %dma_wait3A_1657, %dma_wait3A_1667, %dma_wait3A_1668, %dma_wait3A_1669] : memref<2x16x2x8x128xf32, #tpu.memory_space<vmem>> -> memref<1x1x2x8x128xf32, #tpu.memory_space<vmem>>
      %dma_wait3A_1671 = tpu.memref_squeeze %dma_wait3A_1670 : memref<1x1x2x8x128xf32, #tpu.memory_space<vmem>> -> memref<2x8x128xf32, #tpu.memory_space<vmem>>
      %dma_wait3A_1672 = arith.constant 0 : i32
      %dma_wait3A_1673 = arith.constant 0 : i32
      %dma_wait3A_1674 = arith.constant 0 : i32
      %dma_wait3A_1675 = tpu.memref_slice %arg3[%dma_wait3A_1672, %dma_wait3A_1673, %dma_wait3A_1674] : memref<2x8x1000000xf32, #tpu.memory_space<hbm>> -> memref<2x8x128xf32, #tpu.memory_space<hbm>>
      tpu.wait_dma2 semaphore(%arg9 : memref<!tpu.dma_semaphore, #tpu.memory_space<semaphore_mem>>) src(%dma_wait3A_1675 : memref<2x8x128xf32, #tpu.memory_space<hbm>>) dst(%dma_wait3A_1671 : memref<2x8x128xf32, #tpu.memory_space<vmem>>)
      %dma_wait3A_1676 = arith.constant 1 : i32
      %dma_wait3A_1677 = arith.constant 14 : i32
      %dma_wait3A_1678 = arith.constant 0 : i32
      %dma_wait3A_1679 = arith.constant 0 : i32
      %dma_wait3A_1680 = arith.constant 0 : i32
      %dma_wait3A_1681 = tpu.memref_slice %arg6[%dma_wait3A_1676, %dma_wait3A_1677, %dma_wait3A_1678, %dma_wait3A_1679, %dma_wait3A_1680] : memref<2x16x2x8x128xf32, #tpu.memory_space<vmem>> -> memref<1x1x2x8x128xf32, #tpu.memory_space<vmem>>
      %dma_wait3A_1682 = tpu.memref_squeeze %dma_wait3A_1681 : memref<1x1x2x8x128xf32, #tpu.memory_space<vmem>> -> memref<2x8x128xf32, #tpu.memory_space<vmem>>
      %dma_wait3A_1683 = arith.constant 0 : i32
      %dma_wait3A_1684 = arith.constant 0 : i32
      %dma_wait3A_1685 = arith.constant 0 : i32
      %dma_wait3A_1686 = tpu.memref_slice %arg3[%dma_wait3A_1683, %dma_wait3A_1684, %dma_wait3A_1685] : memref<2x8x1000000xf32, #tpu.memory_space<hbm>> -> memref<2x8x128xf32, #tpu.memory_space<hbm>>
      %dma_wait3A_1687 = arith.constant 0 : i32
      %dma_wait3A_1688 = arith.constant 0 : i32
      %dma_wait3A_1689 = arith.constant 0 : i32
      %dma_wait3A_1690 = tpu.memref_slice %arg6[%dma_wait3A_1676, %dma_wait3A_1677, %dma_wait3A_1687, %dma_wait3A_1688, %dma_wait3A_1689] : memref<2x16x2x8x128xf32, #tpu.memory_space<vmem>> -> memref<1x1x2x8x128xf32, #tpu.memory_space<vmem>>
      %dma_wait3A_1691 = tpu.memref_squeeze %dma_wait3A_1690 : memref<1x1x2x8x128xf32, #tpu.memory_space<vmem>> -> memref<2x8x128xf32, #tpu.memory_space<vmem>>
      %dma_wait3A_1692 = arith.constant 0 : i32
      %dma_wait3A_1693 = arith.constant 0 : i32
      %dma_wait3A_1694 = arith.constant 0 : i32
      %dma_wait3A_1695 = tpu.memref_slice %arg3[%dma_wait3A_1692, %dma_wait3A_1693, %dma_wait3A_1694] : memref<2x8x1000000xf32, #tpu.memory_space<hbm>> -> memref<2x8x128xf32, #tpu.memory_space<hbm>>
      tpu.wait_dma2 semaphore(%arg9 : memref<!tpu.dma_semaphore, #tpu.memory_space<semaphore_mem>>) src(%dma_wait3A_1695 : memref<2x8x128xf32, #tpu.memory_space<hbm>>) dst(%dma_wait3A_1691 : memref<2x8x128xf32, #tpu.memory_space<vmem>>)
      %dma_wait3A_1696 = arith.constant 1 : i32
      %dma_wait3A_1697 = arith.constant 15 : i32
      %dma_wait3A_1698 = arith.constant 0 : i32
      %dma_wait3A_1699 = arith.constant 0 : i32
      %dma_wait3A_1700 = arith.constant 0 : i32
      %dma_wait3A_1701 = tpu.memref_slice %arg6[%dma_wait3A_1696, %dma_wait3A_1697, %dma_wait3A_1698, %dma_wait3A_1699, %dma_wait3A_1700] : memref<2x16x2x8x128xf32, #tpu.memory_space<vmem>> -> memref<1x1x2x8x128xf32, #tpu.memory_space<vmem>>
      %dma_wait3A_1702 = tpu.memref_squeeze %dma_wait3A_1701 : memref<1x1x2x8x128xf32, #tpu.memory_space<vmem>> -> memref<2x8x128xf32, #tpu.memory_space<vmem>>
      %dma_wait3A_1703 = arith.constant 0 : i32
      %dma_wait3A_1704 = arith.constant 0 : i32
      %dma_wait3A_1705 = arith.constant 0 : i32
      %dma_wait3A_1706 = tpu.memref_slice %arg3[%dma_wait3A_1703, %dma_wait3A_1704, %dma_wait3A_1705] : memref<2x8x1000000xf32, #tpu.memory_space<hbm>> -> memref<2x8x128xf32, #tpu.memory_space<hbm>>
      %dma_wait3A_1707 = arith.constant 0 : i32
      %dma_wait3A_1708 = arith.constant 0 : i32
      %dma_wait3A_1709 = arith.constant 0 : i32
      %dma_wait3A_1710 = tpu.memref_slice %arg6[%dma_wait3A_1696, %dma_wait3A_1697, %dma_wait3A_1707, %dma_wait3A_1708, %dma_wait3A_1709] : memref<2x16x2x8x128xf32, #tpu.memory_space<vmem>> -> memref<1x1x2x8x128xf32, #tpu.memory_space<vmem>>
      %dma_wait3A_1711 = tpu.memref_squeeze %dma_wait3A_1710 : memref<1x1x2x8x128xf32, #tpu.memory_space<vmem>> -> memref<2x8x128xf32, #tpu.memory_space<vmem>>
      %dma_wait3A_1712 = arith.constant 0 : i32
      %dma_wait3A_1713 = arith.constant 0 : i32
      %dma_wait3A_1714 = arith.constant 0 : i32
      %dma_wait3A_1715 = tpu.memref_slice %arg3[%dma_wait3A_1712, %dma_wait3A_1713, %dma_wait3A_1714] : memref<2x8x1000000xf32, #tpu.memory_space<hbm>> -> memref<2x8x128xf32, #tpu.memory_space<hbm>>
      tpu.wait_dma2 semaphore(%arg9 : memref<!tpu.dma_semaphore, #tpu.memory_space<semaphore_mem>>) src(%dma_wait3A_1715 : memref<2x8x128xf32, #tpu.memory_space<hbm>>) dst(%dma_wait3A_1711 : memref<2x8x128xf32, #tpu.memory_space<vmem>>)
      %add3A_1716 = arith.constant 1 : i32
      %add3A_1717 = arith.addi %mul3A_391, %add3A_1716 : i32
      %mul3A_1718 = arith.constant 16 : i32
      %mul3A_1719 = arith.muli %add3A_1717, %mul3A_1718 : i32
      %get3A_1720 = arith.index_cast %mul3A_1719 : i32 to index
      %get3A_1721 = tpu.vector_load %arg5[%get3A_1720] {strides = array<i32>} : memref<512xi32, #tpu.memory_space<vmem>>, vector<16xi32>,
      %and3A_1722 = arith.constant 127 : i32
      %and3A_1723 = vector.broadcast %and3A_1722 : i32 to vector<16xi32>
      %and3A_1724 = arith.andi %get3A_1721, %and3A_1723 : vector<16xi32>
      %iota3A_1725 = tpu.iota {dimensions = array<i32: 0>} : vector<16xi32>
      %broadcast_in_dim3A_1726 = arith.constant 0 : i32
      %broadcast_in_dim3A_1727 = vector.broadcast %broadcast_in_dim3A_1726 : i32 to vector<16xi32>
      %broadcast_in_dim3A_1728 = arith.constant 0 : i32
      %broadcast_in_dim3A_1729 = vector.broadcast %broadcast_in_dim3A_1728 : i32 to vector<16xi32>
      %gather3A_1730 = arith.constant 1 : i32
      %gather3A_1731 = arith.constant 0 : i32
      %gather3A_1732 = arith.constant 0 : i32
      %gather3A_1733 = arith.constant 0 : i32
      %gather3A_1734 = arith.constant 0 : i32
      %gather3A_1735 = tpu.memref_slice %arg6[%gather3A_1730, %gather3A_1731, %gather3A_1732, %gather3A_1733, %gather3A_1734] : memref<2x16x2x8x128xf32, #tpu.memory_space<vmem>> -> memref<1x16x2x8x128xf32, #tpu.memory_space<vmem>>
      %gather3A_1736 = tpu.memref_squeeze %gather3A_1735 : memref<1x16x2x8x128xf32, #tpu.memory_space<vmem>> -> memref<16x2x8x128xf32, #tpu.memory_space<vmem>>
      %gather3A_1737 = tpu.vector_load_idx %gather3A_1736[%iota3A_1725, %broadcast_in_dim3A_1727, %broadcast_in_dim3A_1729, %and3A_1724] : memref<16x2x8x128xf32, #tpu.memory_space<vmem>>[vector<16xi32>, vector<16xi32>, vector<16xi32>, vector<16xi32>], vector<16xf32>,
      %mul3A_1738 = arith.constant 16 : i32
      %mul3A_1739 = arith.muli %add3A_1717, %mul3A_1738 : i32
      %swap3A_1740 = arith.constant 0 : i32
      %swap3A_1741 = arith.index_cast %swap3A_1740 : i32 to index
      %swap3A_1742 = arith.index_cast %mul3A_1739 : i32 to index
      %swap3A_1743 = tpu.vector_load %arg7[%swap3A_1741, %swap3A_1742] {strides = array<i32>} : memref<16x512xf32, #tpu.memory_space<vmem>>, vector<16xf32>,
      tpu.vector_store %arg7[%swap3A_1741, %swap3A_1742], %gather3A_1737 {strides = array<i32>} : memref<16x512xf32, #tpu.memory_space<vmem>>, vector<16xf32>,
      %broadcast_in_dim3A_1744 = arith.constant 0 : i32
      %broadcast_in_dim3A_1745 = vector.broadcast %broadcast_in_dim3A_1744 : i32 to vector<16xi32>
      %broadcast_in_dim3A_1746 = arith.constant 1 : i32
      %broadcast_in_dim3A_1747 = vector.broadcast %broadcast_in_dim3A_1746 : i32 to vector<16xi32>
      %gather3A_1748 = arith.constant 1 : i32
      %gather3A_1749 = arith.constant 0 : i32
      %gather3A_1750 = arith.constant 0 : i32
      %gather3A_1751 = arith.constant 0 : i32
      %gather3A_1752 = arith.constant 0 : i32
      %gather3A_1753 = tpu.memref_slice %arg6[%gather3A_1748, %gather3A_1749, %gather3A_1750, %gather3A_1751, %gather3A_1752] : memref<2x16x2x8x128xf32, #tpu.memory_space<vmem>> -> memref<1x16x2x8x128xf32, #tpu.memory_space<vmem>>
      %gather3A_1754 = tpu.memref_squeeze %gather3A_1753 : memref<1x16x2x8x128xf32, #tpu.memory_space<vmem>> -> memref<16x2x8x128xf32, #tpu.memory_space<vmem>>
      %gather3A_1755 = tpu.vector_load_idx %gather3A_1754[%iota3A_1725, %broadcast_in_dim3A_1745, %broadcast_in_dim3A_1747, %and3A_1724] : memref<16x2x8x128xf32, #tpu.memory_space<vmem>>[vector<16xi32>, vector<16xi32>, vector<16xi32>, vector<16xi32>], vector<16xf32>,
      %mul3A_1756 = arith.constant 16 : i32
      %mul3A_1757 = arith.muli %add3A_1717, %mul3A_1756 : i32
      %swap3A_1758 = arith.constant 1 : i32
      %swap3A_1759 = arith.index_cast %swap3A_1758 : i32 to index
      %swap3A_1760 = arith.index_cast %mul3A_1757 : i32 to index
      %swap3A_1761 = tpu.vector_load %arg7[%swap3A_1759, %swap3A_1760] {strides = array<i32>} : memref<16x512xf32, #tpu.memory_space<vmem>>, vector<16xf32>,
      tpu.vector_store %arg7[%swap3A_1759, %swap3A_1760], %gather3A_1755 {strides = array<i32>} : memref<16x512xf32, #tpu.memory_space<vmem>>, vector<16xf32>,
      %broadcast_in_dim3A_1762 = arith.constant 0 : i32
      %broadcast_in_dim3A_1763 = vector.broadcast %broadcast_in_dim3A_1762 : i32 to vector<16xi32>
      %broadcast_in_dim3A_1764 = arith.constant 2 : i32
      %broadcast_in_dim3A_1765 = vector.broadcast %broadcast_in_dim3A_1764 : i32 to vector<16xi32>
      %gather3A_1766 = arith.constant 1 : i32
      %gather3A_1767 = arith.constant 0 : i32
      %gather3A_1768 = arith.constant 0 : i32
      %gather3A_1769 = arith.constant 0 : i32
      %gather3A_1770 = arith.constant 0 : i32
      %gather3A_1771 = tpu.memref_slice %arg6[%gather3A_1766, %gather3A_1767, %gather3A_1768, %gather3A_1769, %gather3A_1770] : memref<2x16x2x8x128xf32, #tpu.memory_space<vmem>> -> memref<1x16x2x8x128xf32, #tpu.memory_space<vmem>>
      %gather3A_1772 = tpu.memref_squeeze %gather3A_1771 : memref<1x16x2x8x128xf32, #tpu.memory_space<vmem>> -> memref<16x2x8x128xf32, #tpu.memory_space<vmem>>
      %gather3A_1773 = tpu.vector_load_idx %gather3A_1772[%iota3A_1725, %broadcast_in_dim3A_1763, %broadcast_in_dim3A_1765, %and3A_1724] : memref<16x2x8x128xf32, #tpu.memory_space<vmem>>[vector<16xi32>, vector<16xi32>, vector<16xi32>, vector<16xi32>], vector<16xf32>,
      %mul3A_1774 = arith.constant 16 : i32
      %mul3A_1775 = arith.muli %add3A_1717, %mul3A_1774 : i32
      %swap3A_1776 = arith.constant 2 : i32
      %swap3A_1777 = arith.index_cast %swap3A_1776 : i32 to index
      %swap3A_1778 = arith.index_cast %mul3A_1775 : i32 to index
      %swap3A_1779 = tpu.vector_load %arg7[%swap3A_1777, %swap3A_1778] {strides = array<i32>} : memref<16x512xf32, #tpu.memory_space<vmem>>, vector<16xf32>,
      tpu.vector_store %arg7[%swap3A_1777, %swap3A_1778], %gather3A_1773 {strides = array<i32>} : memref<16x512xf32, #tpu.memory_space<vmem>>, vector<16xf32>,
      %broadcast_in_dim3A_1780 = arith.constant 0 : i32
      %broadcast_in_dim3A_1781 = vector.broadcast %broadcast_in_dim3A_1780 : i32 to vector<16xi32>
      %broadcast_in_dim3A_1782 = arith.constant 3 : i32
      %broadcast_in_dim3A_1783 = vector.broadcast %broadcast_in_dim3A_1782 : i32 to vector<16xi32>
      %gather3A_1784 = arith.constant 1 : i32
      %gather3A_1785 = arith.constant 0 : i32
      %gather3A_1786 = arith.constant 0 : i32
      %gather3A_1787 = arith.constant 0 : i32
      %gather3A_1788 = arith.constant 0 : i32
      %gather3A_1789 = tpu.memref_slice %arg6[%gather3A_1784, %gather3A_1785, %gather3A_1786, %gather3A_1787, %gather3A_1788] : memref<2x16x2x8x128xf32, #tpu.memory_space<vmem>> -> memref<1x16x2x8x128xf32, #tpu.memory_space<vmem>>
      %gather3A_1790 = tpu.memref_squeeze %gather3A_1789 : memref<1x16x2x8x128xf32, #tpu.memory_space<vmem>> -> memref<16x2x8x128xf32, #tpu.memory_space<vmem>>
      %gather3A_1791 = tpu.vector_load_idx %gather3A_1790[%iota3A_1725, %broadcast_in_dim3A_1781, %broadcast_in_dim3A_1783, %and3A_1724] : memref<16x2x8x128xf32, #tpu.memory_space<vmem>>[vector<16xi32>, vector<16xi32>, vector<16xi32>, vector<16xi32>], vector<16xf32>,
      %mul3A_1792 = arith.constant 16 : i32
      %mul3A_1793 = arith.muli %add3A_1717, %mul3A_1792 : i32
      %swap3A_1794 = arith.constant 3 : i32
      %swap3A_1795 = arith.index_cast %swap3A_1794 : i32 to index
      %swap3A_1796 = arith.index_cast %mul3A_1793 : i32 to index
      %swap3A_1797 = tpu.vector_load %arg7[%swap3A_1795, %swap3A_1796] {strides = array<i32>} : memref<16x512xf32, #tpu.memory_space<vmem>>, vector<16xf32>,
      tpu.vector_store %arg7[%swap3A_1795, %swap3A_1796], %gather3A_1791 {strides = array<i32>} : memref<16x512xf32, #tpu.memory_space<vmem>>, vector<16xf32>,
      %broadcast_in_dim3A_1798 = arith.constant 0 : i32
      %broadcast_in_dim3A_1799 = vector.broadcast %broadcast_in_dim3A_1798 : i32 to vector<16xi32>
      %broadcast_in_dim3A_1800 = arith.constant 4 : i32
      %broadcast_in_dim3A_1801 = vector.broadcast %broadcast_in_dim3A_1800 : i32 to vector<16xi32>
      %gather3A_1802 = arith.constant 1 : i32
      %gather3A_1803 = arith.constant 0 : i32
      %gather3A_1804 = arith.constant 0 : i32
      %gather3A_1805 = arith.constant 0 : i32
      %gather3A_1806 = arith.constant 0 : i32
      %gather3A_1807 = tpu.memref_slice %arg6[%gather3A_1802, %gather3A_1803, %gather3A_1804, %gather3A_1805, %gather3A_1806] : memref<2x16x2x8x128xf32, #tpu.memory_space<vmem>> -> memref<1x16x2x8x128xf32, #tpu.memory_space<vmem>>
      %gather3A_1808 = tpu.memref_squeeze %gather3A_1807 : memref<1x16x2x8x128xf32, #tpu.memory_space<vmem>> -> memref<16x2x8x128xf32, #tpu.memory_space<vmem>>
      %gather3A_1809 = tpu.vector_load_idx %gather3A_1808[%iota3A_1725, %broadcast_in_dim3A_1799, %broadcast_in_dim3A_1801, %and3A_1724] : memref<16x2x8x128xf32, #tpu.memory_space<vmem>>[vector<16xi32>, vector<16xi32>, vector<16xi32>, vector<16xi32>], vector<16xf32>,
      %mul3A_1810 = arith.constant 16 : i32
      %mul3A_1811 = arith.muli %add3A_1717, %mul3A_1810 : i32
      %swap3A_1812 = arith.constant 4 : i32
      %swap3A_1813 = arith.index_cast %swap3A_1812 : i32 to index
      %swap3A_1814 = arith.index_cast %mul3A_1811 : i32 to index
      %swap3A_1815 = tpu.vector_load %arg7[%swap3A_1813, %swap3A_1814] {strides = array<i32>} : memref<16x512xf32, #tpu.memory_space<vmem>>, vector<16xf32>,
      tpu.vector_store %arg7[%swap3A_1813, %swap3A_1814], %gather3A_1809 {strides = array<i32>} : memref<16x512xf32, #tpu.memory_space<vmem>>, vector<16xf32>,
      %broadcast_in_dim3A_1816 = arith.constant 0 : i32
      %broadcast_in_dim3A_1817 = vector.broadcast %broadcast_in_dim3A_1816 : i32 to vector<16xi32>
      %broadcast_in_dim3A_1818 = arith.constant 5 : i32
      %broadcast_in_dim3A_1819 = vector.broadcast %broadcast_in_dim3A_1818 : i32 to vector<16xi32>
      %gather3A_1820 = arith.constant 1 : i32
      %gather3A_1821 = arith.constant 0 : i32
      %gather3A_1822 = arith.constant 0 : i32
      %gather3A_1823 = arith.constant 0 : i32
      %gather3A_1824 = arith.constant 0 : i32
      %gather3A_1825 = tpu.memref_slice %arg6[%gather3A_1820, %gather3A_1821, %gather3A_1822, %gather3A_1823, %gather3A_1824] : memref<2x16x2x8x128xf32, #tpu.memory_space<vmem>> -> memref<1x16x2x8x128xf32, #tpu.memory_space<vmem>>
      %gather3A_1826 = tpu.memref_squeeze %gather3A_1825 : memref<1x16x2x8x128xf32, #tpu.memory_space<vmem>> -> memref<16x2x8x128xf32, #tpu.memory_space<vmem>>
      %gather3A_1827 = tpu.vector_load_idx %gather3A_1826[%iota3A_1725, %broadcast_in_dim3A_1817, %broadcast_in_dim3A_1819, %and3A_1724] : memref<16x2x8x128xf32, #tpu.memory_space<vmem>>[vector<16xi32>, vector<16xi32>, vector<16xi32>, vector<16xi32>], vector<16xf32>,
      %mul3A_1828 = arith.constant 16 : i32
      %mul3A_1829 = arith.muli %add3A_1717, %mul3A_1828 : i32
      %swap3A_1830 = arith.constant 5 : i32
      %swap3A_1831 = arith.index_cast %swap3A_1830 : i32 to index
      %swap3A_1832 = arith.index_cast %mul3A_1829 : i32 to index
      %swap3A_1833 = tpu.vector_load %arg7[%swap3A_1831, %swap3A_1832] {strides = array<i32>} : memref<16x512xf32, #tpu.memory_space<vmem>>, vector<16xf32>,
      tpu.vector_store %arg7[%swap3A_1831, %swap3A_1832], %gather3A_1827 {strides = array<i32>} : memref<16x512xf32, #tpu.memory_space<vmem>>, vector<16xf32>,
      %broadcast_in_dim3A_1834 = arith.constant 0 : i32
      %broadcast_in_dim3A_1835 = vector.broadcast %broadcast_in_dim3A_1834 : i32 to vector<16xi32>
      %broadcast_in_dim3A_1836 = arith.constant 6 : i32
      %broadcast_in_dim3A_1837 = vector.broadcast %broadcast_in_dim3A_1836 : i32 to vector<16xi32>
      %gather3A_1838 = arith.constant 1 : i32
      %gather3A_1839 = arith.constant 0 : i32
      %gather3A_1840 = arith.constant 0 : i32
      %gather3A_1841 = arith.constant 0 : i32
      %gather3A_1842 = arith.constant 0 : i32
      %gather3A_1843 = tpu.memref_slice %arg6[%gather3A_1838, %gather3A_1839, %gather3A_1840, %gather3A_1841, %gather3A_1842] : memref<2x16x2x8x128xf32, #tpu.memory_space<vmem>> -> memref<1x16x2x8x128xf32, #tpu.memory_space<vmem>>
      %gather3A_1844 = tpu.memref_squeeze %gather3A_1843 : memref<1x16x2x8x128xf32, #tpu.memory_space<vmem>> -> memref<16x2x8x128xf32, #tpu.memory_space<vmem>>
      %gather3A_1845 = tpu.vector_load_idx %gather3A_1844[%iota3A_1725, %broadcast_in_dim3A_1835, %broadcast_in_dim3A_1837, %and3A_1724] : memref<16x2x8x128xf32, #tpu.memory_space<vmem>>[vector<16xi32>, vector<16xi32>, vector<16xi32>, vector<16xi32>], vector<16xf32>,
      %mul3A_1846 = arith.constant 16 : i32
      %mul3A_1847 = arith.muli %add3A_1717, %mul3A_1846 : i32
      %swap3A_1848 = arith.constant 6 : i32
      %swap3A_1849 = arith.index_cast %swap3A_1848 : i32 to index
      %swap3A_1850 = arith.index_cast %mul3A_1847 : i32 to index
      %swap3A_1851 = tpu.vector_load %arg7[%swap3A_1849, %swap3A_1850] {strides = array<i32>} : memref<16x512xf32, #tpu.memory_space<vmem>>, vector<16xf32>,
      tpu.vector_store %arg7[%swap3A_1849, %swap3A_1850], %gather3A_1845 {strides = array<i32>} : memref<16x512xf32, #tpu.memory_space<vmem>>, vector<16xf32>,
      %broadcast_in_dim3A_1852 = arith.constant 0 : i32
      %broadcast_in_dim3A_1853 = vector.broadcast %broadcast_in_dim3A_1852 : i32 to vector<16xi32>
      %broadcast_in_dim3A_1854 = arith.constant 7 : i32
      %broadcast_in_dim3A_1855 = vector.broadcast %broadcast_in_dim3A_1854 : i32 to vector<16xi32>
      %gather3A_1856 = arith.constant 1 : i32
      %gather3A_1857 = arith.constant 0 : i32
      %gather3A_1858 = arith.constant 0 : i32
      %gather3A_1859 = arith.constant 0 : i32
      %gather3A_1860 = arith.constant 0 : i32
      %gather3A_1861 = tpu.memref_slice %arg6[%gather3A_1856, %gather3A_1857, %gather3A_1858, %gather3A_1859, %gather3A_1860] : memref<2x16x2x8x128xf32, #tpu.memory_space<vmem>> -> memref<1x16x2x8x128xf32, #tpu.memory_space<vmem>>
      %gather3A_1862 = tpu.memref_squeeze %gather3A_1861 : memref<1x16x2x8x128xf32, #tpu.memory_space<vmem>> -> memref<16x2x8x128xf32, #tpu.memory_space<vmem>>
      %gather3A_1863 = tpu.vector_load_idx %gather3A_1862[%iota3A_1725, %broadcast_in_dim3A_1853, %broadcast_in_dim3A_1855, %and3A_1724] : memref<16x2x8x128xf32, #tpu.memory_space<vmem>>[vector<16xi32>, vector<16xi32>, vector<16xi32>, vector<16xi32>], vector<16xf32>,
      %mul3A_1864 = arith.constant 16 : i32
      %mul3A_1865 = arith.muli %add3A_1717, %mul3A_1864 : i32
      %swap3A_1866 = arith.constant 7 : i32
      %swap3A_1867 = arith.index_cast %swap3A_1866 : i32 to index
      %swap3A_1868 = arith.index_cast %mul3A_1865 : i32 to index
      %swap3A_1869 = tpu.vector_load %arg7[%swap3A_1867, %swap3A_1868] {strides = array<i32>} : memref<16x512xf32, #tpu.memory_space<vmem>>, vector<16xf32>,
      tpu.vector_store %arg7[%swap3A_1867, %swap3A_1868], %gather3A_1863 {strides = array<i32>} : memref<16x512xf32, #tpu.memory_space<vmem>>, vector<16xf32>,
      %broadcast_in_dim3A_1870 = arith.constant 1 : i32
      %broadcast_in_dim3A_1871 = vector.broadcast %broadcast_in_dim3A_1870 : i32 to vector<16xi32>
      %broadcast_in_dim3A_1872 = arith.constant 0 : i32
      %broadcast_in_dim3A_1873 = vector.broadcast %broadcast_in_dim3A_1872 : i32 to vector<16xi32>
      %gather3A_1874 = arith.constant 1 : i32
      %gather3A_1875 = arith.constant 0 : i32
      %gather3A_1876 = arith.constant 0 : i32
      %gather3A_1877 = arith.constant 0 : i32
      %gather3A_1878 = arith.constant 0 : i32
      %gather3A_1879 = tpu.memref_slice %arg6[%gather3A_1874, %gather3A_1875, %gather3A_1876, %gather3A_1877, %gather3A_1878] : memref<2x16x2x8x128xf32, #tpu.memory_space<vmem>> -> memref<1x16x2x8x128xf32, #tpu.memory_space<vmem>>
      %gather3A_1880 = tpu.memref_squeeze %gather3A_1879 : memref<1x16x2x8x128xf32, #tpu.memory_space<vmem>> -> memref<16x2x8x128xf32, #tpu.memory_space<vmem>>
      %gather3A_1881 = tpu.vector_load_idx %gather3A_1880[%iota3A_1725, %broadcast_in_dim3A_1871, %broadcast_in_dim3A_1873, %and3A_1724] : memref<16x2x8x128xf32, #tpu.memory_space<vmem>>[vector<16xi32>, vector<16xi32>, vector<16xi32>, vector<16xi32>], vector<16xf32>,
      %mul3A_1882 = arith.constant 16 : i32
      %mul3A_1883 = arith.muli %add3A_1717, %mul3A_1882 : i32
      %swap3A_1884 = arith.constant 8 : i32
      %swap3A_1885 = arith.index_cast %swap3A_1884 : i32 to index
      %swap3A_1886 = arith.index_cast %mul3A_1883 : i32 to index
      %swap3A_1887 = tpu.vector_load %arg7[%swap3A_1885, %swap3A_1886] {strides = array<i32>} : memref<16x512xf32, #tpu.memory_space<vmem>>, vector<16xf32>,
      tpu.vector_store %arg7[%swap3A_1885, %swap3A_1886], %gather3A_1881 {strides = array<i32>} : memref<16x512xf32, #tpu.memory_space<vmem>>, vector<16xf32>,
      %broadcast_in_dim3A_1888 = arith.constant 1 : i32
      %broadcast_in_dim3A_1889 = vector.broadcast %broadcast_in_dim3A_1888 : i32 to vector<16xi32>
      %broadcast_in_dim3A_1890 = arith.constant 1 : i32
      %broadcast_in_dim3A_1891 = vector.broadcast %broadcast_in_dim3A_1890 : i32 to vector<16xi32>
      %gather3A_1892 = arith.constant 1 : i32
      %gather3A_1893 = arith.constant 0 : i32
      %gather3A_1894 = arith.constant 0 : i32
      %gather3A_1895 = arith.constant 0 : i32
      %gather3A_1896 = arith.constant 0 : i32
      %gather3A_1897 = tpu.memref_slice %arg6[%gather3A_1892, %gather3A_1893, %gather3A_1894, %gather3A_1895, %gather3A_1896] : memref<2x16x2x8x128xf32, #tpu.memory_space<vmem>> -> memref<1x16x2x8x128xf32, #tpu.memory_space<vmem>>
      %gather3A_1898 = tpu.memref_squeeze %gather3A_1897 : memref<1x16x2x8x128xf32, #tpu.memory_space<vmem>> -> memref<16x2x8x128xf32, #tpu.memory_space<vmem>>
      %gather3A_1899 = tpu.vector_load_idx %gather3A_1898[%iota3A_1725, %broadcast_in_dim3A_1889, %broadcast_in_dim3A_1891, %and3A_1724] : memref<16x2x8x128xf32, #tpu.memory_space<vmem>>[vector<16xi32>, vector<16xi32>, vector<16xi32>, vector<16xi32>], vector<16xf32>,
      %mul3A_1900 = arith.constant 16 : i32
      %mul3A_1901 = arith.muli %add3A_1717, %mul3A_1900 : i32
      %swap3A_1902 = arith.constant 9 : i32
      %swap3A_1903 = arith.index_cast %swap3A_1902 : i32 to index
      %swap3A_1904 = arith.index_cast %mul3A_1901 : i32 to index
      %swap3A_1905 = tpu.vector_load %arg7[%swap3A_1903, %swap3A_1904] {strides = array<i32>} : memref<16x512xf32, #tpu.memory_space<vmem>>, vector<16xf32>,
      tpu.vector_store %arg7[%swap3A_1903, %swap3A_1904], %gather3A_1899 {strides = array<i32>} : memref<16x512xf32, #tpu.memory_space<vmem>>, vector<16xf32>,
      %broadcast_in_dim3A_1906 = arith.constant 1 : i32
      %broadcast_in_dim3A_1907 = vector.broadcast %broadcast_in_dim3A_1906 : i32 to vector<16xi32>
      %broadcast_in_dim3A_1908 = arith.constant 2 : i32
      %broadcast_in_dim3A_1909 = vector.broadcast %broadcast_in_dim3A_1908 : i32 to vector<16xi32>
      %gather3A_1910 = arith.constant 1 : i32
      %gather3A_1911 = arith.constant 0 : i32
      %gather3A_1912 = arith.constant 0 : i32
      %gather3A_1913 = arith.constant 0 : i32
      %gather3A_1914 = arith.constant 0 : i32
      %gather3A_1915 = tpu.memref_slice %arg6[%gather3A_1910, %gather3A_1911, %gather3A_1912, %gather3A_1913, %gather3A_1914] : memref<2x16x2x8x128xf32, #tpu.memory_space<vmem>> -> memref<1x16x2x8x128xf32, #tpu.memory_space<vmem>>
      %gather3A_1916 = tpu.memref_squeeze %gather3A_1915 : memref<1x16x2x8x128xf32, #tpu.memory_space<vmem>> -> memref<16x2x8x128xf32, #tpu.memory_space<vmem>>
      %gather3A_1917 = tpu.vector_load_idx %gather3A_1916[%iota3A_1725, %broadcast_in_dim3A_1907, %broadcast_in_dim3A_1909, %and3A_1724] : memref<16x2x8x128xf32, #tpu.memory_space<vmem>>[vector<16xi32>, vector<16xi32>, vector<16xi32>, vector<16xi32>], vector<16xf32>,
      %mul3A_1918 = arith.constant 16 : i32
      %mul3A_1919 = arith.muli %add3A_1717, %mul3A_1918 : i32
      %swap3A_1920 = arith.constant 10 : i32
      %swap3A_1921 = arith.index_cast %swap3A_1920 : i32 to index
      %swap3A_1922 = arith.index_cast %mul3A_1919 : i32 to index
      %swap3A_1923 = tpu.vector_load %arg7[%swap3A_1921, %swap3A_1922] {strides = array<i32>} : memref<16x512xf32, #tpu.memory_space<vmem>>, vector<16xf32>,
      tpu.vector_store %arg7[%swap3A_1921, %swap3A_1922], %gather3A_1917 {strides = array<i32>} : memref<16x512xf32, #tpu.memory_space<vmem>>, vector<16xf32>,
      %broadcast_in_dim3A_1924 = arith.constant 1 : i32
      %broadcast_in_dim3A_1925 = vector.broadcast %broadcast_in_dim3A_1924 : i32 to vector<16xi32>
      %broadcast_in_dim3A_1926 = arith.constant 3 : i32
      %broadcast_in_dim3A_1927 = vector.broadcast %broadcast_in_dim3A_1926 : i32 to vector<16xi32>
      %gather3A_1928 = arith.constant 1 : i32
      %gather3A_1929 = arith.constant 0 : i32
      %gather3A_1930 = arith.constant 0 : i32
      %gather3A_1931 = arith.constant 0 : i32
      %gather3A_1932 = arith.constant 0 : i32
      %gather3A_1933 = tpu.memref_slice %arg6[%gather3A_1928, %gather3A_1929, %gather3A_1930, %gather3A_1931, %gather3A_1932] : memref<2x16x2x8x128xf32, #tpu.memory_space<vmem>> -> memref<1x16x2x8x128xf32, #tpu.memory_space<vmem>>
      %gather3A_1934 = tpu.memref_squeeze %gather3A_1933 : memref<1x16x2x8x128xf32, #tpu.memory_space<vmem>> -> memref<16x2x8x128xf32, #tpu.memory_space<vmem>>
      %gather3A_1935 = tpu.vector_load_idx %gather3A_1934[%iota3A_1725, %broadcast_in_dim3A_1925, %broadcast_in_dim3A_1927, %and3A_1724] : memref<16x2x8x128xf32, #tpu.memory_space<vmem>>[vector<16xi32>, vector<16xi32>, vector<16xi32>, vector<16xi32>], vector<16xf32>,
      %mul3A_1936 = arith.constant 16 : i32
      %mul3A_1937 = arith.muli %add3A_1717, %mul3A_1936 : i32
      %swap3A_1938 = arith.constant 11 : i32
      %swap3A_1939 = arith.index_cast %swap3A_1938 : i32 to index
      %swap3A_1940 = arith.index_cast %mul3A_1937 : i32 to index
      %swap3A_1941 = tpu.vector_load %arg7[%swap3A_1939, %swap3A_1940] {strides = array<i32>} : memref<16x512xf32, #tpu.memory_space<vmem>>, vector<16xf32>,
      tpu.vector_store %arg7[%swap3A_1939, %swap3A_1940], %gather3A_1935 {strides = array<i32>} : memref<16x512xf32, #tpu.memory_space<vmem>>, vector<16xf32>,
      %broadcast_in_dim3A_1942 = arith.constant 1 : i32
      %broadcast_in_dim3A_1943 = vector.broadcast %broadcast_in_dim3A_1942 : i32 to vector<16xi32>
      %broadcast_in_dim3A_1944 = arith.constant 4 : i32
      %broadcast_in_dim3A_1945 = vector.broadcast %broadcast_in_dim3A_1944 : i32 to vector<16xi32>
      %gather3A_1946 = arith.constant 1 : i32
      %gather3A_1947 = arith.constant 0 : i32
      %gather3A_1948 = arith.constant 0 : i32
      %gather3A_1949 = arith.constant 0 : i32
      %gather3A_1950 = arith.constant 0 : i32
      %gather3A_1951 = tpu.memref_slice %arg6[%gather3A_1946, %gather3A_1947, %gather3A_1948, %gather3A_1949, %gather3A_1950] : memref<2x16x2x8x128xf32, #tpu.memory_space<vmem>> -> memref<1x16x2x8x128xf32, #tpu.memory_space<vmem>>
      %gather3A_1952 = tpu.memref_squeeze %gather3A_1951 : memref<1x16x2x8x128xf32, #tpu.memory_space<vmem>> -> memref<16x2x8x128xf32, #tpu.memory_space<vmem>>
      %gather3A_1953 = tpu.vector_load_idx %gather3A_1952[%iota3A_1725, %broadcast_in_dim3A_1943, %broadcast_in_dim3A_1945, %and3A_1724] : memref<16x2x8x128xf32, #tpu.memory_space<vmem>>[vector<16xi32>, vector<16xi32>, vector<16xi32>, vector<16xi32>], vector<16xf32>,
      %mul3A_1954 = arith.constant 16 : i32
      %mul3A_1955 = arith.muli %add3A_1717, %mul3A_1954 : i32
      %swap3A_1956 = arith.constant 12 : i32
      %swap3A_1957 = arith.index_cast %swap3A_1956 : i32 to index
      %swap3A_1958 = arith.index_cast %mul3A_1955 : i32 to index
      %swap3A_1959 = tpu.vector_load %arg7[%swap3A_1957, %swap3A_1958] {strides = array<i32>} : memref<16x512xf32, #tpu.memory_space<vmem>>, vector<16xf32>,
      tpu.vector_store %arg7[%swap3A_1957, %swap3A_1958], %gather3A_1953 {strides = array<i32>} : memref<16x512xf32, #tpu.memory_space<vmem>>, vector<16xf32>,
      %broadcast_in_dim3A_1960 = arith.constant 1 : i32
      %broadcast_in_dim3A_1961 = vector.broadcast %broadcast_in_dim3A_1960 : i32 to vector<16xi32>
      %broadcast_in_dim3A_1962 = arith.constant 5 : i32
      %broadcast_in_dim3A_1963 = vector.broadcast %broadcast_in_dim3A_1962 : i32 to vector<16xi32>
      %gather3A_1964 = arith.constant 1 : i32
      %gather3A_1965 = arith.constant 0 : i32
      %gather3A_1966 = arith.constant 0 : i32
      %gather3A_1967 = arith.constant 0 : i32
      %gather3A_1968 = arith.constant 0 : i32
      %gather3A_1969 = tpu.memref_slice %arg6[%gather3A_1964, %gather3A_1965, %gather3A_1966, %gather3A_1967, %gather3A_1968] : memref<2x16x2x8x128xf32, #tpu.memory_space<vmem>> -> memref<1x16x2x8x128xf32, #tpu.memory_space<vmem>>
      %gather3A_1970 = tpu.memref_squeeze %gather3A_1969 : memref<1x16x2x8x128xf32, #tpu.memory_space<vmem>> -> memref<16x2x8x128xf32, #tpu.memory_space<vmem>>
      %gather3A_1971 = tpu.vector_load_idx %gather3A_1970[%iota3A_1725, %broadcast_in_dim3A_1961, %broadcast_in_dim3A_1963, %and3A_1724] : memref<16x2x8x128xf32, #tpu.memory_space<vmem>>[vector<16xi32>, vector<16xi32>, vector<16xi32>, vector<16xi32>], vector<16xf32>,
      %mul3A_1972 = arith.constant 16 : i32
      %mul3A_1973 = arith.muli %add3A_1717, %mul3A_1972 : i32
      %swap3A_1974 = arith.constant 13 : i32
      %swap3A_1975 = arith.index_cast %swap3A_1974 : i32 to index
      %swap3A_1976 = arith.index_cast %mul3A_1973 : i32 to index
      %swap3A_1977 = tpu.vector_load %arg7[%swap3A_1975, %swap3A_1976] {strides = array<i32>} : memref<16x512xf32, #tpu.memory_space<vmem>>, vector<16xf32>,
      tpu.vector_store %arg7[%swap3A_1975, %swap3A_1976], %gather3A_1971 {strides = array<i32>} : memref<16x512xf32, #tpu.memory_space<vmem>>, vector<16xf32>,
      %broadcast_in_dim3A_1978 = arith.constant 1 : i32
      %broadcast_in_dim3A_1979 = vector.broadcast %broadcast_in_dim3A_1978 : i32 to vector<16xi32>
      %broadcast_in_dim3A_1980 = arith.constant 6 : i32
      %broadcast_in_dim3A_1981 = vector.broadcast %broadcast_in_dim3A_1980 : i32 to vector<16xi32>
      %gather3A_1982 = arith.constant 1 : i32
      %gather3A_1983 = arith.constant 0 : i32
      %gather3A_1984 = arith.constant 0 : i32
      %gather3A_1985 = arith.constant 0 : i32
      %gather3A_1986 = arith.constant 0 : i32
      %gather3A_1987 = tpu.memref_slice %arg6[%gather3A_1982, %gather3A_1983, %gather3A_1984, %gather3A_1985, %gather3A_1986] : memref<2x16x2x8x128xf32, #tpu.memory_space<vmem>> -> memref<1x16x2x8x128xf32, #tpu.memory_space<vmem>>
      %gather3A_1988 = tpu.memref_squeeze %gather3A_1987 : memref<1x16x2x8x128xf32, #tpu.memory_space<vmem>> -> memref<16x2x8x128xf32, #tpu.memory_space<vmem>>
      %gather3A_1989 = tpu.vector_load_idx %gather3A_1988[%iota3A_1725, %broadcast_in_dim3A_1979, %broadcast_in_dim3A_1981, %and3A_1724] : memref<16x2x8x128xf32, #tpu.memory_space<vmem>>[vector<16xi32>, vector<16xi32>, vector<16xi32>, vector<16xi32>], vector<16xf32>,
      %mul3A_1990 = arith.constant 16 : i32
      %mul3A_1991 = arith.muli %add3A_1717, %mul3A_1990 : i32
      %swap3A_1992 = arith.constant 14 : i32
      %swap3A_1993 = arith.index_cast %swap3A_1992 : i32 to index
      %swap3A_1994 = arith.index_cast %mul3A_1991 : i32 to index
      %swap3A_1995 = tpu.vector_load %arg7[%swap3A_1993, %swap3A_1994] {strides = array<i32>} : memref<16x512xf32, #tpu.memory_space<vmem>>, vector<16xf32>,
      tpu.vector_store %arg7[%swap3A_1993, %swap3A_1994], %gather3A_1989 {strides = array<i32>} : memref<16x512xf32, #tpu.memory_space<vmem>>, vector<16xf32>,
      %broadcast_in_dim3A_1996 = arith.constant 1 : i32
      %broadcast_in_dim3A_1997 = vector.broadcast %broadcast_in_dim3A_1996 : i32 to vector<16xi32>
      %broadcast_in_dim3A_1998 = arith.constant 7 : i32
      %broadcast_in_dim3A_1999 = vector.broadcast %broadcast_in_dim3A_1998 : i32 to vector<16xi32>
      %gather3A_2000 = arith.constant 1 : i32
      %gather3A_2001 = arith.constant 0 : i32
      %gather3A_2002 = arith.constant 0 : i32
      %gather3A_2003 = arith.constant 0 : i32
      %gather3A_2004 = arith.constant 0 : i32
      %gather3A_2005 = tpu.memref_slice %arg6[%gather3A_2000, %gather3A_2001, %gather3A_2002, %gather3A_2003, %gather3A_2004] : memref<2x16x2x8x128xf32, #tpu.memory_space<vmem>> -> memref<1x16x2x8x128xf32, #tpu.memory_space<vmem>>
      %gather3A_2006 = tpu.memref_squeeze %gather3A_2005 : memref<1x16x2x8x128xf32, #tpu.memory_space<vmem>> -> memref<16x2x8x128xf32, #tpu.memory_space<vmem>>
      %gather3A_2007 = tpu.vector_load_idx %gather3A_2006[%iota3A_1725, %broadcast_in_dim3A_1997, %broadcast_in_dim3A_1999, %and3A_1724] : memref<16x2x8x128xf32, #tpu.memory_space<vmem>>[vector<16xi32>, vector<16xi32>, vector<16xi32>, vector<16xi32>], vector<16xf32>,
      %mul3A_2008 = arith.constant 16 : i32
      %mul3A_2009 = arith.muli %add3A_1717, %mul3A_2008 : i32
      %swap3A_2010 = arith.constant 15 : i32
      %swap3A_2011 = arith.index_cast %swap3A_2010 : i32 to index
      %swap3A_2012 = arith.index_cast %mul3A_2009 : i32 to index
      %swap3A_2013 = tpu.vector_load %arg7[%swap3A_2011, %swap3A_2012] {strides = array<i32>} : memref<16x512xf32, #tpu.memory_space<vmem>>, vector<16xf32>,
      tpu.vector_store %arg7[%swap3A_2011, %swap3A_2012], %gather3A_2007 {strides = array<i32>} : memref<16x512xf32, #tpu.memory_space<vmem>>, vector<16xf32>,
    }
    %scan3A_388 = arith.constant 16 : i32
    "tpu.region"() ({
      %run_scoped3A = tpu.sem_alloc : memref<!tpu.dma_semaphore, #tpu.memory_space<semaphore_mem>>
      %dma_start3A_389 = arith.constant 0 : i32
      %dma_start3A_390 = tpu.memref_slice %arg4[%dma_start3A_389, %mul3A_2] : memref<16x16384xf32, #tpu.memory_space<hbm>> -> memref<16x512xf32, #tpu.memory_space<hbm>>
      %dma_start3A_391 = arith.constant 0 : i32
      %dma_start3A_392 = tpu.memref_slice %arg4[%dma_start3A_391, %mul3A_2] : memref<16x16384xf32, #tpu.memory_space<hbm>> -> memref<16x512xf32, #tpu.memory_space<hbm>>
      tpu.enqueue_dma source(%arg7 : memref<16x512xf32, #tpu.memory_space<vmem>>) target(%dma_start3A_392 : memref<16x512xf32, #tpu.memory_space<hbm>>) target_semaphore(%run_scoped3A : memref<!tpu.dma_semaphore, #tpu.memory_space<semaphore_mem>>)
      %dma_wait3A = arith.constant 0 : i32
      %dma_wait3A_393 = tpu.memref_slice %arg4[%dma_wait3A, %mul3A_2] : memref<16x16384xf32, #tpu.memory_space<hbm>> -> memref<16x512xf32, #tpu.memory_space<hbm>>
      %dma_wait3A_394 = arith.constant 0 : i32
      %dma_wait3A_395 = tpu.memref_slice %arg4[%dma_wait3A_394, %mul3A_2] : memref<16x16384xf32, #tpu.memory_space<hbm>> -> memref<16x512xf32, #tpu.memory_space<hbm>>
      tpu.wait_dma2 semaphore(%run_scoped3A : memref<!tpu.dma_semaphore, #tpu.memory_space<semaphore_mem>>) src(%arg7 : memref<16x512xf32, #tpu.memory_space<vmem>>) dst(%dma_wait3A_395 : memref<16x512xf32, #tpu.memory_space<hbm>>)
      tpu.yield
    }) : () -> ()
    return
  }
}

</mosaic_0001>

<sc_bundles>
// kernel: kernel.3.cloned.1.call-start
scs
__scs_entry_jumppad:
0x0: {  	(pc) =	sbr.rel $0x88, $3  }
0x1: {  	(tag) =	ssettag $0x0;
	lr =	simm.s32 $0x1  }
0x2: {  	[smem:$0x3F9F] =	sst lr;
	_ =	strace $0xD0000000  }
0x3: {  	_ = 	snop  }
0x4: {  	_ = 	snop  }
0x5: {  	_ = 	snop  }
0x6: {  	_ = 	snop  }
0x7: {  	_ = 	snop  }
__scs_overlays_trampoline_lowered:
0x8: {  	[smem:$0x3FAE] =	sst s0  }
0x9: {  	[smem:$0x3FAF] =	sst s1  }
0xa: {  	[smem:$0x3FB0] =	sst s2  }
0xb: {  	[smem:$0x3FB1] =	sst s3  }
0xc: {  	[smem:$0x3FB2] =	sst s4  }
0xd: {  	[smem:$0x3FB3] =	sst s5  }
0xe: {  	[smem:$0x3FB4] =	sst s6  }
0xf: {  	[smem:$0x3FB5] =	sst s7  }
0x10: {  	[smem:$0x3FB6] =	sst s8  }
0x11: {  	[smem:$0x3FB7] =	sst s9;
	s0 =	simm.s32 @!p0 $0x0  }
0x12: {  	s1 =	sld [smem:$0x3F9D];
	s0 =	simm.s32 @p0 $0x1  }
0x13: {  	[smem:$0x3FB8] =	sst s0;
	s0 =	simm.s32 @!p1 $0x0  }
0x14: {  	s2 =	sld [smem:$0x3F9C];
	s0 =	simm.s32 @p1 $0x1  }
0x15: {  	[smem:$0x3FB9] =	sst s0;
	s0 =	simm.s32 @!p2 $0x0  }
0x16: {  	s3 =	sld [smem:$0x3FDB];
	s0 =	simm.s32 @p2 $0x1  }
0x17: {  	s4 =	simm.s32 $0x1BF5;
	[smem:$0x3FBB] =	sst s0  }
0x18: {  	s0 =	sld [smem:$0x3F9E];
	_ =	swait.ge [sflag:s4], $0x0  }
0x19: {  	s7 =	sld [smem:$0x3F9F]  }
0x1a: {  	s8 =	sadd.s32 $0xFFFFE003, lr  }
0x1b: {  	s9 =	sadd.s32 $0xFFFFFEF7, lr;
	s5 =	simm.s32 $0xFFFFFFFF;
	p2 =	slt.u32 s8, $0xFFFFF086  }
0x1c: {  	p1 =	slt.u32 s9, $0xF7A;
	s5 =	simm.s32 @!p2 $0x0  }
0x1d: {  	s5 =	simm.s32 @p1 $0x1;
	p0 =	seq.s32 s7, s2  }
0x1e: {  	s7 =	smul.u32 @!p0 $0xF7A, s2;
	p2 =	seq.s32 @!p0 s5, $0x0  }
0x1f: {  	s9 =	smul.u32 $0xF7A, s1;
	s8 =	simm.s32 @!p0 $0x1BF5;
	p2 =	por !p2, p0  }
0x20: {  	[sflag:s8] =	ssyncset.s32 @!p0 $0xFFFFF086;
	s6 =	sadd.s32 @!p0 s3, s7;
	s7 =	simm.s32 @!p0 $0x108  }
0x21: {  	s3 =	sadd.s32 s3, s9;
	s6 =	sadd.s32 @!p0 $0x88, s6;
	s7 =	simm.s32 @p2 $0x1082  }
0x22: {  	[simem:s7], [sflag:s8] =	dma.local @!p0 [hbm:s6], $0xF7A  }
0x23: {  	s9 =	sor.u32 $0xD0000000, s2;
	s6 =	simm.s32 $0x108;
	_ =	swait.ge @!p0 [sflag:s8], $0x0  }
0x24: {  	s3 =	sadd.s32 $0x88, s3;
	s6 =	simm.s32 @!p1 $0x1082;
	[sflag:s4] =	ssyncset.s32 $0xFFFFF086  }
0x25: {  	[simem:s6], [sflag:s4] =	dma.local [hbm:s3], $0xF7A  }
0x26: {  	[smem:$0x3F9F] =	sst s1;
	(tag) =	ssettag s2;
	_ =	strace s9  }
0x27: {  	s1 =	sld [smem:$0x3FAF]  }
0x28: {  	s2 =	sld [smem:$0x3FB0]  }
0x29: {  	s4 =	sld [smem:$0x3FB2]  }
0x2a: {  	p0 =	seq.s32 s5, $0x0;
	s5 =	sld [smem:$0x3FB3]  }
0x2b: {  	s6 =	sld [smem:$0x3FB4]  }
0x2c: {  	s7 =	sld [smem:$0x3FB5]  }
0x2d: {  	s3 =	simm.s32 $0x108;
	s8 =	sld [smem:$0x3FB6]  }
0x2e: {  	s3 =	simm.s32 @!p0 $0x1082;
	s9 =	sld [smem:$0x3FB7]  }
0x2f: {  	lr =	sadd.s32 s0, s3;
	s0 =	sld [smem:$0x3FAE]  }
0x30: {  	s3 =	sld [smem:$0x3FB1]  }
0x31: {  	[smem:$0x3FBA] =	sst s10  }
0x32: {  	s10 =	sld [smem:$0x3FB8];
	_ =	sdelay $0x3  }
0x33: {  	p0 =	seq.s32 s10, $0x1;
	s10 =	sld [smem:$0x3FBA];
	_ =	sdelay $0x3  }
0x34: {  	[smem:$0x3FBA] =	sst s10  }
0x35: {  	s10 =	sld [smem:$0x3FB9];
	_ =	sdelay $0x3  }
0x36: {  	p1 =	seq.s32 s10, $0x1;
	s10 =	sld [smem:$0x3FBA];
	_ =	sdelay $0x3  }
0x37: {  	[smem:$0x3FBA] =	sst s10  }
0x38: {  	s10 =	sld [smem:$0x3FBB]  }
0x39: {  	_ = 	snop;
	(pc) =	sbr.ind lr, $3  }
0x3a: {  	_ = 	snop  }
0x3b: {  	_ = 	snop  }
0x3c: {  	p2 =	seq.s32 s10, $0x1;
	s10 =	sld [smem:$0x3FBA]  }
0x3d: {  	_ =	shalt  }
0x3e: {  	_ =	shalt  }
0x3f: {  	_ =	shalt  }
0x40: {  	_ =	shalt  }
0x41: {  	_ =	shalt  }
0x42: {  	_ =	shalt  }
0x43: {  	_ =	shalt  }
0x44: {  	_ =	shalt  }
0x45: {  	_ =	shalt  }
0x46: {  	_ =	shalt  }
0x47: {  	_ =	shalt  }
0x48: {  	_ =	shalt  }
0x49: {  	_ =	shalt  }
0x4a: {  	_ =	shalt  }
0x4b: {  	_ =	shalt  }
0x4c: {  	_ =	shalt  }
0x4d: {  	_ =	shalt  }
0x4e: {  	_ =	shalt  }
0x4f: {  	_ =	shalt  }
0x50: {  	_ =	shalt  }
0x51: {  	_ =	shalt  }
0x52: {  	_ =	shalt  }
0x53: {  	_ =	shalt  }
0x54: {  	_ =	shalt  }
0x55: {  	_ =	shalt  }
0x56: {  	_ =	shalt  }
0x57: {  	_ =	shalt  }
0x58: {  	_ =	shalt  }
0x59: {  	_ =	shalt  }
0x5a: {  	_ =	shalt  }
0x5b: {  	_ =	shalt  }
0x5c: {  	_ =	shalt  }
0x5d: {  	_ =	shalt  }
0x5e: {  	_ =	shalt  }
0x5f: {  	_ =	shalt  }
0x60: {  	_ =	shalt  }
0x61: {  	_ =	shalt  }
0x62: {  	_ =	shalt  }
0x63: {  	_ =	shalt  }
0x64: {  	_ =	shalt  }
0x65: {  	_ =	shalt  }
0x66: {  	_ =	shalt  }
0x67: {  	_ =	shalt  }
0x68: {  	_ =	shalt  }
0x69: {  	_ =	shalt  }
0x6a: {  	_ =	shalt  }
0x6b: {  	_ =	shalt  }
0x6c: {  	_ =	shalt  }
0x6d: {  	_ =	shalt  }
0x6e: {  	_ =	shalt  }
0x6f: {  	_ =	shalt  }
0x70: {  	_ =	shalt  }
0x71: {  	_ =	shalt  }
0x72: {  	_ =	shalt  }
0x73: {  	_ =	shalt  }
0x74: {  	_ =	shalt  }
0x75: {  	_ =	shalt  }
0x76: {  	_ =	shalt  }
0x77: {  	_ =	shalt  }
0x78: {  	_ =	shalt  }
0x79: {  	_ =	shalt  }
0x7a: {  	_ =	shalt  }
0x7b: {  	_ =	shalt  }
0x7c: {  	_ =	shalt  }
0x7d: {  	_ =	shalt  }
0x7e: {  	_ =	shalt  }
0x7f: {  	_ =	shalt  }
0x80: {  	_ =	shalt  }
0x81: {  	_ =	shalt  }
0x82: {  	_ =	shalt  }
0x83: {  	_ =	shalt  }
0x84: {  	_ =	shalt  }
0x85: {  	_ =	shalt  }
0x86: {  	_ =	shalt  }
0x87: {  	_ =	shalt  }
.Lfunc_end0:
.L_simem_size_0:
called_computation_lowered:
.L_overlay_start_0:
0x88: {  	s2 =	sld [smem:$0x3FD9]  }
0x89: {  	s3 =	sld [smem:$0x3FFE];
	_ =	sdelay $0x1  }
0x8a: {  	s1 =	srdreg.scid  }
0x8b: {  	s0 =	sand.u32 $0x1, s1  }
0x8c: {  	s18 =	sshll.u32 s0, $0xA;
	s2 =	sadd.s32 s3, s2  }
0x8d: {  	s2 =	sadd.s32 s2, s18  }
0x8e: {  	[smem:$0x3FC6] =	sst s2  }
0x8f: {  	_ = 	snop  }
0x90: {  	s2 =	sld [smem:$0x3FC9]  }
0x91: {  	s19 =	sld [smem:$0x3FC8]  }
0x92: {  	s4 =	sld [smem:$0x3FD0];
	(tm) =	ssettm $0x1  }
0x93: {  	s5 =	sld [smem:$0x3FFB];
	_ =	sdelay $0x3  }
0x94: {  	_ =	strace s5  }
0x95: {  	s5 =	sld [smem:$0x3FFC];
	_ =	sdelay $0x3  }
0x96: {  	_ =	strace s5  }
0x97: {  	s5 =	sld [smem:$0x3FFD];
	_ =	sdelay $0x3  }
0x98: {  	_ =	strace s5  }
0x99: {  	_ =	strace $0x8FFFFFFF  }
0x9a: {  	s20 =	sld [smem:$0x3FDB];
	_ =	sdelay $0x1  }
0x9b: {  	s6 =	simm.s32 $_scs_section_size  }
0x9c: {  	s7 =	simm.s32 $_size__tile_overlayer_lowered;
	s8 =	simm.s32 $_tile_overlayer_lowered  }
0x9d: {  	s23 =	simm.s32 $0x1BFF;
	s22 =	sshll.u32 s8, $0x1;
	s5 =	sadd.s32 s6, s20  }
0x9e: {  	s9 =	simm.s32 $0x0;
	s21 =	sshll.u32 s7, $0x1;
	s7 =	sadd.s32 s22, s5  }
0x9f: {  	[timem:s9], [sflag:s23] =	dma.local [hbm:s7], s21  }
0xa0: {  	_ =	swait.ge [sflag:s23], s21  }
0xa1: {  	s6 =	ssub.s32 $0x0, s21;
	[sflag:s23] =	ssyncset.done $0x0  }
0xa2: {  	[sflag:s23] =	ssyncadd.s32 s6;
	_ =	sdelay $0x1  }
0xa3: {  	s24 =	simm.s32 $0x1B8B  }
0xa4: {  	_ =	swait.ge [sflag:s24], $0x1  }
0xa5: {  	[sflag:s24] =	ssyncset.done $0x0  }
0xa6: {  	s25 =	simm.s32 $0x1B8E;
	[sflag:s24] =	ssyncadd.s32 $0xFFFFFFFF  }
0xa7: {  	s26 =	simm.s32 $execute0_lowered;
	[smem:$0x3FD2] =	sst s25  }
0xa8: {  	s6 =	sshll.u32 s26, $0x1;
	_ =	strace $0x80000046;
	[dreg:$0x1] =	wrdreg $0xFFFFFFFF  }
0xa9: {  	s28 =	simm.s32 $_size_execute0_lowered;
	s5 =	sadd.s32 s5, s6;
	[dreg:$0x0] =	wrdreg $0x0  }
0xaa: {  	s6 =	sshll.u32 s28, $0x1;
	[dreg:$0x2] =	wrdreg s5  }
0xab: {  	[dreg:$0x3] =	wrdreg s6  }
0xac: {  	[dreg:$0x4] =	wrdreg $0xC0  }
0xad: {  	_ =	task [dreg:s9], $0x5FFFF  }
0xae: {  	[dreg:$0x1] =	wrdreg $0xFFFFFFFF  }
0xaf: {  	[dreg:$0x0] =	wrdreg $0x60  }
0xb0: {  	[dreg:$0x2] =	wrdreg s2  }
0xb1: {  	[dreg:$0x3] =	wrdreg s19  }
0xb2: {  	[dreg:$0x4] =	wrdreg s4  }
0xb3: {  	[dreg:$0x5] =	wrdreg $0x9  }
0xb4: {  	_ =	task.clear_ibuf [dreg:s9], $0x6FFFF;
	_ =	strace $0x90000046  }
0xb5: {  	s29 =	simm.s32 $0x9;
	_ =	strace $0x80000048  }
0xb6: {  	_ =	swait.ge [sflag:s29], $0x1  }
0xb7: {  	[sflag:s29] =	ssyncadd.s32 $0xFFFFFFFF  }
0xb8: {  	_ =	strace $0x90000048  }
0xb9: {  	_ =	sfence  }
0xba: {  	s30 =	sld [smem:$0x0];
	_ =	sdelay $0x2  }
0xbb: {  	s31 =	sshll.u32 s1, $0xD;
	s1 =	sshrl.u32 s1, $0x2  }
0xbc: {  	s3 =	sand.u32 $0x4000, s31;
	s1 =	sadd.s32 s1, s30  }
0xbd: {  	s0 =	sor.u32 s3, s0;
	s1 =	sshll.u32 s1, $0x11  }
0xbe: {  	s0 =	sor.u32 s1, s0  }
0xbf: {  	s0 =	sadd.s32 $0x8F2B, s0  }
0xc0: {  	[sflag:s0] =	ssyncadd.remote.s32 $0x1  }
0xc1: {  	_ =	sfence.sel $0xFFFF  }
0xc2: {  	[dreg:$0x0] =	wrdreg $0xFFFFFFFF;
	(pc) =	sbr.abs _section_cstart, $3  }
0xc3: {  	[dreg:$0x1] =	wrdreg $0xFFFFFFFF  }
0xc4: {  	_ =	task.clear_ibuf [dreg:s9], $0x2FFFF;
	_ =	strace $0x9FFFFFFF  }
0xc5: {  	(tm) =	ssettm $0x7FFFFFFF  }
tec
execute0_lowered:
.L_overlay_start_1:
0x0: {  	(tag) =	ssettag $0x1  }
0x1: {  	s0 =	rddreg [dreg:$0x0]  }
0x2: {  	s2 =	rddreg [dreg:$0x1]  }
0x3: {  	s1 =	rddreg [dreg:$0x2];
	s3 =	srdreg.scid  }
0x4: {  	s4 =	stileid.u32;
	s6 =	simm.s32 $0x0;
	s8 =	simm.s32 $0x400  }
0x5: {  	s9 =	simm.s32 $0x7A1400;
	s10 =	simm.s32 $0x200;
	s26 =	simm.s32 $0x8200  }
0x6: {  	s7 =	simm.s32 $0xDA00;
	s11 =	simm.s32 $0xE200;
	s12 =	simm.s32 $0xEA00  }
0x7: {  	v0 =	vlaneseq.u32;
	s13 =	simm.s32 $0xF200;
	s14 =	simm.s32 $0xFA00;
	s15 =	simm.s32 $0x1  }
0x8: {  	s16 =	simm.s32 $0x2;
	s3 =	sand.u32 $0x1, s3;
	s4 =	sshll.u32 s4, $0xA;
	v0 =	vmul.u32 $0x800, v0  }
0x9: {  	[smem:$0x7FF] =	sst s6;
	s5 =	sshll.u32 s3, $0x9;
	s3 =	ssub.s32 $0x2, s3  }
.Ltmp0:
0xa: {  	_ =	strace $0x80000047;
	s4 =	sor.u32 s5, s4;
	v1 =	vor.u32 $0x80, v0;
	v2 =	vor.u32 $0x100, v0;
	v3 =	vor.u32 $0x180, v0;
	(pc) =	sbr.rel .LBB2_1-.Ltmp0, $4  }
0xb: {  	s28 =	sshrl.u32 s3, $0x1;
	v4 =	vor.u32 $0x200, v0;
	v5 =	vor.u32 $0x280, v0;
	v6 =	vor.u32 $0x300, v0;
	s29 =	sshrl.u32 s4, $0x3;
	s30 =	sadd.s32 s1, s4  }
0xc: {  	v7 =	vor.u32 $0x380, v0;
	v8 =	vor.u32 $0x400, v0;
	v9 =	vor.u32 $0x480, v0;
	s3 =	ssub.s32 s3, s28;
	s0 =	sadd.s32 s0, s29;
	[dreg:$0x5] =	wrdreg s30  }
0xd: {  	s6 =	simm.s32 $0xD200;
	v10 =	vor.u32 $0x500, v0;
	v11 =	vor.u32 $0x580, v0;
	v12 =	vor.u32 $0x600, v0;
	s31 =	smax.u32 s3, $0x1;
	[dreg:$0x4] =	wrdreg s0  }
0xe: {  	v13 =	vor.u32 $0x680, v0;
	v14 =	vor.u32 $0x700, v0;
	v15 =	vor.u32 $0x780, v0;
	s1 =	simm.s32 $0x0;
	s3 =	simm.s32 $0x3;
	[dreg:$0x6] =	wrdreg s31  }
.LBB2_5:
0xf: {  	s0 =	rddreg [dreg:$0x5]  }
0x10: {  	s1 =	simm.s32 $0x1000;
	s3 =	simm.s32 $0x20000;
	s4 =	simm.s32 $0x10200  }
0x11: {  	[hbm4b:s0+s1] =	stream.strided.scatter [tilespmem:s4], [sflag:$0x3], $0x2000, s3, s1, $0x38;
	[tilespmem:$0x12200] =	vst v63  }
0x12: {  	s3 =	simm.s32 $0x3  }
0x13: {  	_ =	swait.ge [sflag:s3], $0x2000  }
0x14: {  	s30 =	rddreg [dreg:$0x7]  }
0x15: {  	s31 =	rddreg [dreg:$0x6];
	s1 =	sadd.s32 $0x1, s30  }
0x16: {  	p0 =	sne.s32 s1, s31  }
.Ltmp1:
0x17: {  	_ = 	snop;
	(pc) =	sbr.rel @!p0 .LBB2_6-.Ltmp1, $3  }
0x18: {  	_ =	sdelay $0x1  }
0x19: {  	[sflag:s3] =	ssyncset.done $0x0  }
0x1a: {  	[sflag:s3] =	ssyncadd.s32 $0xFFFFE000  }
.LBB2_1:
0x1b: {  	[dreg:$0x7] =	wrdreg s1  }
0x1c: {  	s0 =	simm.s32 $0x0;
	s28 =	rddreg [dreg:$0x4]  }
0x1d: {  	[tilespmem:s0], [sflag:$0x3] =	stream.linear.gather [hbm4b:s28+s0], $0x200, $0x38;
	[tilespmem:$0x12200] =	vst v63  }
0x1e: {  	_ =	swait.ge [sflag:s3], $0x200  }
0x1f: {  	[sflag:s3] =	ssyncset.done $0x0  }
0x20: {  	[sflag:s3] =	ssyncadd.s32 $0xFFFFFE00  }
0x21: {  	v16 =	vld [tilespmem:$0x0];
	_ =	sdelay $0x4  }
0x22: {  	(v2sf) =	vpush v16, $0x0  }
0x23: {  	(v2sf) =	vpush v16, $0x1;
	_ =	sdelay $0x5  }
0x24: {  	(v2sf) =	vpush v16, $0x2;
	_ =	sdelay $0x1  }
0x25: {  	(v2sf) =	vpush v16, $0x3;
	_ =	sdelay $0x5  }
0x26: {  	s29 =	spop (v2sf);
	(v2sf) =	vpush v16, $0x4  }
0x27: {  	s30 =	spop (v2sf);
	(v2sf) =	vpush v16, $0x5;
	_ =	sdelay $0x4  }
0x28: {  	s0 =	sand.u32 $0xFFFFF80, s29  }
0x29: {  	s0 =	sadd.s32 s2, s0;
	s3 =	spop (v2sf);
	(v2sf) =	vpush v16, $0x6  }
0x2a: {  	[tilespmem:s10], [sflag:$0x1] =	stream.strided.gather [hbm4b:s0+s8], $0x800, s9, s8, $0x38;
	[tilespmem:$0x12200] =	vst v63  }
0x2b: {  	s0 =	sand.u32 $0xFFFFF80, s30;
	s5 =	spop (v2sf);
	(v2sf) =	vpush v16, $0x7  }
0x2c: {  	s31 =	simm.s32 $0xA00;
	s0 =	sadd.s32 s2, s0  }
0x2d: {  	[tilespmem:s31], [sflag:$0x1] =	stream.strided.gather [hbm4b:s0+s8], $0x800, s9, s8, $0x38;
	[tilespmem:$0x12200] =	vst v63  }
0x2e: {  	s0 =	sand.u32 $0xFFFFF80, s3  }
0x2f: {  	s4 =	simm.s32 $0x1200;
	s0 =	sadd.s32 s2, s0  }
0x30: {  	[tilespmem:s4], [sflag:$0x1] =	stream.strided.gather [hbm4b:s0+s8], $0x800, s9, s8, $0x38;
	[tilespmem:$0x12200] =	vst v63  }
0x31: {  	s0 =	sand.u32 $0xFFFFF80, s5;
	s18 =	spop (v2sf);
	(v2sf) =	vpush v16, $0x8  }
0x32: {  	s17 =	simm.s32 $0x1A00;
	s0 =	sadd.s32 s2, s0;
	s20 =	spop (v2sf);
	(v2sf) =	vpush v16, $0x9  }
0x33: {  	[tilespmem:s17], [sflag:$0x1] =	stream.strided.gather [hbm4b:s0+s8], $0x800, s9, s8, $0x38;
	[tilespmem:$0x12200] =	vst v63  }
0x34: {  	s0 =	sand.u32 $0xFFFFF80, s18;
	(v2sf) =	vpush v16, $0xA  }
0x35: {  	s19 =	simm.s32 $0x2200;
	s0 =	sadd.s32 s2, s0  }
0x36: {  	[tilespmem:s19], [sflag:$0x1] =	stream.strided.gather [hbm4b:s0+s8], $0x800, s9, s8, $0x38;
	[tilespmem:$0x12200] =	vst v63  }
0x37: {  	s0 =	sand.u32 $0xFFFFF80, s20  }
0x38: {  	s21 =	simm.s32 $0x2A00;
	s22 =	spop (v2sf);
	s0 =	sadd.s32 s2, s0  }
0x39: {  	(v2sf) =	vpush v16, $0xB;
	[tilespmem:s21], [sflag:$0x1] =	stream.strided.gather [hbm4b:s0+s8], $0x800, s9, s8, $0x38;
	[tilespmem:$0x12200] =	vst v63  }
0x3a: {  	s24 =	spop (v2sf);
	(v2sf) =	vpush v16, $0xC;
	s0 =	sand.u32 $0xFFFFF80, s22  }
0x3b: {  	s23 =	simm.s32 $0x3200;
	s0 =	sadd.s32 s2, s0  }
0x3c: {  	[tilespmem:s23], [sflag:$0x1] =	stream.strided.gather [hbm4b:s0+s8], $0x800, s9, s8, $0x38;
	[tilespmem:$0x12200] =	vst v63  }
0x3d: {  	s0 =	sand.u32 $0xFFFFF80, s24  }
0x3e: {  	s25 =	simm.s32 $0x3A00;
	s0 =	sadd.s32 s2, s0  }
0x3f: {  	[tilespmem:s25], [sflag:$0x1] =	stream.strided.gather [hbm4b:s0+s8], $0x800, s9, s8, $0x38;
	[tilespmem:$0x12200] =	vst v63  }
0x40: {  	s28 =	spop (v2sf);
	(v2sf) =	vpush v16, $0xD  }
0x41: {  	s30 =	spop (v2sf);
	(v2sf) =	vpush v16, $0xE  }
0x42: {  	s0 =	sand.u32 $0xFFFFF80, s28  }
0x43: {  	s29 =	simm.s32 $0x4200;
	s0 =	sadd.s32 s2, s0;
	s3 =	spop (v2sf)  }
0x44: {  	(v2sf) =	vpush v16, $0xF;
	[tilespmem:s29], [sflag:$0x1] =	stream.strided.gather [hbm4b:s0+s8], $0x800, s9, s8, $0x38;
	[tilespmem:$0x12200] =	vst v63  }
0x45: {  	s0 =	sand.u32 $0xFFFFF80, s30  }
0x46: {  	s31 =	simm.s32 $0x4A00;
	s0 =	sadd.s32 s2, s0  }
0x47: {  	[tilespmem:s31], [sflag:$0x1] =	stream.strided.gather [hbm4b:s0+s8], $0x800, s9, s8, $0x38;
	[tilespmem:$0x12200] =	vst v63  }
0x48: {  	s5 =	simm.s32 $0x5200;
	s4 =	spop (v2sf);
	s0 =	sand.u32 $0xFFFFF80, s3  }
0x49: {  	s17 =	sand.u32 $0xFFFFF80, s4;
	s18 =	spop (v2sf);
	s0 =	sadd.s32 s2, s0  }
0x4a: {  	[tilespmem:s5], [sflag:$0x1] =	stream.strided.gather [hbm4b:s0+s8], $0x800, s9, s8, $0x38;
	[tilespmem:$0x12200] =	vst v63  }
0x4b: {  	s19 =	simm.s32 $0x5A00;
	s20 =	sand.u32 $0xFFFFF80, s18;
	s0 =	sadd.s32 s2, s17  }
0x4c: {  	[tilespmem:s19], [sflag:$0x1] =	stream.strided.gather [hbm4b:s0+s8], $0x800, s9, s8, $0x38;
	[tilespmem:$0x12200] =	vst v63  }
0x4d: {  	s22 =	simm.s32 $0x6200;
	s0 =	sadd.s32 s2, s20  }
0x4e: {  	[tilespmem:s22], [sflag:$0x1] =	stream.strided.gather [hbm4b:s0+s8], $0x800, s9, s8, $0x38;
	[tilespmem:$0x12200] =	vst v63  }
0x4f: {  	s25 =	simm.s32 $0x6A00;
	s21 =	spop (v2sf)  }
0x50: {  	s29 =	simm.s32 $0x7200;
	s23 =	sand.u32 $0xFFFFF80, s21;
	s24 =	spop (v2sf)  }
0x51: {  	s31 =	simm.s32 $0x7A00;
	s0 =	sadd.s32 s2, s23;
	s28 =	sand.u32 $0xFFFFF80, s24  }
0x52: {  	[tilespmem:s25], [sflag:$0x1] =	stream.strided.gather [hbm4b:s0+s8], $0x800, s9, s8, $0x38;
	[tilespmem:$0x12200] =	vst v63  }
.Ltmp2:
0x53: {  	s30 =	spop (v2sf);
	s0 =	sadd.s32 s2, s28;
	(pc) =	sbr.rel .LBB2_2-.Ltmp2, $4  }
0x54: {  	[tilespmem:s29], [sflag:$0x1] =	stream.strided.gather [hbm4b:s0+s8], $0x800, s9, s8, $0x38;
	[tilespmem:$0x12200] =	vst v63  }
0x55: {  	s18 =	simm.s32 $0x0;
	s17 =	simm.s32 $0x20;
	s0 =	sand.u32 $0xFFFFF80, s30  }
0x56: {  	s19 =	simm.s32 $0x0;
	s20 =	simm.s32 $0x0;
	s0 =	sadd.s32 s2, s0  }
0x57: {  	[tilespmem:s31], [sflag:$0x1] =	stream.strided.gather [hbm4b:s0+s8], $0x800, s9, s8, $0x38;
	[tilespmem:$0x12200] =	vst v63  }
.LBB2_4:
0x58: {  	_ =	swait.ge [sflag:s16], $0x800  }
0x59: {  	[sflag:s16] =	ssyncset.done $0x0  }
0x5a: {  	[sflag:s16] =	ssyncadd.s32 $0xFFFFF800  }
0x5b: {  	_ =	swait.ge [sflag:s16], $0x800  }
0x5c: {  	[sflag:s16] =	ssyncset.done $0x0  }
0x5d: {  	[sflag:s16] =	ssyncadd.s32 $0xFFFFF800  }
0x5e: {  	_ =	swait.ge [sflag:s16], $0x800  }
0x5f: {  	[sflag:s16] =	ssyncset.done $0x0  }
0x60: {  	[sflag:s16] =	ssyncadd.s32 $0xFFFFF800  }
0x61: {  	_ =	swait.ge [sflag:s16], $0x800  }
0x62: {  	[sflag:s16] =	ssyncset.done $0x0  }
0x63: {  	[sflag:s16] =	ssyncadd.s32 $0xFFFFF800  }
0x64: {  	_ =	swait.ge [sflag:s16], $0x800  }
0x65: {  	[sflag:s16] =	ssyncset.done $0x0  }
0x66: {  	[sflag:s16] =	ssyncadd.s32 $0xFFFFF800  }
0x67: {  	_ =	swait.ge [sflag:s16], $0x800  }
0x68: {  	[sflag:s16] =	ssyncset.done $0x0  }
0x69: {  	[sflag:s16] =	ssyncadd.s32 $0xFFFFF800  }
0x6a: {  	_ =	swait.ge [sflag:s16], $0x800  }
0x6b: {  	[sflag:s16] =	ssyncset.done $0x0  }
0x6c: {  	[sflag:s16] =	ssyncadd.s32 $0xFFFFF800  }
0x6d: {  	_ =	swait.ge [sflag:s16], $0x800  }
0x6e: {  	[sflag:s16] =	ssyncset.done $0x0  }
0x6f: {  	[sflag:s16] =	ssyncadd.s32 $0xFFFFF800  }
0x70: {  	_ =	swait.ge [sflag:s16], $0x800  }
0x71: {  	[sflag:s16] =	ssyncset.done $0x0  }
0x72: {  	[sflag:s16] =	ssyncadd.s32 $0xFFFFF800  }
0x73: {  	_ =	swait.ge [sflag:s16], $0x800  }
0x74: {  	[sflag:s16] =	ssyncset.done $0x0  }
0x75: {  	[sflag:s16] =	ssyncadd.s32 $0xFFFFF800  }
0x76: {  	_ =	swait.ge [sflag:s16], $0x800  }
0x77: {  	[sflag:s16] =	ssyncset.done $0x0  }
0x78: {  	[sflag:s16] =	ssyncadd.s32 $0xFFFFF800  }
0x79: {  	_ =	swait.ge [sflag:s16], $0x800  }
0x7a: {  	[sflag:s16] =	ssyncset.done $0x0  }
0x7b: {  	[sflag:s16] =	ssyncadd.s32 $0xFFFFF800  }
0x7c: {  	_ =	swait.ge [sflag:s16], $0x800  }
0x7d: {  	[sflag:s16] =	ssyncset.done $0x0  }
0x7e: {  	[sflag:s16] =	ssyncadd.s32 $0xFFFFF800  }
0x7f: {  	_ =	swait.ge [sflag:s16], $0x800  }
0x80: {  	[sflag:s16] =	ssyncset.done $0x0  }
0x81: {  	[sflag:s16] =	ssyncadd.s32 $0xFFFFF800  }
0x82: {  	_ =	swait.ge [sflag:s16], $0x800  }
0x83: {  	[sflag:s16] =	ssyncset.done $0x0  }
0x84: {  	[sflag:s16] =	ssyncadd.s32 $0xFFFFF800  }
0x85: {  	_ =	swait.ge [sflag:s16], $0x800  }
0x86: {  	[sflag:s16] =	ssyncset.done $0x0  }
0x87: {  	[sflag:s16] =	ssyncadd.s32 $0xFFFFF800  }
0x88: {  	v16 =	vld [tilespmem:s22+$0x0];
	_ =	sdelay $0x4  }
0x89: {  	v16 =	vand.u32 $0x7F, v16  }
0x8a: {  	v17 =	vor.u32 v0, v16;
	_ =	sdelay $0x4  }
0x8b: {  	v17 =	vld.idx.msk [tilespmem:v17+s26+$0x0], $0xffff  }
0x8c: {  	v18 =	vor.u32 v1, v16;
	_ =	sdelay $0x2  }
0x8d: {  	s5 =	sadd.s32 s21, s23  }
0x8e: {  	[tilespmem:s5+$0x0] =	vst v17  }
0x8f: {  	v17 =	vld.idx.msk [tilespmem:v18+s26+$0x0], $0xffff  }
0x90: {  	v51 =	vor.u32 v2, v16;
	_ =	sdelay $0x3  }
0x91: {  	[tilespmem:s5+$0x80] =	vst v17  }
0x92: {  	v17 =	vld.idx.msk [tilespmem:v51+s26+$0x0], $0xffff  }
0x93: {  	v52 =	vor.u32 v3, v16;
	_ =	sdelay $0x3  }
0x94: {  	[tilespmem:s5+$0x100] =	vst v17  }
0x95: {  	v17 =	vld.idx.msk [tilespmem:v52+s26+$0x0], $0xffff  }
0x96: {  	v53 =	vor.u32 v4, v16;
	_ =	sdelay $0x3  }
0x97: {  	[tilespmem:s5+$0x180] =	vst v17  }
0x98: {  	v17 =	vld.idx.msk [tilespmem:v53+s26+$0x0], $0xffff  }
0x99: {  	v54 =	vor.u32 v5, v16;
	_ =	sdelay $0x3  }
0x9a: {  	[tilespmem:s5+$0x200] =	vst v17  }
0x9b: {  	v17 =	vld.idx.msk [tilespmem:v54+s26+$0x0], $0xffff  }
0x9c: {  	v55 =	vor.u32 v6, v16;
	_ =	sdelay $0x3  }
0x9d: {  	[tilespmem:s5+$0x280] =	vst v17  }
0x9e: {  	v17 =	vld.idx.msk [tilespmem:v55+s26+$0x0], $0xffff  }
0x9f: {  	v56 =	vor.u32 v7, v16;
	_ =	sdelay $0x1  }
0xa0: {  	s24 =	sadd.s32 $0x10, s25  }
0xa1: {  	s25 =	sor.u32 $0x300, s24  }
0xa2: {  	[tilespmem:s25+$0x10200] =	vst v17  }
0xa3: {  	v17 =	vld.idx.msk [tilespmem:v56+s26+$0x0], $0xffff  }
0xa4: {  	v57 =	vor.u32 v8, v16;
	_ =	sdelay $0x2  }
0xa5: {  	s5 =	sor.u32 $0x380, s24  }
0xa6: {  	[tilespmem:s5+$0x10200] =	vst v17  }
0xa7: {  	v17 =	vld.idx.msk [tilespmem:v57+s26+$0x0], $0xffff  }
0xa8: {  	v58 =	vor.u32 v9, v16;
	_ =	sdelay $0x2  }
0xa9: {  	s23 =	sadd.s32 s21, s28  }
0xaa: {  	[tilespmem:s23+$0x0] =	vst v17  }
0xab: {  	v17 =	vld.idx.msk [tilespmem:v58+s26+$0x0], $0xffff  }
0xac: {  	v59 =	vor.u32 v10, v16;
	_ =	sdelay $0x2  }
0xad: {  	s24 =	sadd.s32 s21, s29  }
0xae: {  	[tilespmem:s24+$0x0] =	vst v17  }
0xaf: {  	v17 =	vld.idx.msk [tilespmem:v59+s26+$0x0], $0xffff  }
0xb0: {  	v60 =	vor.u32 v11, v16;
	_ =	sdelay $0x2  }
0xb1: {  	s25 =	sadd.s32 s21, s30  }
0xb2: {  	[tilespmem:s25+$0x0] =	vst v17  }
0xb3: {  	v17 =	vld.idx.msk [tilespmem:v60+s26+$0x0], $0xffff  }
0xb4: {  	v61 =	vor.u32 v12, v16;
	_ =	sdelay $0x2  }
0xb5: {  	s28 =	sadd.s32 s21, s31  }
0xb6: {  	[tilespmem:s28+$0x0] =	vst v17  }
0xb7: {  	v17 =	vld.idx.msk [tilespmem:v61+s26+$0x0], $0xffff  }
0xb8: {  	v62 =	vor.u32 v13, v16;
	_ =	sdelay $0x2  }
0xb9: {  	s0 =	sadd.s32 s21, s0  }
0xba: {  	[tilespmem:s0+$0x0] =	vst v17  }
0xbb: {  	v17 =	vld.idx.msk [tilespmem:v62+s26+$0x0], $0xffff  }
0xbc: {  	v63 =	vor.u32 v14, v16;
	_ =	sdelay $0x2  }
0xbd: {  	s29 =	sadd.s32 s21, s1  }
0xbe: {  	[tilespmem:s29+$0x0] =	vst v17  }
0xbf: {  	v17 =	vld.idx.msk [tilespmem:v63+s26+$0x0], $0xffff  }
0xc0: {  	v16 =	vor.u32 v15, v16;
	_ =	sdelay $0x2  }
0xc1: {  	s30 =	sadd.s32 s21, s3  }
0xc2: {  	s20 =	sadd.s32 $0x100, s20;
	[tilespmem:s30+$0x0] =	vst v17  }
0xc3: {  	p0 =	sne.s32 s20, $0x1000;
	v16 =	vld.idx.msk [tilespmem:v16+s26+$0x0], $0xffff  }
.Ltmp3:
0xc4: {  	_ = 	snop;
	(pc) =	sbr.rel @!p0 .LBB2_5-.Ltmp3, $3  }
0xc5: {  	_ =	sdelay $0x1  }
0xc6: {  	s31 =	sadd.s32 s21, s4  }
0xc7: {  	s19 =	sadd.s32 $0x1, s19;
	s18 =	sadd.s32 $0x20, s18;
	s17 =	sadd.s32 $0x20, s17;
	[tilespmem:s31+$0x0] =	vst v16  }
.LBB2_2:
0xc8: {  	s24 =	sand.u32 $0x60, s18  }
0xc9: {  	s0 =	sand.u32 $0x180, s18;
	s21 =	sor.u32 $0x10, s24  }
0xca: {  	s22 =	sor.u32 s21, s0  }
0xcb: {  	v16 =	vld [tilespmem:s22+$0x0];
	_ =	sdelay $0x4  }
0xcc: {  	(v2sf) =	vpush v16, $0x0  }
0xcd: {  	(v2sf) =	vpush v16, $0x1;
	_ =	sdelay $0x6  }
0xce: {  	(v2sf) =	vpush v16, $0x2  }
0xcf: {  	(v2sf) =	vpush v16, $0x3;
	_ =	sdelay $0x5  }
0xd0: {  	s23 =	spop (v2sf);
	(v2sf) =	vpush v16, $0x4  }
0xd1: {  	s25 =	spop (v2sf);
	(v2sf) =	vpush v16, $0x5  }
0xd2: {  	s0 =	sand.u32 $0xFFFFF80, s23  }
0xd3: {  	s0 =	sadd.s32 s2, s0  }
0xd4: {  	[tilespmem:s26], [sflag:$0x2] =	stream.strided.gather [hbm4b:s0+s8], $0x800, s9, s8, $0x38;
	[tilespmem:$0x12200] =	vst v63  }
0xd5: {  	s0 =	sand.u32 $0xFFFFF80, s25  }
0xd6: {  	s1 =	simm.s32 $0x8A00;
	s0 =	sadd.s32 s2, s0  }
0xd7: {  	(v2sf) =	vpush v16, $0x6;
	[tilespmem:s1], [sflag:$0x2] =	stream.strided.gather [hbm4b:s0+s8], $0x800, s9, s8, $0x38;
	[tilespmem:$0x12200] =	vst v63  }
0xd8: {  	s1 =	spop (v2sf)  }
0xd9: {  	s4 =	spop (v2sf);
	(v2sf) =	vpush v16, $0x7;
	_ =	sdelay $0x2  }
0xda: {  	s0 =	sand.u32 $0xFFFFF80, s1  }
0xdb: {  	s3 =	simm.s32 $0x9200;
	s0 =	sadd.s32 s2, s0  }
0xdc: {  	[tilespmem:s3], [sflag:$0x2] =	stream.strided.gather [hbm4b:s0+s8], $0x800, s9, s8, $0x38;
	[tilespmem:$0x12200] =	vst v63  }
0xdd: {  	s0 =	sand.u32 $0xFFFFF80, s4;
	s23 =	spop (v2sf);
	(v2sf) =	vpush v16, $0x8  }
0xde: {  	s5 =	simm.s32 $0x9A00;
	s0 =	sadd.s32 s2, s0;
	s1 =	spop (v2sf);
	(v2sf) =	vpush v16, $0x9  }
0xdf: {  	[tilespmem:s5], [sflag:$0x2] =	stream.strided.gather [hbm4b:s0+s8], $0x800, s9, s8, $0x38;
	[tilespmem:$0x12200] =	vst v63  }
0xe0: {  	s0 =	sand.u32 $0xFFFFF80, s23;
	(v2sf) =	vpush v16, $0xA  }
0xe1: {  	s25 =	simm.s32 $0xA200;
	s0 =	sadd.s32 s2, s0  }
0xe2: {  	[tilespmem:s25], [sflag:$0x2] =	stream.strided.gather [hbm4b:s0+s8], $0x800, s9, s8, $0x38;
	[tilespmem:$0x12200] =	vst v63  }
0xe3: {  	s0 =	sand.u32 $0xFFFFF80, s1  }
0xe4: {  	s3 =	simm.s32 $0xAA00;
	s4 =	spop (v2sf);
	s0 =	sadd.s32 s2, s0  }
0xe5: {  	(v2sf) =	vpush v16, $0xB;
	[tilespmem:s3], [sflag:$0x2] =	stream.strided.gather [hbm4b:s0+s8], $0x800, s9, s8, $0x38;
	[tilespmem:$0x12200] =	vst v63  }
0xe6: {  	s0 =	sand.u32 $0xFFFFF80, s4;
	s23 =	spop (v2sf);
	(v2sf) =	vpush v16, $0xC  }
0xe7: {  	s5 =	simm.s32 $0xB200;
	s0 =	sadd.s32 s2, s0  }
0xe8: {  	[tilespmem:s5], [sflag:$0x2] =	stream.strided.gather [hbm4b:s0+s8], $0x800, s9, s8, $0x38;
	[tilespmem:$0x12200] =	vst v63  }
0xe9: {  	s0 =	sand.u32 $0xFFFFF80, s23  }
0xea: {  	s25 =	simm.s32 $0xBA00;
	s0 =	sadd.s32 s2, s0  }
0xeb: {  	[tilespmem:s25], [sflag:$0x2] =	stream.strided.gather [hbm4b:s0+s8], $0x800, s9, s8, $0x38;
	[tilespmem:$0x12200] =	vst v63  }
0xec: {  	s1 =	spop (v2sf);
	(v2sf) =	vpush v16, $0xD  }
0xed: {  	s4 =	spop (v2sf);
	(v2sf) =	vpush v16, $0xE  }
0xee: {  	s0 =	sand.u32 $0xFFFFF80, s1  }
0xef: {  	s3 =	simm.s32 $0xC200;
	s0 =	sadd.s32 s2, s0;
	s23 =	spop (v2sf)  }
0xf0: {  	(v2sf) =	vpush v16, $0xF;
	[tilespmem:s3], [sflag:$0x2] =	stream.strided.gather [hbm4b:s0+s8], $0x800, s9, s8, $0x38;
	[tilespmem:$0x12200] =	vst v63  }
0xf1: {  	s0 =	sand.u32 $0xFFFFF80, s4  }
0xf2: {  	s5 =	simm.s32 $0xCA00;
	s0 =	sadd.s32 s2, s0  }
0xf3: {  	[tilespmem:s5], [sflag:$0x2] =	stream.strided.gather [hbm4b:s0+s8], $0x800, s9, s8, $0x38;
	[tilespmem:$0x12200] =	vst v63  }
0xf4: {  	s25 =	spop (v2sf);
	s0 =	sand.u32 $0xFFFFF80, s23  }
0xf5: {  	s1 =	sand.u32 $0xFFFFF80, s25;
	s0 =	sadd.s32 s2, s0;
	s3 =	spop (v2sf)  }
0xf6: {  	[tilespmem:s6], [sflag:$0x2] =	stream.strided.gather [hbm4b:s0+s8], $0x800, s9, s8, $0x38;
	[tilespmem:$0x12200] =	vst v63  }
0xf7: {  	s0 =	sadd.s32 s2, s1;
	s4 =	sand.u32 $0xFFFFF80, s3  }
0xf8: {  	[tilespmem:s7], [sflag:$0x2] =	stream.strided.gather [hbm4b:s0+s8], $0x800, s9, s8, $0x38;
	[tilespmem:$0x12200] =	vst v63  }
0xf9: {  	s0 =	sadd.s32 s2, s4  }
0xfa: {  	[tilespmem:s11], [sflag:$0x2] =	stream.strided.gather [hbm4b:s0+s8], $0x800, s9, s8, $0x38;
	[tilespmem:$0x12200] =	vst v63  }
0xfb: {  	s5 =	spop (v2sf)  }
0xfc: {  	s23 =	sand.u32 $0xFFFFF80, s5;
	s25 =	spop (v2sf)  }
0xfd: {  	s0 =	sadd.s32 s2, s23;
	s3 =	sand.u32 $0xFFFFF80, s25  }
0xfe: {  	[tilespmem:s12], [sflag:$0x2] =	stream.strided.gather [hbm4b:s0+s8], $0x800, s9, s8, $0x38;
	[tilespmem:$0x12200] =	vst v63  }
0xff: {  	s4 =	spop (v2sf);
	s0 =	sadd.s32 s2, s3  }
0x100: {  	[tilespmem:s13], [sflag:$0x2] =	stream.strided.gather [hbm4b:s0+s8], $0x800, s9, s8, $0x38;
	[tilespmem:$0x12200] =	vst v63  }
0x101: {  	s0 =	sand.u32 $0xFFFFF80, s4  }
0x102: {  	s0 =	sadd.s32 s2, s0  }
0x103: {  	[tilespmem:s14], [sflag:$0x2] =	stream.strided.gather [hbm4b:s0+s8], $0x800, s9, s8, $0x38;
	[tilespmem:$0x12200] =	vst v63  }
0x104: {  	_ =	swait.ge [sflag:s15], $0x800  }
0x105: {  	[sflag:s15] =	ssyncset.done $0x0  }
0x106: {  	[sflag:s15] =	ssyncadd.s32 $0xFFFFF800  }
0x107: {  	_ =	swait.ge [sflag:s15], $0x800  }
0x108: {  	[sflag:s15] =	ssyncset.done $0x0  }
0x109: {  	[sflag:s15] =	ssyncadd.s32 $0xFFFFF800  }
0x10a: {  	_ =	swait.ge [sflag:s15], $0x800  }
0x10b: {  	[sflag:s15] =	ssyncset.done $0x0  }
0x10c: {  	[sflag:s15] =	ssyncadd.s32 $0xFFFFF800  }
0x10d: {  	_ =	swait.ge [sflag:s15], $0x800  }
0x10e: {  	[sflag:s15] =	ssyncset.done $0x0  }
0x10f: {  	[sflag:s15] =	ssyncadd.s32 $0xFFFFF800  }
0x110: {  	_ =	swait.ge [sflag:s15], $0x800  }
0x111: {  	[sflag:s15] =	ssyncset.done $0x0  }
0x112: {  	[sflag:s15] =	ssyncadd.s32 $0xFFFFF800  }
0x113: {  	_ =	swait.ge [sflag:s15], $0x800  }
0x114: {  	[sflag:s15] =	ssyncset.done $0x0  }
0x115: {  	[sflag:s15] =	ssyncadd.s32 $0xFFFFF800  }
0x116: {  	_ =	swait.ge [sflag:s15], $0x800  }
0x117: {  	[sflag:s15] =	ssyncset.done $0x0  }
0x118: {  	[sflag:s15] =	ssyncadd.s32 $0xFFFFF800  }
0x119: {  	_ =	swait.ge [sflag:s15], $0x800  }
0x11a: {  	[sflag:s15] =	ssyncset.done $0x0  }
0x11b: {  	[sflag:s15] =	ssyncadd.s32 $0xFFFFF800  }
0x11c: {  	_ =	swait.ge [sflag:s15], $0x800  }
0x11d: {  	[sflag:s15] =	ssyncset.done $0x0  }
0x11e: {  	[sflag:s15] =	ssyncadd.s32 $0xFFFFF800  }
0x11f: {  	_ =	swait.ge [sflag:s15], $0x800  }
0x120: {  	[sflag:s15] =	ssyncset.done $0x0  }
0x121: {  	[sflag:s15] =	ssyncadd.s32 $0xFFFFF800  }
0x122: {  	_ =	swait.ge [sflag:s15], $0x800  }
0x123: {  	[sflag:s15] =	ssyncset.done $0x0  }
0x124: {  	[sflag:s15] =	ssyncadd.s32 $0xFFFFF800  }
0x125: {  	_ =	swait.ge [sflag:s15], $0x800  }
0x126: {  	[sflag:s15] =	ssyncset.done $0x0  }
0x127: {  	[sflag:s15] =	ssyncadd.s32 $0xFFFFF800  }
0x128: {  	_ =	swait.ge [sflag:s15], $0x800  }
0x129: {  	[sflag:s15] =	ssyncset.done $0x0  }
0x12a: {  	[sflag:s15] =	ssyncadd.s32 $0xFFFFF800  }
0x12b: {  	_ =	swait.ge [sflag:s15], $0x800  }
0x12c: {  	[sflag:s15] =	ssyncset.done $0x0  }
0x12d: {  	[sflag:s15] =	ssyncadd.s32 $0xFFFFF800  }
0x12e: {  	_ =	swait.ge [sflag:s15], $0x800  }
0x12f: {  	[sflag:s15] =	ssyncset.done $0x0  }
0x130: {  	[sflag:s15] =	ssyncadd.s32 $0xFFFFF800  }
0x131: {  	_ =	swait.ge [sflag:s15], $0x800  }
0x132: {  	[sflag:s15] =	ssyncset.done $0x0  }
0x133: {  	[sflag:s15] =	ssyncadd.s32 $0xFFFFF800  }
0x134: {  	v16 =	vld [tilespmem:s17+$0xFFFFFFE0];
	_ =	sdelay $0x4  }
0x135: {  	v16 =	vand.u32 $0x7F, v16  }
0x136: {  	v17 =	vor.u32 v0, v16;
	_ =	sdelay $0x4  }
0x137: {  	v17 =	vld.idx.msk [tilespmem:v17+s10+$0x0], $0xffff  }
0x138: {  	v18 =	vor.u32 v1, v16  }
0x139: {  	s4 =	sand.u32 $0xC00, s20  }
0x13a: {  	s23 =	sor.u32 $0x10200, s4  }
0x13b: {  	s5 =	sor.u32 s24, s23  }
0x13c: {  	[tilespmem:s5+$0x0] =	vst v17  }
0x13d: {  	v17 =	vld.idx.msk [tilespmem:v18+s10+$0x0], $0xffff  }
0x13e: {  	v51 =	vor.u32 v2, v16;
	_ =	sdelay $0x3  }
0x13f: {  	[tilespmem:s5+$0x80] =	vst v17  }
0x140: {  	v17 =	vld.idx.msk [tilespmem:v51+s10+$0x0], $0xffff  }
0x141: {  	v52 =	vor.u32 v3, v16;
	_ =	sdelay $0x3  }
0x142: {  	[tilespmem:s5+$0x100] =	vst v17  }
0x143: {  	v17 =	vld.idx.msk [tilespmem:v52+s10+$0x0], $0xffff  }
0x144: {  	v53 =	vor.u32 v4, v16;
	_ =	sdelay $0x3  }
0x145: {  	[tilespmem:s5+$0x180] =	vst v17  }
0x146: {  	v17 =	vld.idx.msk [tilespmem:v53+s10+$0x0], $0xffff  }
0x147: {  	v54 =	vor.u32 v5, v16;
	_ =	sdelay $0x3  }
0x148: {  	[tilespmem:s5+$0x200] =	vst v17  }
0x149: {  	v17 =	vld.idx.msk [tilespmem:v54+s10+$0x0], $0xffff  }
0x14a: {  	v55 =	vor.u32 v6, v16;
	_ =	sdelay $0x3  }
0x14b: {  	[tilespmem:s5+$0x280] =	vst v17  }
0x14c: {  	v17 =	vld.idx.msk [tilespmem:v55+s10+$0x0], $0xffff  }
0x14d: {  	s25 =	sshll.u32 s19, $0x5;
	v56 =	vor.u32 v7, v16  }
0x14e: {  	s0 =	sand.u32 $0x60, s25  }
0x14f: {  	s25 =	sadd.s32 s0, s20  }
0x150: {  	s0 =	sor.u32 $0x300, s25  }
0x151: {  	[tilespmem:s0+$0x10200] =	vst v17  }
0x152: {  	v17 =	vld.idx.msk [tilespmem:v56+s10+$0x0], $0xffff  }
0x153: {  	v57 =	vor.u32 v8, v16;
	_ =	sdelay $0x1  }
0x154: {  	s1 =	sor.u32 s20, s18  }
0x155: {  	s0 =	sor.u32 $0x380, s1  }
0x156: {  	[tilespmem:s0+$0x10200] =	vst v17  }
0x157: {  	v17 =	vld.idx.msk [tilespmem:v57+s10+$0x0], $0xffff  }
0x158: {  	v58 =	vor.u32 v9, v16;
	_ =	sdelay $0x1  }
0x159: {  	s28 =	sor.u32 $0x11200, s4  }
0x15a: {  	s3 =	sor.u32 s24, s28  }
0x15b: {  	[tilespmem:s3+$0x0] =	vst v17  }
0x15c: {  	v17 =	vld.idx.msk [tilespmem:v58+s10+$0x0], $0xffff  }
0x15d: {  	v59 =	vor.u32 v10, v16;
	_ =	sdelay $0x1  }
0x15e: {  	s29 =	sor.u32 $0x11280, s4  }
0x15f: {  	s5 =	sor.u32 s24, s29  }
0x160: {  	[tilespmem:s5+$0x0] =	vst v17  }
0x161: {  	v17 =	vld.idx.msk [tilespmem:v59+s10+$0x0], $0xffff  }
0x162: {  	v60 =	vor.u32 v11, v16;
	_ =	sdelay $0x1  }
0x163: {  	s30 =	sor.u32 $0x11300, s4  }
0x164: {  	s1 =	sor.u32 s24, s30  }
0x165: {  	[tilespmem:s1+$0x0] =	vst v17  }
0x166: {  	v17 =	vld.idx.msk [tilespmem:v60+s10+$0x0], $0xffff  }
0x167: {  	v61 =	vor.u32 v12, v16;
	_ =	sdelay $0x1  }
0x168: {  	s31 =	sor.u32 $0x11380, s4  }
0x169: {  	s3 =	sor.u32 s24, s31  }
0x16a: {  	[tilespmem:s3+$0x0] =	vst v17  }
0x16b: {  	v17 =	vld.idx.msk [tilespmem:v61+s10+$0x0], $0xffff  }
0x16c: {  	v62 =	vor.u32 v13, v16;
	_ =	sdelay $0x1  }
0x16d: {  	s0 =	sadd.s32 $0x11400, s4  }
0x16e: {  	s5 =	sor.u32 s24, s0  }
0x16f: {  	[tilespmem:s5+$0x0] =	vst v17  }
0x170: {  	v17 =	vld.idx.msk [tilespmem:v62+s10+$0x0], $0xffff  }
0x171: {  	v63 =	vor.u32 v14, v16;
	_ =	sdelay $0x1  }
0x172: {  	s1 =	sadd.s32 $0x11480, s4  }
0x173: {  	s3 =	sor.u32 s24, s1  }
0x174: {  	[tilespmem:s3+$0x0] =	vst v17  }
0x175: {  	v17 =	vld.idx.msk [tilespmem:v63+s10+$0x0], $0xffff  }
0x176: {  	v16 =	vor.u32 v15, v16;
	_ =	sdelay $0x1  }
0x177: {  	s3 =	sadd.s32 $0x11500, s4  }
0x178: {  	s5 =	sor.u32 s24, s3  }
0x179: {  	[tilespmem:s5+$0x0] =	vst v17  }
0x17a: {  	p0 =	seq.s32 s20, $0xF00;
	v16 =	vld.idx.msk [tilespmem:v16+s10+$0x0], $0xffff  }
.Ltmp4:
0x17b: {  	_ = 	snop;
	(pc) =	sbr.rel @p0 .LBB2_4-.Ltmp4, $4  }
0x17c: {  	_ = 	snop  }
0x17d: {  	s4 =	sadd.s32 $0x11580, s4  }
0x17e: {  	s24 =	sor.u32 s24, s4  }
0x17f: {  	[tilespmem:s24+$0x0] =	vst v16  }
0x180: {  	v16 =	vld [tilespmem:s17+$0x0];
	_ =	sdelay $0x4  }
0x181: {  	(v2sf) =	vpush v16, $0x0;
	_ =	sdelay $0x1  }
0x182: {  	(v2sf) =	vpush v16, $0x1;
	_ =	sdelay $0x4  }
0x183: {  	(v2sf) =	vpush v16, $0x2;
	_ =	sdelay $0x3  }
0x184: {  	(v2sf) =	vpush v16, $0x3;
	_ =	sdelay $0x3  }
0x185: {  	s5 =	spop (v2sf);
	(v2sf) =	vpush v16, $0x4  }
0x186: {  	s5 =	sand.u32 $0xFFFFF80, s5  }
0x187: {  	s24 =	spop (v2sf);
	s5 =	sadd.s32 s2, s5  }
0x188: {  	[tilespmem:s10], [sflag:$0x1] =	stream.strided.gather [hbm4b:s5+s8], $0x800, s9, s8, $0x38;
	[tilespmem:$0x12200] =	vst v63  }
0x189: {  	(v2sf) =	vpush v16, $0x5;
	s5 =	sand.u32 $0xFFFFF80, s24  }
0x18a: {  	s24 =	simm.s32 $0xA00;
	s5 =	sadd.s32 s2, s5  }
0x18b: {  	[tilespmem:s24], [sflag:$0x1] =	stream.strided.gather [hbm4b:s5+s8], $0x800, s9, s8, $0x38;
	[tilespmem:$0x12200] =	vst v63  }
0x18c: {  	s24 =	spop (v2sf)  }
0x18d: {  	(v2sf) =	vpush v16, $0x6;
	s5 =	sand.u32 $0xFFFFF80, s24  }
0x18e: {  	s24 =	simm.s32 $0x1200;
	s5 =	sadd.s32 s2, s5  }
0x18f: {  	[tilespmem:s24], [sflag:$0x1] =	stream.strided.gather [hbm4b:s5+s8], $0x800, s9, s8, $0x38;
	[tilespmem:$0x12200] =	vst v63  }
0x190: {  	s24 =	spop (v2sf)  }
0x191: {  	(v2sf) =	vpush v16, $0x7;
	s5 =	sand.u32 $0xFFFFF80, s24  }
0x192: {  	s24 =	simm.s32 $0x1A00;
	s5 =	sadd.s32 s2, s5  }
0x193: {  	[tilespmem:s24], [sflag:$0x1] =	stream.strided.gather [hbm4b:s5+s8], $0x800, s9, s8, $0x38;
	[tilespmem:$0x12200] =	vst v63  }
0x194: {  	s24 =	spop (v2sf)  }
0x195: {  	(v2sf) =	vpush v16, $0x8;
	s5 =	sand.u32 $0xFFFFF80, s24  }
0x196: {  	s24 =	simm.s32 $0x2200;
	s5 =	sadd.s32 s2, s5  }
0x197: {  	[tilespmem:s24], [sflag:$0x1] =	stream.strided.gather [hbm4b:s5+s8], $0x800, s9, s8, $0x38;
	[tilespmem:$0x12200] =	vst v63  }
0x198: {  	s24 =	spop (v2sf)  }
0x199: {  	(v2sf) =	vpush v16, $0x9;
	s5 =	sand.u32 $0xFFFFF80, s24  }
0x19a: {  	s24 =	simm.s32 $0x2A00;
	s5 =	sadd.s32 s2, s5  }
0x19b: {  	[tilespmem:s24], [sflag:$0x1] =	stream.strided.gather [hbm4b:s5+s8], $0x800, s9, s8, $0x38;
	[tilespmem:$0x12200] =	vst v63  }
0x19c: {  	s24 =	spop (v2sf)  }
0x19d: {  	(v2sf) =	vpush v16, $0xA;
	s5 =	sand.u32 $0xFFFFF80, s24  }
0x19e: {  	s24 =	simm.s32 $0x3200;
	s5 =	sadd.s32 s2, s5  }
0x19f: {  	[tilespmem:s24], [sflag:$0x1] =	stream.strided.gather [hbm4b:s5+s8], $0x800, s9, s8, $0x38;
	[tilespmem:$0x12200] =	vst v63  }
0x1a0: {  	s24 =	spop (v2sf)  }
0x1a1: {  	(v2sf) =	vpush v16, $0xB;
	s5 =	sand.u32 $0xFFFFF80, s24  }
0x1a2: {  	s24 =	simm.s32 $0x3A00;
	s5 =	sadd.s32 s2, s5  }
0x1a3: {  	[tilespmem:s24], [sflag:$0x1] =	stream.strided.gather [hbm4b:s5+s8], $0x800, s9, s8, $0x38;
	[tilespmem:$0x12200] =	vst v63  }
0x1a4: {  	s24 =	spop (v2sf)  }
0x1a5: {  	(v2sf) =	vpush v16, $0xC;
	s5 =	sand.u32 $0xFFFFF80, s24  }
0x1a6: {  	s24 =	simm.s32 $0x4200;
	s5 =	sadd.s32 s2, s5  }
0x1a7: {  	[tilespmem:s24], [sflag:$0x1] =	stream.strided.gather [hbm4b:s5+s8], $0x800, s9, s8, $0x38;
	[tilespmem:$0x12200] =	vst v63  }
0x1a8: {  	s24 =	spop (v2sf)  }
0x1a9: {  	(v2sf) =	vpush v16, $0xD;
	s5 =	sand.u32 $0xFFFFF80, s24  }
0x1aa: {  	s24 =	simm.s32 $0x4A00;
	s5 =	sadd.s32 s2, s5  }
0x1ab: {  	[tilespmem:s24], [sflag:$0x1] =	stream.strided.gather [hbm4b:s5+s8], $0x800, s9, s8, $0x38;
	[tilespmem:$0x12200] =	vst v63  }
0x1ac: {  	s24 =	spop (v2sf)  }
0x1ad: {  	(v2sf) =	vpush v16, $0xE;
	s5 =	sand.u32 $0xFFFFF80, s24  }
0x1ae: {  	s24 =	simm.s32 $0x5200;
	s5 =	sadd.s32 s2, s5  }
0x1af: {  	[tilespmem:s24], [sflag:$0x1] =	stream.strided.gather [hbm4b:s5+s8], $0x800, s9, s8, $0x38;
	[tilespmem:$0x12200] =	vst v63  }
0x1b0: {  	s24 =	spop (v2sf)  }
0x1b1: {  	s5 =	sand.u32 $0xFFFFF80, s24  }
0x1b2: {  	(v2sf) =	vpush v16, $0xF;
	s24 =	simm.s32 $0x5A00;
	s5 =	sadd.s32 s2, s5  }
0x1b3: {  	[tilespmem:s24], [sflag:$0x1] =	stream.strided.gather [hbm4b:s5+s8], $0x800, s9, s8, $0x38;
	[tilespmem:$0x12200] =	vst v63  }
0x1b4: {  	s24 =	spop (v2sf)  }
0x1b5: {  	s5 =	sand.u32 $0xFFFFF80, s24  }
0x1b6: {  	s24 =	simm.s32 $0x6200;
	s5 =	sadd.s32 s2, s5  }
0x1b7: {  	[tilespmem:s24], [sflag:$0x1] =	stream.strided.gather [hbm4b:s5+s8], $0x800, s9, s8, $0x38;
	[tilespmem:$0x12200] =	vst v63  }
0x1b8: {  	s24 =	spop (v2sf)  }
0x1b9: {  	s5 =	sand.u32 $0xFFFFF80, s24  }
0x1ba: {  	s24 =	simm.s32 $0x6A00;
	s5 =	sadd.s32 s2, s5  }
0x1bb: {  	[tilespmem:s24], [sflag:$0x1] =	stream.strided.gather [hbm4b:s5+s8], $0x800, s9, s8, $0x38;
	[tilespmem:$0x12200] =	vst v63  }
0x1bc: {  	s24 =	spop (v2sf)  }
0x1bd: {  	s5 =	sand.u32 $0xFFFFF80, s24  }
0x1be: {  	s24 =	simm.s32 $0x7200;
	s5 =	sadd.s32 s2, s5  }
0x1bf: {  	[tilespmem:s24], [sflag:$0x1] =	stream.strided.gather [hbm4b:s5+s8], $0x800, s9, s8, $0x38;
	[tilespmem:$0x12200] =	vst v63  }
.Ltmp5:
0x1c0: {  	_ = 	snop;
	(pc) =	sbr.rel .LBB2_4-.Ltmp5, $4  }
0x1c1: {  	s24 =	spop (v2sf)  }
0x1c2: {  	s5 =	sand.u32 $0xFFFFF80, s24  }
0x1c3: {  	s24 =	simm.s32 $0x7A00;
	s5 =	sadd.s32 s2, s5  }
0x1c4: {  	[tilespmem:s24], [sflag:$0x1] =	stream.strided.gather [hbm4b:s5+s8], $0x800, s9, s8, $0x38;
	[tilespmem:$0x12200] =	vst v63  }
.LBB2_6:
0x1c5: {  	_ =	sfence.sel $0x180000  }
0x1c6: {  	[bflag:$0x0] =	sbarrier.arrive $0xFFFF  }
0x1c7: {  	_ =	strace $0x90000047  }
0x1c8: {  	s0 =	stileid.u32;
	[bflag:$0x2] =	sbarrier.arrive $0xFFFF  }
0x1c9: {  	p0 =	sne.s32 s0, $0x0;
	s0 =	rddreg [dreg:$0x3]  }
0x1ca: {  	s0 =	sadd.s32 @!p0 $0x100000, s0  }
0x1cb: {  	[sflag:s0] =	ssyncadd.tile.s32 @!p0 $0x1;
	_ =	shalt  }
.Lfunc_end2:
_tile_overlayer_lowered:
.L_overlay_start_2:
0x1cc: {  	(tag) =	ssettag $0x2  }
0x1cd: {  	s0 =	rddreg [dreg:$0x0];
	s2 =	stileid.u32  }
0x1ce: {  	s1 =	rddreg [dreg:$0x1];
	p0 =	sne.s32 s2, $0x0  }
0x1cf: {  	s3 =	rddreg [dreg:$0x2];
	[bflag:$0x3] =	sbarrier.arrive $0xFFFF;
	s2 =	simm.s32 @!p0 $0x1C03  }
0x1d0: {  	[timem:s3], [sflag:s2] =	dma.local @!p0 [hbm:s0], s1  }
0x1d1: {  	s0 =	simm.s32 @!p0 $0x3  }
0x1d2: {  	_ =	swait.ge @!p0 [sflag:s0], s1  }
0x1d3: {  	s1 =	ssub.s32 @!p0 $0x0, s1;
	[sflag:s0] =	ssyncset.done @!p0 $0x0  }
0x1d4: {  	[sflag:s0] =	ssyncadd.s32 @!p0 s1  }
0x1d5: {  	[bflag:$0x3] =	sbarrier.arrive $0xFFFF  }
0x1d6: {  	_ =	shalt  }

</sc_bundles>
